<compile_context>
chip_gen: v7x
topology: tpu7x:2x2x1
jax: 0.10.2.dev20260603
libtpu: 0.0.44.dev20260713+nightly
codegen_flags: <defaults>
</compile_context>

<pallas_src>
import functools

import jax
import jax.numpy as jnp
from jax import lax
from jax.experimental import pallas as pl
from jax.experimental.pallas import tpu as pltpu
from jax.experimental.pallas import tpu_sc as plsc

N = 10000
E = 320000
D = 128
DE = 16
H = 4
C = 32
HC = H * C
DEN = 16

NC = 2
NS = 16
NW = NC * NS
EPW = E // NW
NP = 10240
RPT = NP // NS
ZR = 16

KG = 40
GG = 5
EG = GG * KG
NBG = EPW // (2 * EG)
IRWG = E // KG // NW

KS = 80
NCH = EPW // KS
PAIRS = NCH // 2

RB = 2000
EB = 4000


def _proj_body(x_ref, wl_ref, bl_ref, wr_ref, br_ref, xl_ref, xr_ref):
    x = x_ref[...]
    xl_ref[...] = jnp.dot(x, wl_ref[...], preferred_element_type=jnp.float32) + bl_ref[...]
    xr_ref[...] = jnp.dot(x, wr_ref[...], preferred_element_type=jnp.float32) + br_ref[...]


def _proj(x, W_l, bl, W_r, br):
    grid = (N // RB,)
    return pl.pallas_call(
        _proj_body,
        grid=grid,
        in_specs=[
            pl.BlockSpec((RB, D), lambda i: (i, 0)),
            pl.BlockSpec((D, HC), lambda i: (0, 0)),
            pl.BlockSpec((1, HC), lambda i: (0, 0)),
            pl.BlockSpec((D, HC), lambda i: (0, 0)),
            pl.BlockSpec((1, HC), lambda i: (0, 0)),
        ],
        out_specs=[
            pl.BlockSpec((RB, HC), lambda i: (i, 0)),
            pl.BlockSpec((RB, HC), lambda i: (i, 0)),
        ],
        out_shape=[
            jax.ShapeDtypeStruct((N, HC), jnp.float32),
            jax.ShapeDtypeStruct((N, HC), jnp.float32),
        ],
    )(x, W_l, bl, W_r, br)


_sc_mesh = plsc.VectorSubcoreMesh(
    core_axis_name="c", subcore_axis_name="s", num_cores=NC, num_subcores=NS)


@functools.partial(
    pl.kernel,
    out_type=[
        jax.ShapeDtypeStruct((E, HC), jnp.float32),
        jax.ShapeDtypeStruct((E, HC), jnp.float32),
    ],
    mesh=_sc_mesh,
    scratch_types=[
        pltpu.VMEM((IRWG, KG), jnp.int32),
        pltpu.VMEM((IRWG, KG), jnp.int32),
        pltpu.VMEM((EG, HC), jnp.float32),
        pltpu.VMEM((EG, HC), jnp.float32),
        pltpu.VMEM((EG, HC), jnp.float32),
        pltpu.VMEM((EG, HC), jnp.float32),
        pltpu.SemaphoreType.DMA,
        pltpu.SemaphoreType.DMA,
        pltpu.SemaphoreType.DMA,
    ],
    compiler_params=pltpu.CompilerParams(use_tc_tiling_on_sc=False),
)
def _sc_gather(xl_hbm, xr_hbm, src2_hbm, dst2_hbm, xlg_out, xrg_out,
               sidx, didx, xlb0, xrb0, xlb1, xrb1, semA, semB, semW):
    c = lax.axis_index("c")
    s = lax.axis_index("s")
    wid = s * NC + c
    base_row = wid * IRWG
    edge0 = wid * EPW
    pltpu.sync_copy(src2_hbm.at[pl.ds(base_row, IRWG)], sidx)
    pltpu.sync_copy(dst2_hbm.at[pl.ds(base_row, IRWG)], didx)

    def _fire(row, xlb, xrb, sem):
        hs = []
        for g in range(GG):
            hs.append(pltpu.async_copy(
                xl_hbm.at[sidx.at[row + g]], xlb.at[pl.ds(g * KG, KG)], sem))
            hs.append(pltpu.async_copy(
                xr_hbm.at[didx.at[row + g]], xrb.at[pl.ds(g * KG, KG)], sem))
        return hs

    def body(t, _):
        rowa = 2 * t * GG
        e0a = edge0 + 2 * t * EG
        hsA = _fire(rowa, xlb0, xrb0, semA)
        for h in hsA:
            h.wait()
        hw0 = pltpu.async_copy(xlb0, xlg_out.at[pl.ds(e0a, EG)], semW)
        hw1 = pltpu.async_copy(xrb0, xrg_out.at[pl.ds(e0a, EG)], semW)
        hsB = _fire(rowa + GG, xlb1, xrb1, semB)
        for h in hsB:
            h.wait()
        hw0.wait()
        hw1.wait()
        pltpu.sync_copy(xlb1, xlg_out.at[pl.ds(e0a + EG, EG)])
        pltpu.sync_copy(xrb1, xrg_out.at[pl.ds(e0a + EG, EG)])
        return 0

    lax.fori_loop(0, NBG, body, 0)


def _edge_w_body(ea_ref, xlg_ref, xrg_ref, we_ref, be_ref, attf_ref,
                 w_ref, den_ref, cs_ref):
    i = pl.program_id(0)
    ea = ea_ref[...]
    e = jnp.dot(ea, we_ref[...], preferred_element_type=jnp.float32) + be_ref[...]
    xlg = xlg_ref[...]
    m = xlg + xrg_ref[...] + e
    ga = jnp.where(m > 0.0, m, 0.2 * m) * attf_ref[...]
    hsel = (lax.broadcasted_iota(jnp.int32, (HC, H), 0) // C
            == lax.broadcasted_iota(jnp.int32, (HC, H), 1)).astype(jnp.float32)
    logits = jnp.dot(ga, hsel, preferred_element_type=jnp.float32)
    ex = jnp.exp(logits)
    exb = jnp.dot(ex, hsel.T, preferred_element_type=jnp.float32)
    w_ref[...] = xlg * exb
    dmap = (lax.broadcasted_iota(jnp.int32, (H, DEN), 1)
            == 4 * lax.broadcasted_iota(jnp.int32, (H, DEN), 0)).astype(jnp.float32)
    den_ref[...] = jnp.dot(ex, dmap, preferred_element_type=jnp.float32)

    @pl.when(i == 0)
    def _():
        cs_ref[...] = jnp.zeros_like(cs_ref)

    cs_ref[...] += jnp.sum(ea, axis=0, keepdims=True)


def _edge_w(ea, xlg, xrg, W_e, be, attf):
    grid = (E // EB,)
    return pl.pallas_call(
        _edge_w_body,
        grid=grid,
        in_specs=[
            pl.BlockSpec((EB, DE), lambda i: (i, 0)),
            pl.BlockSpec((EB, HC), lambda i: (i, 0)),
            pl.BlockSpec((EB, HC), lambda i: (i, 0)),
            pl.BlockSpec((DE, HC), lambda i: (0, 0)),
            pl.BlockSpec((1, HC), lambda i: (0, 0)),
            pl.BlockSpec((1, HC), lambda i: (0, 0)),
        ],
        out_specs=[
            pl.BlockSpec((EB, HC), lambda i: (i, 0)),
            pl.BlockSpec((EB, DEN), lambda i: (i, 0)),
            pl.BlockSpec((1, DE), lambda i: (0, 0)),
        ],
        out_shape=[
            jax.ShapeDtypeStruct((E, HC), jnp.float32),
            jax.ShapeDtypeStruct((E, DEN), jnp.float32),
            jax.ShapeDtypeStruct((1, DE), jnp.float32),
        ],
    )(ea, xlg, xrg, W_e, be, attf)


@functools.partial(
    pl.kernel,
    out_type=[
        jax.ShapeDtypeStruct((NC, NP, HC), jnp.float32),
        jax.ShapeDtypeStruct((NC, NP, DEN), jnp.float32),
    ],
    mesh=_sc_mesh,
    scratch_types=[
        pltpu.VMEM((NCH, KS), jnp.int32),
        pltpu.VMEM((2 * KS, HC), jnp.float32),
        pltpu.VMEM((2 * KS, DEN), jnp.float32),
        pltpu.VMEM((ZR, HC), jnp.float32),
        pltpu.VMEM((ZR, DEN), jnp.float32),
        pltpu.VMEM_SHARED((NP, HC), jnp.float32),
        pltpu.VMEM_SHARED((NP, DEN), jnp.float32),
        pltpu.SemaphoreType.DMA,
        pltpu.SemaphoreType.DMA,
        pltpu.SemaphoreType.DMA,
    ],
    compiler_params=pltpu.CompilerParams(use_tc_tiling_on_sc=False),
)
def _sc_scatter(w_hbm, den_hbm, dst2_hbm, acc_out, den_out,
                didx, wbuf, dbuf, zrow_v, zden_v, acc_sh, den_sh,
                sem0, sem1, semS):
    c = lax.axis_index("c")
    s = lax.axis_index("s")
    wid = s * NC + c
    zeros16 = jnp.zeros((16,), jnp.float32)

    def zrow_body(i, _):
        for v in range(HC // 16):
            zrow_v[i, pl.ds(v * 16, 16)] = zeros16
        return 0

    lax.fori_loop(0, ZR, zrow_body, 0)

    def zden_body(i, _):
        zden_v[i, :] = zeros16
        return 0

    lax.fori_loop(0, ZR, zden_body, 0)

    row0 = s * RPT

    def zinit_body(t, _):
        pltpu.sync_copy(zrow_v, acc_sh.at[pl.ds(row0 + t * ZR, ZR), :])
        pltpu.sync_copy(zden_v, den_sh.at[pl.ds(row0 + t * ZR, ZR), :])
        return 0

    lax.fori_loop(0, RPT // ZR, zinit_body, 0)
    plsc.subcore_barrier()

    base_row = wid * NCH
    edge0 = wid * EPW
    pltpu.sync_copy(dst2_hbm.at[pl.ds(base_row, NCH)], didx)

    def body(t, _):
        row = t * 2
        e0 = edge0 + t * 2 * KS
        h0 = pltpu.async_copy(w_hbm.at[pl.ds(e0, KS)], wbuf.at[pl.ds(0, KS)], sem0)
        h1 = pltpu.async_copy(den_hbm.at[pl.ds(e0, KS)], dbuf.at[pl.ds(0, KS)], sem0)
        h2 = pltpu.async_copy(w_hbm.at[pl.ds(e0 + KS, KS)], wbuf.at[pl.ds(KS, KS)], sem1)
        h3 = pltpu.async_copy(den_hbm.at[pl.ds(e0 + KS, KS)], dbuf.at[pl.ds(KS, KS)], sem1)
        h0.wait()
        h1.wait()
        s0 = pltpu.async_copy(wbuf.at[pl.ds(0, KS)], acc_sh.at[didx.at[row]], semS, add=True)
        s1 = pltpu.async_copy(dbuf.at[pl.ds(0, KS)], den_sh.at[didx.at[row]], semS, add=True)
        h2.wait()
        h3.wait()
        s2 = pltpu.async_copy(wbuf.at[pl.ds(KS, KS)], acc_sh.at[didx.at[row + 1]], semS, add=True)
        s3 = pltpu.async_copy(dbuf.at[pl.ds(KS, KS)], den_sh.at[didx.at[row + 1]], semS, add=True)
        s0.wait()
        s1.wait()
        s2.wait()
        s3.wait()
        return 0

    lax.fori_loop(0, PAIRS, body, 0)

    e0 = edge0 + (NCH - 1) * KS
    pltpu.sync_copy(w_hbm.at[pl.ds(e0, KS)], wbuf.at[pl.ds(0, KS)])
    pltpu.sync_copy(den_hbm.at[pl.ds(e0, KS)], dbuf.at[pl.ds(0, KS)])
    pltpu.sync_copy(wbuf.at[pl.ds(0, KS)], acc_sh.at[didx.at[NCH - 1]], add=True)
    pltpu.sync_copy(dbuf.at[pl.ds(0, KS)], den_sh.at[didx.at[NCH - 1]], add=True)

    plsc.subcore_barrier()
    pltpu.sync_copy(acc_sh.at[pl.ds(row0, RPT), :], acc_out.at[c, pl.ds(row0, RPT), :])
    pltpu.sync_copy(den_sh.at[pl.ds(row0, RPT), :], den_out.at[c, pl.ds(row0, RPT), :])


def _merge_body(xl_ref, xr_ref, acc_ref, den_ref, cs_ref, we_ref, be_ref,
                attf_ref, bias_ref, out_ref, st_ref):
    i = pl.program_id(0)
    hsel = (lax.broadcasted_iota(jnp.int32, (HC, H), 0) // C
            == lax.broadcasted_iota(jnp.int32, (HC, H), 1)).astype(jnp.float32)
    eloop = jnp.dot(cs_ref[...] * (1.0 / E), we_ref[...],
                    preferred_element_type=jnp.float32) + be_ref[...]
    xl = xl_ref[...]
    m = xl + xr_ref[...] + eloop
    ga = jnp.where(m > 0.0, m, 0.2 * m) * attf_ref[...]
    logits = jnp.dot(ga, hsel, preferred_element_type=jnp.float32)
    ex = jnp.exp(logits)
    exb = jnp.dot(ex, hsel.T, preferred_element_type=jnp.float32)
    num = acc_ref[0] + acc_ref[1] + exb * xl
    dsel = (lax.broadcasted_iota(jnp.int32, (DEN, H), 0)
            == 4 * lax.broadcasted_iota(jnp.int32, (DEN, H), 1)).astype(jnp.float32)
    den4 = jnp.dot(den_ref[0] + den_ref[1], dsel,
                   preferred_element_type=jnp.float32) + ex
    denb = jnp.dot(den4, hsel.T, preferred_element_type=jnp.float32)
    out = num / (denb + 1e-16) + bias_ref[...]
    out_ref[...] = out

    @pl.when(i == 0)
    def _():
        st_ref[...] = jnp.zeros_like(st_ref)

    st_ref[0:1, :] += jnp.sum(out, axis=0, keepdims=True)
    st_ref[1:2, :] += jnp.sum(out * out, axis=0, keepdims=True)


def _merge(xl, xr, acc, den, cs, W_e, be, attf, bias):
    grid = (N // RB,)
    return pl.pallas_call(
        _merge_body,
        grid=grid,
        in_specs=[
            pl.BlockSpec((RB, HC), lambda i: (i, 0)),
            pl.BlockSpec((RB, HC), lambda i: (i, 0)),
            pl.BlockSpec((NC, RB, HC), lambda i: (0, i, 0)),
            pl.BlockSpec((NC, RB, DEN), lambda i: (0, i, 0)),
            pl.BlockSpec((1, DE), lambda i: (0, 0)),
            pl.BlockSpec((DE, HC), lambda i: (0, 0)),
            pl.BlockSpec((1, HC), lambda i: (0, 0)),
            pl.BlockSpec((1, HC), lambda i: (0, 0)),
            pl.BlockSpec((1, HC), lambda i: (0, 0)),
        ],
        out_specs=[
            pl.BlockSpec((RB, HC), lambda i: (i, 0)),
            pl.BlockSpec((2, HC), lambda i: (0, 0)),
        ],
        out_shape=[
            jax.ShapeDtypeStruct((N, HC), jnp.float32),
            jax.ShapeDtypeStruct((2, HC), jnp.float32),
        ],
    )(xl, xr, acc, den, cs, W_e, be, attf, bias)


def _norm_body(op_ref, st_ref, gw_ref, gb_ref, gm_ref, o_ref):
    mean = st_ref[0:1, :] * (1.0 / N)
    msq = st_ref[1:2, :] * (1.0 / N)
    gm = gm_ref[...]
    var = msq - gm * mean * mean * (2.0 - gm)
    inv = lax.rsqrt(var + 1e-5)
    o = gw_ref[...] * (op_ref[...] - gm * mean) * inv + gb_ref[...]
    o_ref[...] = jnp.maximum(o, 0.0)


def _norm(out_pre, st, gw, gb, gm):
    grid = (N // RB,)
    return pl.pallas_call(
        _norm_body,
        grid=grid,
        in_specs=[
            pl.BlockSpec((RB, HC), lambda i: (i, 0)),
            pl.BlockSpec((2, HC), lambda i: (0, 0)),
            pl.BlockSpec((1, HC), lambda i: (0, 0)),
            pl.BlockSpec((1, HC), lambda i: (0, 0)),
            pl.BlockSpec((1, HC), lambda i: (0, 0)),
        ],
        out_specs=pl.BlockSpec((RB, HC), lambda i: (i, 0)),
        out_shape=jax.ShapeDtypeStruct((N, HC), jnp.float32),
    )(out_pre, st, gw, gb, gm)


def kernel(x, edge_index, edge_attr, W_l, b_l, W_r, b_r, W_e, b_e, att,
           bias_out, gn_weight, gn_bias, gn_mean_scale):
    src = edge_index[0]
    dst = edge_index[1]
    bl = b_l.reshape(1, HC)
    br = b_r.reshape(1, HC)
    be = b_e.reshape(1, HC)
    attf = att.reshape(1, HC)
    bias = bias_out.reshape(1, HC)
    gw = gn_weight.reshape(1, HC)
    gb = gn_bias.reshape(1, HC)
    gm = gn_mean_scale.reshape(1, HC)

    xl, xr = _proj(x, W_l, bl, W_r, br)
    xlg, xrg = _sc_gather(xl, xr, src.reshape(E // KG, KG),
                          dst.reshape(E // KG, KG))
    w, den_e, cs = _edge_w(edge_attr, xlg, xrg, W_e, be, attf)
    acc, den = _sc_scatter(w, den_e, dst.reshape(E // KS, KS))

    out_pre, st = _merge(xl, xr, acc, den, cs, W_e, be, attf, bias)
    return _norm(out_pre, st, gw, gb, gm)

# --- scband reference (transcript-rebuilt; emitter-appended) ---
"""Pipeline reference for scband-scalable-graph-sagelayer-88373247082992 (READ-ONLY COPY).

The authoritative reference and input builder live on the scoring server;
editing this copy changes nothing except your own understanding.
"""

import jax, jax.numpy as jnp
import numpy as np

N = 10000
E = 320000
D = 128
DE = 16
H = 4
C = 32  # out_dim // heads


def setup_inputs(seed: int = 0) -> dict:
    key = jax.random.key(seed)
    ks = jax.random.split(key, 16)
    x = jax.random.normal(ks[0], (N, D), dtype=jnp.float32)
    edge_index = jax.random.randint(ks[1], (2, E), 0, N, dtype=jnp.int32)
    edge_attr = jax.random.normal(ks[2], (E, DE), dtype=jnp.float32)
    # GATv2Conv parameters (lin_l, lin_r, lin_edge, att, out bias)
    W_l = jax.random.normal(ks[3], (D, H * C), dtype=jnp.float32) * 0.05
    b_l = jnp.zeros((H * C,), dtype=jnp.float32)
    W_r = jax.random.normal(ks[4], (D, H * C), dtype=jnp.float32) * 0.05
    b_r = jnp.zeros((H * C,), dtype=jnp.float32)
    W_e = jax.random.normal(ks[5], (DE, H * C), dtype=jnp.float32) * 0.05
    b_e = jnp.zeros((H * C,), dtype=jnp.float32)
    att = jax.random.normal(ks[6], (H, C), dtype=jnp.float32) * 0.05
    bias_out = jnp.zeros((H * C,), dtype=jnp.float32)
    # GraphNorm parameters
    gn_weight = jnp.ones((H * C,), dtype=jnp.float32)
    gn_bias = jnp.zeros((H * C,), dtype=jnp.float32)
    gn_mean_scale = jnp.ones((H * C,), dtype=jnp.float32)
    return {"x": x, "edge_index": edge_index, "edge_attr": edge_attr,
            "W_l": W_l, "b_l": b_l, "W_r": W_r, "b_r": b_r,
            "W_e": W_e, "b_e": b_e, "att": att, "bias_out": bias_out,
            "gn_weight": gn_weight, "gn_bias": gn_bias, "gn_mean_scale": gn_mean_scale}


def reference(x, edge_index, edge_attr, W_l, b_l, W_r, b_r, W_e, b_e, att,
              bias_out, gn_weight, gn_bias, gn_mean_scale):
    n = x.shape[0]
    # add self loops (fill_value='mean' for self-loop edge_attr, PyG default)
    loops = jnp.arange(n, dtype=edge_index.dtype)
    src = jnp.concatenate([edge_index[0], loops])
    dst = jnp.concatenate([edge_index[1], loops])
    loop_attr = jnp.broadcast_to(edge_attr.mean(axis=0, keepdims=True), (n, edge_attr.shape[1]))
    ea = jnp.concatenate([edge_attr, loop_attr], axis=0)
    # GATv2 linear projections
    x_l = (x @ W_l + b_l).reshape(n, H, C)
    x_r = (x @ W_r + b_r).reshape(n, H, C)
    e = (ea @ W_e + b_e).reshape(-1, H, C)
    # GATv2 attention: leaky_relu AFTER summing, then inner product with att
    msg = x_l[src] + x_r[dst] + e
    g = jax.nn.leaky_relu(msg, negative_slope=0.2)
    logits = (g * att[None, :, :]).sum(-1)  # [E_tot, H]
    amax = jax.lax.stop_gradient(jax.ops.segment_max(logits, dst, num_segments=n))
    ex = jnp.exp(logits - amax[dst])
    denom = jax.ops.segment_sum(ex, dst, num_segments=n)
    alpha = ex / (denom[dst] + 1e-16)
    # aggregate messages (source features transformed by lin_l), concat heads
    out = jax.ops.segment_sum(alpha[:, :, None] * x_l[src], dst, num_segments=n)
    out = out.reshape(n, H * C) + bias_out
    # GraphNorm (single graph)
    mean = out.mean(axis=0, keepdims=True)
    centered = out - gn_mean_scale * mean
    var = (centered ** 2).mean(axis=0, keepdims=True)
    out = gn_weight * centered / jnp.sqrt(var + 1e-5) + gn_bias
    # relu; dropout is identity in eval mode
    return jax.nn.relu(out)

if __name__ == "__main__":
    import jax
    _d = setup_inputs()
    print(jax.jit(kernel)(*tuple(_d.values())))

</pallas_src>

<mosaic_0001>
#map = affine_map<(d0, d1) -> (0, 0)>
#map1 = affine_map<(d0, d1) -> (0, 0, 0)>
module attributes {stable_mosaic.version = 14 : i64} {
  func.func @_sc_scatter(%arg0: i32, %arg1: i32, %arg2: memref<320000x128xf32, #tpu.memory_space<hbm>>, %arg3: memref<320000x16xf32, #tpu.memory_space<hbm>>, %arg4: memref<4000x80xi32, #tpu.memory_space<hbm>>, %arg5: memref<2x10240x128xf32, #tpu.memory_space<hbm>>, %arg6: memref<2x10240x16xf32, #tpu.memory_space<hbm>>, %arg7: memref<125x80xi32, #tpu.memory_space<vmem>>, %arg8: memref<160x128xf32, #tpu.memory_space<vmem>>, %arg9: memref<160x16xf32, #tpu.memory_space<vmem>>, %arg10: memref<16x128xf32, #tpu.memory_space<vmem>>, %arg11: memref<16x16xf32, #tpu.memory_space<vmem>>, %arg12: memref<10240x128xf32, #tpu.memory_space<vmem_shared>>, %arg13: memref<10240x16xf32, #tpu.memory_space<vmem_shared>>, %arg14: memref<!tpu.dma_semaphore, #tpu.memory_space<semaphore_mem>>, %arg15: memref<!tpu.dma_semaphore, #tpu.memory_space<semaphore_mem>>, %arg16: memref<!tpu.dma_semaphore, #tpu.memory_space<semaphore_mem>>) attributes {dimension_semantics = [#tpu.dimension_semantics<core_parallel>, #tpu.dimension_semantics<subcore_parallel>], iteration_bounds = array<i64: 2, 16>, scalar_prefetch = 0 : i64, scratch_operands = 10 : i64, tpu.core_type = #tpu.core_type<sc_vector_subcore>, window_params = [{transform_indices = #map}, {transform_indices = #map}, {transform_indices = #map}, {transform_indices = #map1}, {transform_indices = #map1}]} {
    %mul3A = arith.constant 2 : i32
    %mul3A_0 = arith.muli %arg1, %mul3A : i32
    %add3A = arith.addi %mul3A_0, %arg0 : i32
    %broadcast_in_dim3A = arith.constant 0.000000e+00 : f32
    %broadcast_in_dim3A_1 = vector.broadcast %broadcast_in_dim3A : f32 to vector<16xf32>
    %scan3A = arith.constant 0 : i32
    %scan3A_2 = arith.constant 0 : i32
    %scan3A_3 = arith.constant 16 : i32
    %scan3A_4 = arith.addi %scan3A_2, %scan3A_3 : i32
    %scan3A_5 = arith.constant 1 : i32
    %scan3A_6 = scf.for %scan3A_39 = %scan3A_2 to %scan3A_4 step %scan3A_5 iter_args(%scan3A_40 = %scan3A) -> (i32)  : i32 {
      %swap3A = arith.index_cast %scan3A_39 : i32 to index
      %swap3A_41 = arith.constant 0 : index
      %swap3A_42 = tpu.vector_load %arg10[%swap3A, %swap3A_41] {strides = array<i32>} : memref<16x128xf32, #tpu.memory_space<vmem>>, vector<1x16xf32>,
      %swap3A_43 = vector.shape_cast %swap3A_42 : vector<1x16xf32> to vector<16xf32>
      %swap3A_44 = vector.shape_cast %broadcast_in_dim3A_1 : vector<16xf32> to vector<1x16xf32>
      tpu.vector_store %arg10[%swap3A, %swap3A_41], %swap3A_44 {strides = array<i32>} : memref<16x128xf32, #tpu.memory_space<vmem>>, vector<1x16xf32>,
      %swap3A_45 = arith.index_cast %scan3A_39 : i32 to index
      %swap3A_46 = arith.constant 16 : index
      %swap3A_47 = tpu.vector_load %arg10[%swap3A_45, %swap3A_46] {strides = array<i32>} : memref<16x128xf32, #tpu.memory_space<vmem>>, vector<1x16xf32>,
      %swap3A_48 = vector.shape_cast %swap3A_47 : vector<1x16xf32> to vector<16xf32>
      %swap3A_49 = vector.shape_cast %broadcast_in_dim3A_1 : vector<16xf32> to vector<1x16xf32>
      tpu.vector_store %arg10[%swap3A_45, %swap3A_46], %swap3A_49 {strides = array<i32>} : memref<16x128xf32, #tpu.memory_space<vmem>>, vector<1x16xf32>,
      %swap3A_50 = arith.index_cast %scan3A_39 : i32 to index
      %swap3A_51 = arith.constant 32 : index
      %swap3A_52 = tpu.vector_load %arg10[%swap3A_50, %swap3A_51] {strides = array<i32>} : memref<16x128xf32, #tpu.memory_space<vmem>>, vector<1x16xf32>,
      %swap3A_53 = vector.shape_cast %swap3A_52 : vector<1x16xf32> to vector<16xf32>
      %swap3A_54 = vector.shape_cast %broadcast_in_dim3A_1 : vector<16xf32> to vector<1x16xf32>
      tpu.vector_store %arg10[%swap3A_50, %swap3A_51], %swap3A_54 {strides = array<i32>} : memref<16x128xf32, #tpu.memory_space<vmem>>, vector<1x16xf32>,
      %swap3A_55 = arith.index_cast %scan3A_39 : i32 to index
      %swap3A_56 = arith.constant 48 : index
      %swap3A_57 = tpu.vector_load %arg10[%swap3A_55, %swap3A_56] {strides = array<i32>} : memref<16x128xf32, #tpu.memory_space<vmem>>, vector<1x16xf32>,
      %swap3A_58 = vector.shape_cast %swap3A_57 : vector<1x16xf32> to vector<16xf32>
      %swap3A_59 = vector.shape_cast %broadcast_in_dim3A_1 : vector<16xf32> to vector<1x16xf32>
      tpu.vector_store %arg10[%swap3A_55, %swap3A_56], %swap3A_59 {strides = array<i32>} : memref<16x128xf32, #tpu.memory_space<vmem>>, vector<1x16xf32>,
      %swap3A_60 = arith.index_cast %scan3A_39 : i32 to index
      %swap3A_61 = arith.constant 64 : index
      %swap3A_62 = tpu.vector_load %arg10[%swap3A_60, %swap3A_61] {strides = array<i32>} : memref<16x128xf32, #tpu.memory_space<vmem>>, vector<1x16xf32>,
      %swap3A_63 = vector.shape_cast %swap3A_62 : vector<1x16xf32> to vector<16xf32>
      %swap3A_64 = vector.shape_cast %broadcast_in_dim3A_1 : vector<16xf32> to vector<1x16xf32>
      tpu.vector_store %arg10[%swap3A_60, %swap3A_61], %swap3A_64 {strides = array<i32>} : memref<16x128xf32, #tpu.memory_space<vmem>>, vector<1x16xf32>,
      %swap3A_65 = arith.index_cast %scan3A_39 : i32 to index
      %swap3A_66 = arith.constant 80 : index
      %swap3A_67 = tpu.vector_load %arg10[%swap3A_65, %swap3A_66] {strides = array<i32>} : memref<16x128xf32, #tpu.memory_space<vmem>>, vector<1x16xf32>,
      %swap3A_68 = vector.shape_cast %swap3A_67 : vector<1x16xf32> to vector<16xf32>
      %swap3A_69 = vector.shape_cast %broadcast_in_dim3A_1 : vector<16xf32> to vector<1x16xf32>
      tpu.vector_store %arg10[%swap3A_65, %swap3A_66], %swap3A_69 {strides = array<i32>} : memref<16x128xf32, #tpu.memory_space<vmem>>, vector<1x16xf32>,
      %swap3A_70 = arith.index_cast %scan3A_39 : i32 to index
      %swap3A_71 = arith.constant 96 : index
      %swap3A_72 = tpu.vector_load %arg10[%swap3A_70, %swap3A_71] {strides = array<i32>} : memref<16x128xf32, #tpu.memory_space<vmem>>, vector<1x16xf32>,
      %swap3A_73 = vector.shape_cast %swap3A_72 : vector<1x16xf32> to vector<16xf32>
      %swap3A_74 = vector.shape_cast %broadcast_in_dim3A_1 : vector<16xf32> to vector<1x16xf32>
      tpu.vector_store %arg10[%swap3A_70, %swap3A_71], %swap3A_74 {strides = array<i32>} : memref<16x128xf32, #tpu.memory_space<vmem>>, vector<1x16xf32>,
      %swap3A_75 = arith.index_cast %scan3A_39 : i32 to index
      %swap3A_76 = arith.constant 112 : index
      %swap3A_77 = tpu.vector_load %arg10[%swap3A_75, %swap3A_76] {strides = array<i32>} : memref<16x128xf32, #tpu.memory_space<vmem>>, vector<1x16xf32>,
      %swap3A_78 = vector.shape_cast %swap3A_77 : vector<1x16xf32> to vector<16xf32>
      %swap3A_79 = vector.shape_cast %broadcast_in_dim3A_1 : vector<16xf32> to vector<1x16xf32>
      tpu.vector_store %arg10[%swap3A_75, %swap3A_76], %swap3A_79 {strides = array<i32>} : memref<16x128xf32, #tpu.memory_space<vmem>>, vector<1x16xf32>,
      %scan3A_80 = arith.constant 0 : i32
      scf.yield %scan3A_80 : i32
    }
    %scan3A_7 = arith.constant 16 : i32
    %scan3A_8 = arith.constant 0 : i32
    %scan3A_9 = arith.constant 0 : i32
    %scan3A_10 = arith.constant 16 : i32
    %scan3A_11 = arith.addi %scan3A_9, %scan3A_10 : i32
    %scan3A_12 = arith.constant 1 : i32
    %scan3A_13 = scf.for %scan3A_39 = %scan3A_9 to %scan3A_11 step %scan3A_12 iter_args(%scan3A_40 = %scan3A_8) -> (i32)  : i32 {
      %swap3A = arith.index_cast %scan3A_39 : i32 to index
      %swap3A_41 = arith.constant 0 : index
      %swap3A_42 = tpu.vector_load %arg11[%swap3A, %swap3A_41] {strides = array<i32>} : memref<16x16xf32, #tpu.memory_space<vmem>>, vector<1x16xf32>,
      %swap3A_43 = vector.shape_cast %swap3A_42 : vector<1x16xf32> to vector<16xf32>
      %swap3A_44 = vector.shape_cast %broadcast_in_dim3A_1 : vector<16xf32> to vector<1x16xf32>
      tpu.vector_store %arg11[%swap3A, %swap3A_41], %swap3A_44 {strides = array<i32>} : memref<16x16xf32, #tpu.memory_space<vmem>>, vector<1x16xf32>,
      %scan3A_45 = arith.constant 0 : i32
      scf.yield %scan3A_45 : i32
    }
    %scan3A_14 = arith.constant 16 : i32
    %mul3A_15 = arith.constant 640 : i32
    %mul3A_16 = arith.muli %arg1, %mul3A_15 : i32
    %scan3A_17 = arith.constant 0 : i32
    %scan3A_18 = arith.constant 0 : i32
    %scan3A_19 = arith.constant 40 : i32
    %scan3A_20 = arith.addi %scan3A_18, %scan3A_19 : i32
    %scan3A_21 = arith.constant 1 : i32
    %scan3A_22 = scf.for %scan3A_39 = %scan3A_18 to %scan3A_20 step %scan3A_21 iter_args(%scan3A_40 = %scan3A_17) -> (i32)  : i32 {
      %mul3A_41 = arith.constant 16 : i32
      %mul3A_42 = arith.muli %scan3A_39, %mul3A_41 : i32
      %add3A_43 = arith.addi %mul3A_16, %mul3A_42 : i32
      "tpu.region"() ({
        %run_scoped3A_48 = tpu.sem_alloc : memref<!tpu.dma_semaphore, #tpu.memory_space<semaphore_mem>>
        %dma_start3A = arith.constant 0 : i32
        %dma_start3A_49 = tpu.memref_slice %arg12[%add3A_43, %dma_start3A] : memref<10240x128xf32, #tpu.memory_space<vmem_shared>> -> memref<16x128xf32, #tpu.memory_space<vmem_shared>>
        %dma_start3A_50 = arith.constant 0 : i32
        %dma_start3A_51 = tpu.memref_slice %arg12[%add3A_43, %dma_start3A_50] : memref<10240x128xf32, #tpu.memory_space<vmem_shared>> -> memref<16x128xf32, #tpu.memory_space<vmem_shared>>
        tpu.enqueue_dma source(%arg10 : memref<16x128xf32, #tpu.memory_space<vmem>>) target(%dma_start3A_51 : memref<16x128xf32, #tpu.memory_space<vmem_shared>>) target_semaphore(%run_scoped3A_48 : memref<!tpu.dma_semaphore, #tpu.memory_space<semaphore_mem>>)
        %dma_wait3A = arith.constant 0 : i32
        %dma_wait3A_52 = tpu.memref_slice %arg12[%add3A_43, %dma_wait3A] : memref<10240x128xf32, #tpu.memory_space<vmem_shared>> -> memref<16x128xf32, #tpu.memory_space<vmem_shared>>
        %dma_wait3A_53 = arith.constant 0 : i32
        %dma_wait3A_54 = tpu.memref_slice %arg12[%add3A_43, %dma_wait3A_53] : memref<10240x128xf32, #tpu.memory_space<vmem_shared>> -> memref<16x128xf32, #tpu.memory_space<vmem_shared>>
        tpu.wait_dma2 semaphore(%run_scoped3A_48 : memref<!tpu.dma_semaphore, #tpu.memory_space<semaphore_mem>>) src(%arg10 : memref<16x128xf32, #tpu.memory_space<vmem>>) dst(%dma_wait3A_54 : memref<16x128xf32, #tpu.memory_space<vmem_shared>>)
        tpu.yield
      }) : () -> ()
      %mul3A_44 = arith.constant 16 : i32
      %mul3A_45 = arith.muli %scan3A_39, %mul3A_44 : i32
      %add3A_46 = arith.addi %mul3A_16, %mul3A_45 : i32
      "tpu.region"() ({
        %run_scoped3A_48 = tpu.sem_alloc : memref<!tpu.dma_semaphore, #tpu.memory_space<semaphore_mem>>
        %dma_start3A = arith.constant 0 : i32
        %dma_start3A_49 = tpu.memref_slice %arg13[%add3A_46, %dma_start3A] : memref<10240x16xf32, #tpu.memory_space<vmem_shared>> -> memref<16x16xf32, #tpu.memory_space<vmem_shared>>
        %dma_start3A_50 = arith.constant 0 : i32
        %dma_start3A_51 = tpu.memref_slice %arg13[%add3A_46, %dma_start3A_50] : memref<10240x16xf32, #tpu.memory_space<vmem_shared>> -> memref<16x16xf32, #tpu.memory_space<vmem_shared>>
        tpu.enqueue_dma source(%arg11 : memref<16x16xf32, #tpu.memory_space<vmem>>) target(%dma_start3A_51 : memref<16x16xf32, #tpu.memory_space<vmem_shared>>) target_semaphore(%run_scoped3A_48 : memref<!tpu.dma_semaphore, #tpu.memory_space<semaphore_mem>>)
        %dma_wait3A = arith.constant 0 : i32
        %dma_wait3A_52 = tpu.memref_slice %arg13[%add3A_46, %dma_wait3A] : memref<10240x16xf32, #tpu.memory_space<vmem_shared>> -> memref<16x16xf32, #tpu.memory_space<vmem_shared>>
        %dma_wait3A_53 = arith.constant 0 : i32
        %dma_wait3A_54 = tpu.memref_slice %arg13[%add3A_46, %dma_wait3A_53] : memref<10240x16xf32, #tpu.memory_space<vmem_shared>> -> memref<16x16xf32, #tpu.memory_space<vmem_shared>>
        tpu.wait_dma2 semaphore(%run_scoped3A_48 : memref<!tpu.dma_semaphore, #tpu.memory_space<semaphore_mem>>) src(%arg11 : memref<16x16xf32, #tpu.memory_space<vmem>>) dst(%dma_wait3A_54 : memref<16x16xf32, #tpu.memory_space<vmem_shared>>)
        tpu.yield
      }) : () -> ()
      %scan3A_47 = arith.constant 0 : i32
      scf.yield %scan3A_47 : i32
    }
    %scan3A_23 = arith.constant 40 : i32
    %barrier3A = arith.constant 0 : index
    tpu.barrier barrier_id(%barrier3A)
    %mul3A_24 = arith.constant 125 : i32
    %mul3A_25 = arith.muli %add3A, %mul3A_24 : i32
    %mul3A_26 = arith.constant 10000 : i32
    %mul3A_27 = arith.muli %add3A, %mul3A_26 : i32
    "tpu.region"() ({
      %run_scoped3A_39 = tpu.sem_alloc : memref<!tpu.dma_semaphore, #tpu.memory_space<semaphore_mem>>
      %dma_start3A = arith.constant 0 : i32
      %dma_start3A_40 = tpu.memref_slice %arg4[%mul3A_25, %dma_start3A] : memref<4000x80xi32, #tpu.memory_space<hbm>> -> memref<125x80xi32, #tpu.memory_space<hbm>>
      %dma_start3A_41 = arith.constant 0 : i32
      %dma_start3A_42 = tpu.memref_slice %arg4[%mul3A_25, %dma_start3A_41] : memref<4000x80xi32, #tpu.memory_space<hbm>> -> memref<125x80xi32, #tpu.memory_space<hbm>>
      tpu.enqueue_dma source(%dma_start3A_42 : memref<125x80xi32, #tpu.memory_space<hbm>>) target(%arg7 : memref<125x80xi32, #tpu.memory_space<vmem>>) target_semaphore(%run_scoped3A_39 : memref<!tpu.dma_semaphore, #tpu.memory_space<semaphore_mem>>)
      %dma_wait3A = arith.constant 0 : i32
      %dma_wait3A_43 = tpu.memref_slice %arg4[%mul3A_25, %dma_wait3A] : memref<4000x80xi32, #tpu.memory_space<hbm>> -> memref<125x80xi32, #tpu.memory_space<hbm>>
      %dma_wait3A_44 = arith.constant 0 : i32
      %dma_wait3A_45 = tpu.memref_slice %arg4[%mul3A_25, %dma_wait3A_44] : memref<4000x80xi32, #tpu.memory_space<hbm>> -> memref<125x80xi32, #tpu.memory_space<hbm>>
      tpu.wait_dma2 semaphore(%run_scoped3A_39 : memref<!tpu.dma_semaphore, #tpu.memory_space<semaphore_mem>>) src(%dma_wait3A_45 : memref<125x80xi32, #tpu.memory_space<hbm>>) dst(%arg7 : memref<125x80xi32, #tpu.memory_space<vmem>>)
      tpu.yield
    }) : () -> ()
    %scan3A_28 = arith.constant 0 : i32
    %scan3A_29 = arith.constant 0 : i32
    %scan3A_30 = arith.constant 62 : i32
    %scan3A_31 = arith.addi %scan3A_29, %scan3A_30 : i32
    %scan3A_32 = arith.constant 1 : i32
    %scan3A_33 = scf.for %scan3A_39 = %scan3A_29 to %scan3A_31 step %scan3A_32 iter_args(%scan3A_40 = %scan3A_28) -> (i32)  : i32 {
      %mul3A_41 = arith.constant 2 : i32
      %mul3A_42 = arith.muli %scan3A_39, %mul3A_41 : i32
      %mul3A_43 = arith.constant 2 : i32
      %mul3A_44 = arith.muli %scan3A_39, %mul3A_43 : i32
      %mul3A_45 = arith.constant 80 : i32
      %mul3A_46 = arith.muli %mul3A_44, %mul3A_45 : i32
      %add3A_47 = arith.addi %mul3A_27, %mul3A_46 : i32
      %dma_start3A = arith.constant 0 : i32
      %dma_start3A_48 = arith.constant 0 : i32
      %dma_start3A_49 = tpu.memref_slice %arg8[%dma_start3A, %dma_start3A_48] : memref<160x128xf32, #tpu.memory_space<vmem>> -> memref<80x128xf32, #tpu.memory_space<vmem>>
      %dma_start3A_50 = arith.constant 0 : i32
      %dma_start3A_51 = tpu.memref_slice %arg2[%add3A_47, %dma_start3A_50] : memref<320000x128xf32, #tpu.memory_space<hbm>> -> memref<80x128xf32, #tpu.memory_space<hbm>>
      %dma_start3A_52 = arith.constant 0 : i32
      %dma_start3A_53 = arith.constant 0 : i32
      %dma_start3A_54 = tpu.memref_slice %arg8[%dma_start3A_52, %dma_start3A_53] : memref<160x128xf32, #tpu.memory_space<vmem>> -> memref<80x128xf32, #tpu.memory_space<vmem>>
      %dma_start3A_55 = arith.constant 0 : i32
      %dma_start3A_56 = tpu.memref_slice %arg2[%add3A_47, %dma_start3A_55] : memref<320000x128xf32, #tpu.memory_space<hbm>> -> memref<80x128xf32, #tpu.memory_space<hbm>>
      tpu.enqueue_dma source(%dma_start3A_56 : memref<80x128xf32, #tpu.memory_space<hbm>>) target(%dma_start3A_54 : memref<80x128xf32, #tpu.memory_space<vmem>>) target_semaphore(%arg14 : memref<!tpu.dma_semaphore, #tpu.memory_space<semaphore_mem>>)
      %dma_start3A_57 = arith.constant 0 : i32
      %dma_start3A_58 = arith.constant 0 : i32
      %dma_start3A_59 = tpu.memref_slice %arg9[%dma_start3A_57, %dma_start3A_58] : memref<160x16xf32, #tpu.memory_space<vmem>> -> memref<80x16xf32, #tpu.memory_space<vmem>>
      %dma_start3A_60 = arith.constant 0 : i32
      %dma_start3A_61 = tpu.memref_slice %arg3[%add3A_47, %dma_start3A_60] : memref<320000x16xf32, #tpu.memory_space<hbm>> -> memref<80x16xf32, #tpu.memory_space<hbm>>
      %dma_start3A_62 = arith.constant 0 : i32
      %dma_start3A_63 = arith.constant 0 : i32
      %dma_start3A_64 = tpu.memref_slice %arg9[%dma_start3A_62, %dma_start3A_63] : memref<160x16xf32, #tpu.memory_space<vmem>> -> memref<80x16xf32, #tpu.memory_space<vmem>>
      %dma_start3A_65 = arith.constant 0 : i32
      %dma_start3A_66 = tpu.memref_slice %arg3[%add3A_47, %dma_start3A_65] : memref<320000x16xf32, #tpu.memory_space<hbm>> -> memref<80x16xf32, #tpu.memory_space<hbm>>
      tpu.enqueue_dma source(%dma_start3A_66 : memref<80x16xf32, #tpu.memory_space<hbm>>) target(%dma_start3A_64 : memref<80x16xf32, #tpu.memory_space<vmem>>) target_semaphore(%arg14 : memref<!tpu.dma_semaphore, #tpu.memory_space<semaphore_mem>>)
      %add3A_67 = arith.constant 80 : i32
      %add3A_68 = arith.addi %add3A_47, %add3A_67 : i32
      %dma_start3A_69 = arith.constant 80 : i32
      %dma_start3A_70 = arith.constant 0 : i32
      %dma_start3A_71 = tpu.memref_slice %arg8[%dma_start3A_69, %dma_start3A_70] : memref<160x128xf32, #tpu.memory_space<vmem>> -> memref<80x128xf32, #tpu.memory_space<vmem>>
      %dma_start3A_72 = arith.constant 0 : i32
      %dma_start3A_73 = tpu.memref_slice %arg2[%add3A_68, %dma_start3A_72] : memref<320000x128xf32, #tpu.memory_space<hbm>> -> memref<80x128xf32, #tpu.memory_space<hbm>>
      %dma_start3A_74 = arith.constant 80 : i32
      %dma_start3A_75 = arith.constant 0 : i32
      %dma_start3A_76 = tpu.memref_slice %arg8[%dma_start3A_74, %dma_start3A_75] : memref<160x128xf32, #tpu.memory_space<vmem>> -> memref<80x128xf32, #tpu.memory_space<vmem>>
      %dma_start3A_77 = arith.constant 0 : i32
      %dma_start3A_78 = tpu.memref_slice %arg2[%add3A_68, %dma_start3A_77] : memref<320000x128xf32, #tpu.memory_space<hbm>> -> memref<80x128xf32, #tpu.memory_space<hbm>>
      tpu.enqueue_dma source(%dma_start3A_78 : memref<80x128xf32, #tpu.memory_space<hbm>>) target(%dma_start3A_76 : memref<80x128xf32, #tpu.memory_space<vmem>>) target_semaphore(%arg15 : memref<!tpu.dma_semaphore, #tpu.memory_space<semaphore_mem>>)
      %add3A_79 = arith.constant 80 : i32
      %add3A_80 = arith.addi %add3A_47, %add3A_79 : i32
      %dma_start3A_81 = arith.constant 80 : i32
      %dma_start3A_82 = arith.constant 0 : i32
      %dma_start3A_83 = tpu.memref_slice %arg9[%dma_start3A_81, %dma_start3A_82] : memref<160x16xf32, #tpu.memory_space<vmem>> -> memref<80x16xf32, #tpu.memory_space<vmem>>
      %dma_start3A_84 = arith.constant 0 : i32
      %dma_start3A_85 = tpu.memref_slice %arg3[%add3A_80, %dma_start3A_84] : memref<320000x16xf32, #tpu.memory_space<hbm>> -> memref<80x16xf32, #tpu.memory_space<hbm>>
      %dma_start3A_86 = arith.constant 80 : i32
      %dma_start3A_87 = arith.constant 0 : i32
      %dma_start3A_88 = tpu.memref_slice %arg9[%dma_start3A_86, %dma_start3A_87] : memref<160x16xf32, #tpu.memory_space<vmem>> -> memref<80x16xf32, #tpu.memory_space<vmem>>
      %dma_start3A_89 = arith.constant 0 : i32
      %dma_start3A_90 = tpu.memref_slice %arg3[%add3A_80, %dma_start3A_89] : memref<320000x16xf32, #tpu.memory_space<hbm>> -> memref<80x16xf32, #tpu.memory_space<hbm>>
      tpu.enqueue_dma source(%dma_start3A_90 : memref<80x16xf32, #tpu.memory_space<hbm>>) target(%dma_start3A_88 : memref<80x16xf32, #tpu.memory_space<vmem>>) target_semaphore(%arg15 : memref<!tpu.dma_semaphore, #tpu.memory_space<semaphore_mem>>)
      %dma_wait3A = arith.constant 0 : i32
      %dma_wait3A_91 = arith.constant 0 : i32
      %dma_wait3A_92 = tpu.memref_slice %arg8[%dma_wait3A, %dma_wait3A_91] : memref<160x128xf32, #tpu.memory_space<vmem>> -> memref<80x128xf32, #tpu.memory_space<vmem>>
      %dma_wait3A_93 = arith.constant 0 : i32
      %dma_wait3A_94 = tpu.memref_slice %arg2[%add3A_47, %dma_wait3A_93] : memref<320000x128xf32, #tpu.memory_space<hbm>> -> memref<80x128xf32, #tpu.memory_space<hbm>>
      %dma_wait3A_95 = arith.constant 0 : i32
      %dma_wait3A_96 = arith.constant 0 : i32
      %dma_wait3A_97 = tpu.memref_slice %arg8[%dma_wait3A_95, %dma_wait3A_96] : memref<160x128xf32, #tpu.memory_space<vmem>> -> memref<80x128xf32, #tpu.memory_space<vmem>>
      %dma_wait3A_98 = arith.constant 0 : i32
      %dma_wait3A_99 = tpu.memref_slice %arg2[%add3A_47, %dma_wait3A_98] : memref<320000x128xf32, #tpu.memory_space<hbm>> -> memref<80x128xf32, #tpu.memory_space<hbm>>
      tpu.wait_dma2 semaphore(%arg14 : memref<!tpu.dma_semaphore, #tpu.memory_space<semaphore_mem>>) src(%dma_wait3A_99 : memref<80x128xf32, #tpu.memory_space<hbm>>) dst(%dma_wait3A_97 : memref<80x128xf32, #tpu.memory_space<vmem>>)
      %dma_wait3A_100 = arith.constant 0 : i32
      %dma_wait3A_101 = arith.constant 0 : i32
      %dma_wait3A_102 = tpu.memref_slice %arg9[%dma_wait3A_100, %dma_wait3A_101] : memref<160x16xf32, #tpu.memory_space<vmem>> -> memref<80x16xf32, #tpu.memory_space<vmem>>
      %dma_wait3A_103 = arith.constant 0 : i32
      %dma_wait3A_104 = tpu.memref_slice %arg3[%add3A_47, %dma_wait3A_103] : memref<320000x16xf32, #tpu.memory_space<hbm>> -> memref<80x16xf32, #tpu.memory_space<hbm>>
      %dma_wait3A_105 = arith.constant 0 : i32
      %dma_wait3A_106 = arith.constant 0 : i32
      %dma_wait3A_107 = tpu.memref_slice %arg9[%dma_wait3A_105, %dma_wait3A_106] : memref<160x16xf32, #tpu.memory_space<vmem>> -> memref<80x16xf32, #tpu.memory_space<vmem>>
      %dma_wait3A_108 = arith.constant 0 : i32
      %dma_wait3A_109 = tpu.memref_slice %arg3[%add3A_47, %dma_wait3A_108] : memref<320000x16xf32, #tpu.memory_space<hbm>> -> memref<80x16xf32, #tpu.memory_space<hbm>>
      tpu.wait_dma2 semaphore(%arg14 : memref<!tpu.dma_semaphore, #tpu.memory_space<semaphore_mem>>) src(%dma_wait3A_109 : memref<80x16xf32, #tpu.memory_space<hbm>>) dst(%dma_wait3A_107 : memref<80x16xf32, #tpu.memory_space<vmem>>)
      %dma_start3A_110 = arith.constant 0 : i32
      %dma_start3A_111 = arith.constant 0 : i32
      %dma_start3A_112 = tpu.memref_slice %arg8[%dma_start3A_110, %dma_start3A_111] : memref<160x128xf32, #tpu.memory_space<vmem>> -> memref<80x128xf32, #tpu.memory_space<vmem>>
      %dma_start3A_113 = arith.constant 0 : i32
      %dma_start3A_114 = tpu.memref_slice %arg7[%mul3A_42, %dma_start3A_113] : memref<125x80xi32, #tpu.memory_space<vmem>> -> memref<1x80xi32, #tpu.memory_space<vmem>>
      %dma_start3A_115 = tpu.memref_squeeze %dma_start3A_114 : memref<1x80xi32, #tpu.memory_space<vmem>> -> memref<80xi32, #tpu.memory_space<vmem>>
      %dma_start3A_116 = arith.constant 0 : i32
      %dma_start3A_117 = arith.constant 0 : i32
      %dma_start3A_118 = tpu.memref_slice %arg12[%dma_start3A_116, %dma_start3A_117] : memref<10240x128xf32, #tpu.memory_space<vmem_shared>> -> memref<10240x128xf32, #tpu.memory_space<vmem_shared>>
      tpu.enqueue_indirect_dma source(%dma_start3A_112 : memref<80x128xf32, #tpu.memory_space<vmem>>) target(%dma_start3A_118 : memref<10240x128xf32, #tpu.memory_space<vmem_shared>>) offsets(%dma_start3A_115 : memref<80xi32, #tpu.memory_space<vmem>>) semaphore(%arg16 : memref<!tpu.dma_semaphore, #tpu.memory_space<semaphore_mem>>) {add = true}
      %dma_start3A_119 = arith.constant 0 : i32
      %dma_start3A_120 = arith.constant 0 : i32
      %dma_start3A_121 = tpu.memref_slice %arg9[%dma_start3A_119, %dma_start3A_120] : memref<160x16xf32, #tpu.memory_space<vmem>> -> memref<80x16xf32, #tpu.memory_space<vmem>>
      %dma_start3A_122 = arith.constant 0 : i32
      %dma_start3A_123 = tpu.memref_slice %arg7[%mul3A_42, %dma_start3A_122] : memref<125x80xi32, #tpu.memory_space<vmem>> -> memref<1x80xi32, #tpu.memory_space<vmem>>
      %dma_start3A_124 = tpu.memref_squeeze %dma_start3A_123 : memref<1x80xi32, #tpu.memory_space<vmem>> -> memref<80xi32, #tpu.memory_space<vmem>>
      %dma_start3A_125 = arith.constant 0 : i32
      %dma_start3A_126 = arith.constant 0 : i32
      %dma_start3A_127 = tpu.memref_slice %arg13[%dma_start3A_125, %dma_start3A_126] : memref<10240x16xf32, #tpu.memory_space<vmem_shared>> -> memref<10240x16xf32, #tpu.memory_space<vmem_shared>>
      tpu.enqueue_indirect_dma source(%dma_start3A_121 : memref<80x16xf32, #tpu.memory_space<vmem>>) target(%dma_start3A_127 : memref<10240x16xf32, #tpu.memory_space<vmem_shared>>) offsets(%dma_start3A_124 : memref<80xi32, #tpu.memory_space<vmem>>) semaphore(%arg16 : memref<!tpu.dma_semaphore, #tpu.memory_space<semaphore_mem>>) {add = true}
      %dma_wait3A_128 = arith.constant 80 : i32
      %dma_wait3A_129 = arith.constant 0 : i32
      %dma_wait3A_130 = tpu.memref_slice %arg8[%dma_wait3A_128, %dma_wait3A_129] : memref<160x128xf32, #tpu.memory_space<vmem>> -> memref<80x128xf32, #tpu.memory_space<vmem>>
      %dma_wait3A_131 = arith.constant 0 : i32
      %dma_wait3A_132 = tpu.memref_slice %arg2[%add3A_68, %dma_wait3A_131] : memref<320000x128xf32, #tpu.memory_space<hbm>> -> memref<80x128xf32, #tpu.memory_space<hbm>>
      %dma_wait3A_133 = arith.constant 80 : i32
      %dma_wait3A_134 = arith.constant 0 : i32
      %dma_wait3A_135 = tpu.memref_slice %arg8[%dma_wait3A_133, %dma_wait3A_134] : memref<160x128xf32, #tpu.memory_space<vmem>> -> memref<80x128xf32, #tpu.memory_space<vmem>>
      %dma_wait3A_136 = arith.constant 0 : i32
      %dma_wait3A_137 = tpu.memref_slice %arg2[%add3A_68, %dma_wait3A_136] : memref<320000x128xf32, #tpu.memory_space<hbm>> -> memref<80x128xf32, #tpu.memory_space<hbm>>
      tpu.wait_dma2 semaphore(%arg15 : memref<!tpu.dma_semaphore, #tpu.memory_space<semaphore_mem>>) src(%dma_wait3A_137 : memref<80x128xf32, #tpu.memory_space<hbm>>) dst(%dma_wait3A_135 : memref<80x128xf32, #tpu.memory_space<vmem>>)
      %dma_wait3A_138 = arith.constant 80 : i32
      %dma_wait3A_139 = arith.constant 0 : i32
      %dma_wait3A_140 = tpu.memref_slice %arg9[%dma_wait3A_138, %dma_wait3A_139] : memref<160x16xf32, #tpu.memory_space<vmem>> -> memref<80x16xf32, #tpu.memory_space<vmem>>
      %dma_wait3A_141 = arith.constant 0 : i32
      %dma_wait3A_142 = tpu.memref_slice %arg3[%add3A_80, %dma_wait3A_141] : memref<320000x16xf32, #tpu.memory_space<hbm>> -> memref<80x16xf32, #tpu.memory_space<hbm>>
      %dma_wait3A_143 = arith.constant 80 : i32
      %dma_wait3A_144 = arith.constant 0 : i32
      %dma_wait3A_145 = tpu.memref_slice %arg9[%dma_wait3A_143, %dma_wait3A_144] : memref<160x16xf32, #tpu.memory_space<vmem>> -> memref<80x16xf32, #tpu.memory_space<vmem>>
      %dma_wait3A_146 = arith.constant 0 : i32
      %dma_wait3A_147 = tpu.memref_slice %arg3[%add3A_80, %dma_wait3A_146] : memref<320000x16xf32, #tpu.memory_space<hbm>> -> memref<80x16xf32, #tpu.memory_space<hbm>>
      tpu.wait_dma2 semaphore(%arg15 : memref<!tpu.dma_semaphore, #tpu.memory_space<semaphore_mem>>) src(%dma_wait3A_147 : memref<80x16xf32, #tpu.memory_space<hbm>>) dst(%dma_wait3A_145 : memref<80x16xf32, #tpu.memory_space<vmem>>)
      %add3A_148 = arith.constant 1 : i32
      %add3A_149 = arith.addi %mul3A_42, %add3A_148 : i32
      %dma_start3A_150 = arith.constant 80 : i32
      %dma_start3A_151 = arith.constant 0 : i32
      %dma_start3A_152 = tpu.memref_slice %arg8[%dma_start3A_150, %dma_start3A_151] : memref<160x128xf32, #tpu.memory_space<vmem>> -> memref<80x128xf32, #tpu.memory_space<vmem>>
      %dma_start3A_153 = arith.constant 0 : i32
      %dma_start3A_154 = tpu.memref_slice %arg7[%add3A_149, %dma_start3A_153] : memref<125x80xi32, #tpu.memory_space<vmem>> -> memref<1x80xi32, #tpu.memory_space<vmem>>
      %dma_start3A_155 = tpu.memref_squeeze %dma_start3A_154 : memref<1x80xi32, #tpu.memory_space<vmem>> -> memref<80xi32, #tpu.memory_space<vmem>>
      %dma_start3A_156 = arith.constant 0 : i32
      %dma_start3A_157 = arith.constant 0 : i32
      %dma_start3A_158 = tpu.memref_slice %arg12[%dma_start3A_156, %dma_start3A_157] : memref<10240x128xf32, #tpu.memory_space<vmem_shared>> -> memref<10240x128xf32, #tpu.memory_space<vmem_shared>>
      tpu.enqueue_indirect_dma source(%dma_start3A_152 : memref<80x128xf32, #tpu.memory_space<vmem>>) target(%dma_start3A_158 : memref<10240x128xf32, #tpu.memory_space<vmem_shared>>) offsets(%dma_start3A_155 : memref<80xi32, #tpu.memory_space<vmem>>) semaphore(%arg16 : memref<!tpu.dma_semaphore, #tpu.memory_space<semaphore_mem>>) {add = true}
      %add3A_159 = arith.constant 1 : i32
      %add3A_160 = arith.addi %mul3A_42, %add3A_159 : i32
      %dma_start3A_161 = arith.constant 80 : i32
      %dma_start3A_162 = arith.constant 0 : i32
      %dma_start3A_163 = tpu.memref_slice %arg9[%dma_start3A_161, %dma_start3A_162] : memref<160x16xf32, #tpu.memory_space<vmem>> -> memref<80x16xf32, #tpu.memory_space<vmem>>
      %dma_start3A_164 = arith.constant 0 : i32
      %dma_start3A_165 = tpu.memref_slice %arg7[%add3A_160, %dma_start3A_164] : memref<125x80xi32, #tpu.memory_space<vmem>> -> memref<1x80xi32, #tpu.memory_space<vmem>>
      %dma_start3A_166 = tpu.memref_squeeze %dma_start3A_165 : memref<1x80xi32, #tpu.memory_space<vmem>> -> memref<80xi32, #tpu.memory_space<vmem>>
      %dma_start3A_167 = arith.constant 0 : i32
      %dma_start3A_168 = arith.constant 0 : i32
      %dma_start3A_169 = tpu.memref_slice %arg13[%dma_start3A_167, %dma_start3A_168] : memref<10240x16xf32, #tpu.memory_space<vmem_shared>> -> memref<10240x16xf32, #tpu.memory_space<vmem_shared>>
      tpu.enqueue_indirect_dma source(%dma_start3A_163 : memref<80x16xf32, #tpu.memory_space<vmem>>) target(%dma_start3A_169 : memref<10240x16xf32, #tpu.memory_space<vmem_shared>>) offsets(%dma_start3A_166 : memref<80xi32, #tpu.memory_space<vmem>>) semaphore(%arg16 : memref<!tpu.dma_semaphore, #tpu.memory_space<semaphore_mem>>) {add = true}
      %dma_wait3A_170 = arith.constant 0 : i32
      %dma_wait3A_171 = arith.constant 0 : i32
      %dma_wait3A_172 = tpu.memref_slice %arg8[%dma_wait3A_170, %dma_wait3A_171] : memref<160x128xf32, #tpu.memory_space<vmem>> -> memref<80x128xf32, #tpu.memory_space<vmem>>
      %dma_wait3A_173 = arith.constant 0 : i32
      %dma_wait3A_174 = tpu.memref_slice %arg7[%mul3A_42, %dma_wait3A_173] : memref<125x80xi32, #tpu.memory_space<vmem>> -> memref<1x80xi32, #tpu.memory_space<vmem>>
      %dma_wait3A_175 = tpu.memref_squeeze %dma_wait3A_174 : memref<1x80xi32, #tpu.memory_space<vmem>> -> memref<80xi32, #tpu.memory_space<vmem>>
      %dma_wait3A_176 = arith.constant 0 : i32
      %dma_wait3A_177 = arith.constant 0 : i32
      %dma_wait3A_178 = tpu.memref_slice %arg12[%dma_wait3A_176, %dma_wait3A_177] : memref<10240x128xf32, #tpu.memory_space<vmem_shared>> -> memref<10240x128xf32, #tpu.memory_space<vmem_shared>>
      tpu.wait_indirect_dma semaphore(%arg16 : memref<!tpu.dma_semaphore, #tpu.memory_space<semaphore_mem>>) src(%dma_wait3A_172 : memref<80x128xf32, #tpu.memory_space<vmem>>) dst(%dma_wait3A_178 : memref<10240x128xf32, #tpu.memory_space<vmem_shared>>)
      %dma_wait3A_179 = arith.constant 0 : i32
      %dma_wait3A_180 = arith.constant 0 : i32
      %dma_wait3A_181 = tpu.memref_slice %arg9[%dma_wait3A_179, %dma_wait3A_180] : memref<160x16xf32, #tpu.memory_space<vmem>> -> memref<80x16xf32, #tpu.memory_space<vmem>>
      %dma_wait3A_182 = arith.constant 0 : i32
      %dma_wait3A_183 = tpu.memref_slice %arg7[%mul3A_42, %dma_wait3A_182] : memref<125x80xi32, #tpu.memory_space<vmem>> -> memref<1x80xi32, #tpu.memory_space<vmem>>
      %dma_wait3A_184 = tpu.memref_squeeze %dma_wait3A_183 : memref<1x80xi32, #tpu.memory_space<vmem>> -> memref<80xi32, #tpu.memory_space<vmem>>
      %dma_wait3A_185 = arith.constant 0 : i32
      %dma_wait3A_186 = arith.constant 0 : i32
      %dma_wait3A_187 = tpu.memref_slice %arg13[%dma_wait3A_185, %dma_wait3A_186] : memref<10240x16xf32, #tpu.memory_space<vmem_shared>> -> memref<10240x16xf32, #tpu.memory_space<vmem_shared>>
      tpu.wait_indirect_dma semaphore(%arg16 : memref<!tpu.dma_semaphore, #tpu.memory_space<semaphore_mem>>) src(%dma_wait3A_181 : memref<80x16xf32, #tpu.memory_space<vmem>>) dst(%dma_wait3A_187 : memref<10240x16xf32, #tpu.memory_space<vmem_shared>>)
      %dma_wait3A_188 = arith.constant 80 : i32
      %dma_wait3A_189 = arith.constant 0 : i32
      %dma_wait3A_190 = tpu.memref_slice %arg8[%dma_wait3A_188, %dma_wait3A_189] : memref<160x128xf32, #tpu.memory_space<vmem>> -> memref<80x128xf32, #tpu.memory_space<vmem>>
      %dma_wait3A_191 = arith.constant 0 : i32
      %dma_wait3A_192 = tpu.memref_slice %arg7[%add3A_149, %dma_wait3A_191] : memref<125x80xi32, #tpu.memory_space<vmem>> -> memref<1x80xi32, #tpu.memory_space<vmem>>
      %dma_wait3A_193 = tpu.memref_squeeze %dma_wait3A_192 : memref<1x80xi32, #tpu.memory_space<vmem>> -> memref<80xi32, #tpu.memory_space<vmem>>
      %dma_wait3A_194 = arith.constant 0 : i32
      %dma_wait3A_195 = arith.constant 0 : i32
      %dma_wait3A_196 = tpu.memref_slice %arg12[%dma_wait3A_194, %dma_wait3A_195] : memref<10240x128xf32, #tpu.memory_space<vmem_shared>> -> memref<10240x128xf32, #tpu.memory_space<vmem_shared>>
      tpu.wait_indirect_dma semaphore(%arg16 : memref<!tpu.dma_semaphore, #tpu.memory_space<semaphore_mem>>) src(%dma_wait3A_190 : memref<80x128xf32, #tpu.memory_space<vmem>>) dst(%dma_wait3A_196 : memref<10240x128xf32, #tpu.memory_space<vmem_shared>>)
      %dma_wait3A_197 = arith.constant 80 : i32
      %dma_wait3A_198 = arith.constant 0 : i32
      %dma_wait3A_199 = tpu.memref_slice %arg9[%dma_wait3A_197, %dma_wait3A_198] : memref<160x16xf32, #tpu.memory_space<vmem>> -> memref<80x16xf32, #tpu.memory_space<vmem>>
      %dma_wait3A_200 = arith.constant 0 : i32
      %dma_wait3A_201 = tpu.memref_slice %arg7[%add3A_160, %dma_wait3A_200] : memref<125x80xi32, #tpu.memory_space<vmem>> -> memref<1x80xi32, #tpu.memory_space<vmem>>
      %dma_wait3A_202 = tpu.memref_squeeze %dma_wait3A_201 : memref<1x80xi32, #tpu.memory_space<vmem>> -> memref<80xi32, #tpu.memory_space<vmem>>
      %dma_wait3A_203 = arith.constant 0 : i32
      %dma_wait3A_204 = arith.constant 0 : i32
      %dma_wait3A_205 = tpu.memref_slice %arg13[%dma_wait3A_203, %dma_wait3A_204] : memref<10240x16xf32, #tpu.memory_space<vmem_shared>> -> memref<10240x16xf32, #tpu.memory_space<vmem_shared>>
      tpu.wait_indirect_dma semaphore(%arg16 : memref<!tpu.dma_semaphore, #tpu.memory_space<semaphore_mem>>) src(%dma_wait3A_199 : memref<80x16xf32, #tpu.memory_space<vmem>>) dst(%dma_wait3A_205 : memref<10240x16xf32, #tpu.memory_space<vmem_shared>>)
      %scan3A_206 = arith.constant 0 : i32
      scf.yield %scan3A_206 : i32
    }
    %scan3A_34 = arith.constant 62 : i32
    %add3A_35 = arith.constant 9920 : i32
    %add3A_36 = arith.addi %mul3A_27, %add3A_35 : i32
    "tpu.region"() ({
      %run_scoped3A_39 = tpu.sem_alloc : memref<!tpu.dma_semaphore, #tpu.memory_space<semaphore_mem>>
      %dma_start3A = arith.constant 0 : i32
      %dma_start3A_40 = arith.constant 0 : i32
      %dma_start3A_41 = tpu.memref_slice %arg8[%dma_start3A, %dma_start3A_40] : memref<160x128xf32, #tpu.memory_space<vmem>> -> memref<80x128xf32, #tpu.memory_space<vmem>>
      %dma_start3A_42 = arith.constant 0 : i32
      %dma_start3A_43 = tpu.memref_slice %arg2[%add3A_36, %dma_start3A_42] : memref<320000x128xf32, #tpu.memory_space<hbm>> -> memref<80x128xf32, #tpu.memory_space<hbm>>
      %dma_start3A_44 = arith.constant 0 : i32
      %dma_start3A_45 = arith.constant 0 : i32
      %dma_start3A_46 = tpu.memref_slice %arg8[%dma_start3A_44, %dma_start3A_45] : memref<160x128xf32, #tpu.memory_space<vmem>> -> memref<80x128xf32, #tpu.memory_space<vmem>>
      %dma_start3A_47 = arith.constant 0 : i32
      %dma_start3A_48 = tpu.memref_slice %arg2[%add3A_36, %dma_start3A_47] : memref<320000x128xf32, #tpu.memory_space<hbm>> -> memref<80x128xf32, #tpu.memory_space<hbm>>
      tpu.enqueue_dma source(%dma_start3A_48 : memref<80x128xf32, #tpu.memory_space<hbm>>) target(%dma_start3A_46 : memref<80x128xf32, #tpu.memory_space<vmem>>) target_semaphore(%run_scoped3A_39 : memref<!tpu.dma_semaphore, #tpu.memory_space<semaphore_mem>>)
      %dma_wait3A = arith.constant 0 : i32
      %dma_wait3A_49 = arith.constant 0 : i32
      %dma_wait3A_50 = tpu.memref_slice %arg8[%dma_wait3A, %dma_wait3A_49] : memref<160x128xf32, #tpu.memory_space<vmem>> -> memref<80x128xf32, #tpu.memory_space<vmem>>
      %dma_wait3A_51 = arith.constant 0 : i32
      %dma_wait3A_52 = tpu.memref_slice %arg2[%add3A_36, %dma_wait3A_51] : memref<320000x128xf32, #tpu.memory_space<hbm>> -> memref<80x128xf32, #tpu.memory_space<hbm>>
      %dma_wait3A_53 = arith.constant 0 : i32
      %dma_wait3A_54 = arith.constant 0 : i32
      %dma_wait3A_55 = tpu.memref_slice %arg8[%dma_wait3A_53, %dma_wait3A_54] : memref<160x128xf32, #tpu.memory_space<vmem>> -> memref<80x128xf32, #tpu.memory_space<vmem>>
      %dma_wait3A_56 = arith.constant 0 : i32
      %dma_wait3A_57 = tpu.memref_slice %arg2[%add3A_36, %dma_wait3A_56] : memref<320000x128xf32, #tpu.memory_space<hbm>> -> memref<80x128xf32, #tpu.memory_space<hbm>>
      tpu.wait_dma2 semaphore(%run_scoped3A_39 : memref<!tpu.dma_semaphore, #tpu.memory_space<semaphore_mem>>) src(%dma_wait3A_57 : memref<80x128xf32, #tpu.memory_space<hbm>>) dst(%dma_wait3A_55 : memref<80x128xf32, #tpu.memory_space<vmem>>)
      tpu.yield
    }) : () -> ()
    "tpu.region"() ({
      %run_scoped3A_39 = tpu.sem_alloc : memref<!tpu.dma_semaphore, #tpu.memory_space<semaphore_mem>>
      %dma_start3A = arith.constant 0 : i32
      %dma_start3A_40 = arith.constant 0 : i32
      %dma_start3A_41 = tpu.memref_slice %arg9[%dma_start3A, %dma_start3A_40] : memref<160x16xf32, #tpu.memory_space<vmem>> -> memref<80x16xf32, #tpu.memory_space<vmem>>
      %dma_start3A_42 = arith.constant 0 : i32
      %dma_start3A_43 = tpu.memref_slice %arg3[%add3A_36, %dma_start3A_42] : memref<320000x16xf32, #tpu.memory_space<hbm>> -> memref<80x16xf32, #tpu.memory_space<hbm>>
      %dma_start3A_44 = arith.constant 0 : i32
      %dma_start3A_45 = arith.constant 0 : i32
      %dma_start3A_46 = tpu.memref_slice %arg9[%dma_start3A_44, %dma_start3A_45] : memref<160x16xf32, #tpu.memory_space<vmem>> -> memref<80x16xf32, #tpu.memory_space<vmem>>
      %dma_start3A_47 = arith.constant 0 : i32
      %dma_start3A_48 = tpu.memref_slice %arg3[%add3A_36, %dma_start3A_47] : memref<320000x16xf32, #tpu.memory_space<hbm>> -> memref<80x16xf32, #tpu.memory_space<hbm>>
      tpu.enqueue_dma source(%dma_start3A_48 : memref<80x16xf32, #tpu.memory_space<hbm>>) target(%dma_start3A_46 : memref<80x16xf32, #tpu.memory_space<vmem>>) target_semaphore(%run_scoped3A_39 : memref<!tpu.dma_semaphore, #tpu.memory_space<semaphore_mem>>)
      %dma_wait3A = arith.constant 0 : i32
      %dma_wait3A_49 = arith.constant 0 : i32
      %dma_wait3A_50 = tpu.memref_slice %arg9[%dma_wait3A, %dma_wait3A_49] : memref<160x16xf32, #tpu.memory_space<vmem>> -> memref<80x16xf32, #tpu.memory_space<vmem>>
      %dma_wait3A_51 = arith.constant 0 : i32
      %dma_wait3A_52 = tpu.memref_slice %arg3[%add3A_36, %dma_wait3A_51] : memref<320000x16xf32, #tpu.memory_space<hbm>> -> memref<80x16xf32, #tpu.memory_space<hbm>>
      %dma_wait3A_53 = arith.constant 0 : i32
      %dma_wait3A_54 = arith.constant 0 : i32
      %dma_wait3A_55 = tpu.memref_slice %arg9[%dma_wait3A_53, %dma_wait3A_54] : memref<160x16xf32, #tpu.memory_space<vmem>> -> memref<80x16xf32, #tpu.memory_space<vmem>>
      %dma_wait3A_56 = arith.constant 0 : i32
      %dma_wait3A_57 = tpu.memref_slice %arg3[%add3A_36, %dma_wait3A_56] : memref<320000x16xf32, #tpu.memory_space<hbm>> -> memref<80x16xf32, #tpu.memory_space<hbm>>
      tpu.wait_dma2 semaphore(%run_scoped3A_39 : memref<!tpu.dma_semaphore, #tpu.memory_space<semaphore_mem>>) src(%dma_wait3A_57 : memref<80x16xf32, #tpu.memory_space<hbm>>) dst(%dma_wait3A_55 : memref<80x16xf32, #tpu.memory_space<vmem>>)
      tpu.yield
    }) : () -> ()
    %run_scoped3A = arith.constant 124 : i32
    "tpu.region"() ({
      %run_scoped3A_39 = tpu.sem_alloc : memref<!tpu.dma_semaphore, #tpu.memory_space<semaphore_mem>>
      %dma_start3A = arith.constant 0 : i32
      %dma_start3A_40 = arith.constant 0 : i32
      %dma_start3A_41 = tpu.memref_slice %arg8[%dma_start3A, %dma_start3A_40] : memref<160x128xf32, #tpu.memory_space<vmem>> -> memref<80x128xf32, #tpu.memory_space<vmem>>
      %dma_start3A_42 = arith.constant 0 : i32
      %dma_start3A_43 = tpu.memref_slice %arg7[%run_scoped3A, %dma_start3A_42] : memref<125x80xi32, #tpu.memory_space<vmem>> -> memref<1x80xi32, #tpu.memory_space<vmem>>
      %dma_start3A_44 = tpu.memref_squeeze %dma_start3A_43 : memref<1x80xi32, #tpu.memory_space<vmem>> -> memref<80xi32, #tpu.memory_space<vmem>>
      %dma_start3A_45 = arith.constant 0 : i32
      %dma_start3A_46 = arith.constant 0 : i32
      %dma_start3A_47 = tpu.memref_slice %arg12[%dma_start3A_45, %dma_start3A_46] : memref<10240x128xf32, #tpu.memory_space<vmem_shared>> -> memref<10240x128xf32, #tpu.memory_space<vmem_shared>>
      tpu.enqueue_indirect_dma source(%dma_start3A_41 : memref<80x128xf32, #tpu.memory_space<vmem>>) target(%dma_start3A_47 : memref<10240x128xf32, #tpu.memory_space<vmem_shared>>) offsets(%dma_start3A_44 : memref<80xi32, #tpu.memory_space<vmem>>) semaphore(%run_scoped3A_39 : memref<!tpu.dma_semaphore, #tpu.memory_space<semaphore_mem>>) {add = true}
      %dma_wait3A = arith.constant 0 : i32
      %dma_wait3A_48 = arith.constant 0 : i32
      %dma_wait3A_49 = tpu.memref_slice %arg8[%dma_wait3A, %dma_wait3A_48] : memref<160x128xf32, #tpu.memory_space<vmem>> -> memref<80x128xf32, #tpu.memory_space<vmem>>
      %dma_wait3A_50 = arith.constant 0 : i32
      %dma_wait3A_51 = tpu.memref_slice %arg7[%run_scoped3A, %dma_wait3A_50] : memref<125x80xi32, #tpu.memory_space<vmem>> -> memref<1x80xi32, #tpu.memory_space<vmem>>
      %dma_wait3A_52 = tpu.memref_squeeze %dma_wait3A_51 : memref<1x80xi32, #tpu.memory_space<vmem>> -> memref<80xi32, #tpu.memory_space<vmem>>
      %dma_wait3A_53 = arith.constant 0 : i32
      %dma_wait3A_54 = arith.constant 0 : i32
      %dma_wait3A_55 = tpu.memref_slice %arg12[%dma_wait3A_53, %dma_wait3A_54] : memref<10240x128xf32, #tpu.memory_space<vmem_shared>> -> memref<10240x128xf32, #tpu.memory_space<vmem_shared>>
      tpu.wait_indirect_dma semaphore(%run_scoped3A_39 : memref<!tpu.dma_semaphore, #tpu.memory_space<semaphore_mem>>) src(%dma_wait3A_49 : memref<80x128xf32, #tpu.memory_space<vmem>>) dst(%dma_wait3A_55 : memref<10240x128xf32, #tpu.memory_space<vmem_shared>>)
      tpu.yield
    }) : () -> ()
    %run_scoped3A_37 = arith.constant 124 : i32
    "tpu.region"() ({
      %run_scoped3A_39 = tpu.sem_alloc : memref<!tpu.dma_semaphore, #tpu.memory_space<semaphore_mem>>
      %dma_start3A = arith.constant 0 : i32
      %dma_start3A_40 = arith.constant 0 : i32
      %dma_start3A_41 = tpu.memref_slice %arg9[%dma_start3A, %dma_start3A_40] : memref<160x16xf32, #tpu.memory_space<vmem>> -> memref<80x16xf32, #tpu.memory_space<vmem>>
      %dma_start3A_42 = arith.constant 0 : i32
      %dma_start3A_43 = tpu.memref_slice %arg7[%run_scoped3A_37, %dma_start3A_42] : memref<125x80xi32, #tpu.memory_space<vmem>> -> memref<1x80xi32, #tpu.memory_space<vmem>>
      %dma_start3A_44 = tpu.memref_squeeze %dma_start3A_43 : memref<1x80xi32, #tpu.memory_space<vmem>> -> memref<80xi32, #tpu.memory_space<vmem>>
      %dma_start3A_45 = arith.constant 0 : i32
      %dma_start3A_46 = arith.constant 0 : i32
      %dma_start3A_47 = tpu.memref_slice %arg13[%dma_start3A_45, %dma_start3A_46] : memref<10240x16xf32, #tpu.memory_space<vmem_shared>> -> memref<10240x16xf32, #tpu.memory_space<vmem_shared>>
      tpu.enqueue_indirect_dma source(%dma_start3A_41 : memref<80x16xf32, #tpu.memory_space<vmem>>) target(%dma_start3A_47 : memref<10240x16xf32, #tpu.memory_space<vmem_shared>>) offsets(%dma_start3A_44 : memref<80xi32, #tpu.memory_space<vmem>>) semaphore(%run_scoped3A_39 : memref<!tpu.dma_semaphore, #tpu.memory_space<semaphore_mem>>) {add = true}
      %dma_wait3A = arith.constant 0 : i32
      %dma_wait3A_48 = arith.constant 0 : i32
      %dma_wait3A_49 = tpu.memref_slice %arg9[%dma_wait3A, %dma_wait3A_48] : memref<160x16xf32, #tpu.memory_space<vmem>> -> memref<80x16xf32, #tpu.memory_space<vmem>>
      %dma_wait3A_50 = arith.constant 0 : i32
      %dma_wait3A_51 = tpu.memref_slice %arg7[%run_scoped3A_37, %dma_wait3A_50] : memref<125x80xi32, #tpu.memory_space<vmem>> -> memref<1x80xi32, #tpu.memory_space<vmem>>
      %dma_wait3A_52 = tpu.memref_squeeze %dma_wait3A_51 : memref<1x80xi32, #tpu.memory_space<vmem>> -> memref<80xi32, #tpu.memory_space<vmem>>
      %dma_wait3A_53 = arith.constant 0 : i32
      %dma_wait3A_54 = arith.constant 0 : i32
      %dma_wait3A_55 = tpu.memref_slice %arg13[%dma_wait3A_53, %dma_wait3A_54] : memref<10240x16xf32, #tpu.memory_space<vmem_shared>> -> memref<10240x16xf32, #tpu.memory_space<vmem_shared>>
      tpu.wait_indirect_dma semaphore(%run_scoped3A_39 : memref<!tpu.dma_semaphore, #tpu.memory_space<semaphore_mem>>) src(%dma_wait3A_49 : memref<80x16xf32, #tpu.memory_space<vmem>>) dst(%dma_wait3A_55 : memref<10240x16xf32, #tpu.memory_space<vmem_shared>>)
      tpu.yield
    }) : () -> ()
    %barrier3A_38 = arith.constant 0 : index
    tpu.barrier barrier_id(%barrier3A_38)
    "tpu.region"() ({
      %run_scoped3A_39 = tpu.sem_alloc : memref<!tpu.dma_semaphore, #tpu.memory_space<semaphore_mem>>
      %dma_start3A = arith.constant 0 : i32
      %dma_start3A_40 = tpu.memref_slice %arg5[%arg0, %mul3A_16, %dma_start3A] : memref<2x10240x128xf32, #tpu.memory_space<hbm>> -> memref<1x640x128xf32, #tpu.memory_space<hbm>>
      %dma_start3A_41 = tpu.memref_squeeze %dma_start3A_40 : memref<1x640x128xf32, #tpu.memory_space<hbm>> -> memref<640x128xf32, #tpu.memory_space<hbm>>
      %dma_start3A_42 = arith.constant 0 : i32
      %dma_start3A_43 = tpu.memref_slice %arg12[%mul3A_16, %dma_start3A_42] : memref<10240x128xf32, #tpu.memory_space<vmem_shared>> -> memref<640x128xf32, #tpu.memory_space<vmem_shared>>
      tpu.enqueue_dma source(%dma_start3A_43 : memref<640x128xf32, #tpu.memory_space<vmem_shared>>) target(%dma_start3A_41 : memref<640x128xf32, #tpu.memory_space<hbm>>) target_semaphore(%run_scoped3A_39 : memref<!tpu.dma_semaphore, #tpu.memory_space<semaphore_mem>>)
      %dma_wait3A = arith.constant 0 : i32
      %dma_wait3A_44 = tpu.memref_slice %arg5[%arg0, %mul3A_16, %dma_wait3A] : memref<2x10240x128xf32, #tpu.memory_space<hbm>> -> memref<1x640x128xf32, #tpu.memory_space<hbm>>
      %dma_wait3A_45 = tpu.memref_squeeze %dma_wait3A_44 : memref<1x640x128xf32, #tpu.memory_space<hbm>> -> memref<640x128xf32, #tpu.memory_space<hbm>>
      %dma_wait3A_46 = arith.constant 0 : i32
      %dma_wait3A_47 = tpu.memref_slice %arg12[%mul3A_16, %dma_wait3A_46] : memref<10240x128xf32, #tpu.memory_space<vmem_shared>> -> memref<640x128xf32, #tpu.memory_space<vmem_shared>>
      tpu.wait_dma2 semaphore(%run_scoped3A_39 : memref<!tpu.dma_semaphore, #tpu.memory_space<semaphore_mem>>) src(%dma_wait3A_47 : memref<640x128xf32, #tpu.memory_space<vmem_shared>>) dst(%dma_wait3A_45 : memref<640x128xf32, #tpu.memory_space<hbm>>)
      tpu.yield
    }) : () -> ()
    "tpu.region"() ({
      %run_scoped3A_39 = tpu.sem_alloc : memref<!tpu.dma_semaphore, #tpu.memory_space<semaphore_mem>>
      %dma_start3A = arith.constant 0 : i32
      %dma_start3A_40 = tpu.memref_slice %arg6[%arg0, %mul3A_16, %dma_start3A] : memref<2x10240x16xf32, #tpu.memory_space<hbm>> -> memref<1x640x16xf32, #tpu.memory_space<hbm>>
      %dma_start3A_41 = tpu.memref_squeeze %dma_start3A_40 : memref<1x640x16xf32, #tpu.memory_space<hbm>> -> memref<640x16xf32, #tpu.memory_space<hbm>>
      %dma_start3A_42 = arith.constant 0 : i32
      %dma_start3A_43 = tpu.memref_slice %arg13[%mul3A_16, %dma_start3A_42] : memref<10240x16xf32, #tpu.memory_space<vmem_shared>> -> memref<640x16xf32, #tpu.memory_space<vmem_shared>>
      tpu.enqueue_dma source(%dma_start3A_43 : memref<640x16xf32, #tpu.memory_space<vmem_shared>>) target(%dma_start3A_41 : memref<640x16xf32, #tpu.memory_space<hbm>>) target_semaphore(%run_scoped3A_39 : memref<!tpu.dma_semaphore, #tpu.memory_space<semaphore_mem>>)
      %dma_wait3A = arith.constant 0 : i32
      %dma_wait3A_44 = tpu.memref_slice %arg6[%arg0, %mul3A_16, %dma_wait3A] : memref<2x10240x16xf32, #tpu.memory_space<hbm>> -> memref<1x640x16xf32, #tpu.memory_space<hbm>>
      %dma_wait3A_45 = tpu.memref_squeeze %dma_wait3A_44 : memref<1x640x16xf32, #tpu.memory_space<hbm>> -> memref<640x16xf32, #tpu.memory_space<hbm>>
      %dma_wait3A_46 = arith.constant 0 : i32
      %dma_wait3A_47 = tpu.memref_slice %arg13[%mul3A_16, %dma_wait3A_46] : memref<10240x16xf32, #tpu.memory_space<vmem_shared>> -> memref<640x16xf32, #tpu.memory_space<vmem_shared>>
      tpu.wait_dma2 semaphore(%run_scoped3A_39 : memref<!tpu.dma_semaphore, #tpu.memory_space<semaphore_mem>>) src(%dma_wait3A_47 : memref<640x16xf32, #tpu.memory_space<vmem_shared>>) dst(%dma_wait3A_45 : memref<640x16xf32, #tpu.memory_space<hbm>>)
      tpu.yield
    }) : () -> ()
    return
  }
}

#map = affine_map<(d0, d1) -> (0, 0)>
module attributes {stable_mosaic.version = 14 : i64} {
  func.func @_sc_gather(%arg0: i32, %arg1: i32, %arg2: memref<10000x128xf32, #tpu.memory_space<hbm>>, %arg3: memref<10000x128xf32, #tpu.memory_space<hbm>>, %arg4: memref<8000x40xi32, #tpu.memory_space<hbm>>, %arg5: memref<8000x40xi32, #tpu.memory_space<hbm>>, %arg6: memref<320000x128xf32, #tpu.memory_space<hbm>>, %arg7: memref<320000x128xf32, #tpu.memory_space<hbm>>, %arg8: memref<250x40xi32, #tpu.memory_space<vmem>>, %arg9: memref<250x40xi32, #tpu.memory_space<vmem>>, %arg10: memref<200x128xf32, #tpu.memory_space<vmem>>, %arg11: memref<200x128xf32, #tpu.memory_space<vmem>>, %arg12: memref<200x128xf32, #tpu.memory_space<vmem>>, %arg13: memref<200x128xf32, #tpu.memory_space<vmem>>, %arg14: memref<!tpu.dma_semaphore, #tpu.memory_space<semaphore_mem>>, %arg15: memref<!tpu.dma_semaphore, #tpu.memory_space<semaphore_mem>>, %arg16: memref<!tpu.dma_semaphore, #tpu.memory_space<semaphore_mem>>) attributes {dimension_semantics = [#tpu.dimension_semantics<core_parallel>, #tpu.dimension_semantics<subcore_parallel>], iteration_bounds = array<i64: 2, 16>, scalar_prefetch = 0 : i64, scratch_operands = 9 : i64, tpu.core_type = #tpu.core_type<sc_vector_subcore>, window_params = [{transform_indices = #map}, {transform_indices = #map}, {transform_indices = #map}, {transform_indices = #map}, {transform_indices = #map}, {transform_indices = #map}]} {
    %mul3A = arith.constant 2 : i32
    %mul3A_0 = arith.muli %arg1, %mul3A : i32
    %add3A = arith.addi %mul3A_0, %arg0 : i32
    %mul3A_1 = arith.constant 250 : i32
    %mul3A_2 = arith.muli %add3A, %mul3A_1 : i32
    %mul3A_3 = arith.constant 10000 : i32
    %mul3A_4 = arith.muli %add3A, %mul3A_3 : i32
    "tpu.region"() ({
      %run_scoped3A = tpu.sem_alloc : memref<!tpu.dma_semaphore, #tpu.memory_space<semaphore_mem>>
      %dma_start3A = arith.constant 0 : i32
      %dma_start3A_11 = tpu.memref_slice %arg4[%mul3A_2, %dma_start3A] : memref<8000x40xi32, #tpu.memory_space<hbm>> -> memref<250x40xi32, #tpu.memory_space<hbm>>
      %dma_start3A_12 = arith.constant 0 : i32
      %dma_start3A_13 = tpu.memref_slice %arg4[%mul3A_2, %dma_start3A_12] : memref<8000x40xi32, #tpu.memory_space<hbm>> -> memref<250x40xi32, #tpu.memory_space<hbm>>
      tpu.enqueue_dma source(%dma_start3A_13 : memref<250x40xi32, #tpu.memory_space<hbm>>) target(%arg8 : memref<250x40xi32, #tpu.memory_space<vmem>>) target_semaphore(%run_scoped3A : memref<!tpu.dma_semaphore, #tpu.memory_space<semaphore_mem>>)
      %dma_wait3A = arith.constant 0 : i32
      %dma_wait3A_14 = tpu.memref_slice %arg4[%mul3A_2, %dma_wait3A] : memref<8000x40xi32, #tpu.memory_space<hbm>> -> memref<250x40xi32, #tpu.memory_space<hbm>>
      %dma_wait3A_15 = arith.constant 0 : i32
      %dma_wait3A_16 = tpu.memref_slice %arg4[%mul3A_2, %dma_wait3A_15] : memref<8000x40xi32, #tpu.memory_space<hbm>> -> memref<250x40xi32, #tpu.memory_space<hbm>>
      tpu.wait_dma2 semaphore(%run_scoped3A : memref<!tpu.dma_semaphore, #tpu.memory_space<semaphore_mem>>) src(%dma_wait3A_16 : memref<250x40xi32, #tpu.memory_space<hbm>>) dst(%arg8 : memref<250x40xi32, #tpu.memory_space<vmem>>)
      tpu.yield
    }) : () -> ()
    "tpu.region"() ({
      %run_scoped3A = tpu.sem_alloc : memref<!tpu.dma_semaphore, #tpu.memory_space<semaphore_mem>>
      %dma_start3A = arith.constant 0 : i32
      %dma_start3A_11 = tpu.memref_slice %arg5[%mul3A_2, %dma_start3A] : memref<8000x40xi32, #tpu.memory_space<hbm>> -> memref<250x40xi32, #tpu.memory_space<hbm>>
      %dma_start3A_12 = arith.constant 0 : i32
      %dma_start3A_13 = tpu.memref_slice %arg5[%mul3A_2, %dma_start3A_12] : memref<8000x40xi32, #tpu.memory_space<hbm>> -> memref<250x40xi32, #tpu.memory_space<hbm>>
      tpu.enqueue_dma source(%dma_start3A_13 : memref<250x40xi32, #tpu.memory_space<hbm>>) target(%arg9 : memref<250x40xi32, #tpu.memory_space<vmem>>) target_semaphore(%run_scoped3A : memref<!tpu.dma_semaphore, #tpu.memory_space<semaphore_mem>>)
      %dma_wait3A = arith.constant 0 : i32
      %dma_wait3A_14 = tpu.memref_slice %arg5[%mul3A_2, %dma_wait3A] : memref<8000x40xi32, #tpu.memory_space<hbm>> -> memref<250x40xi32, #tpu.memory_space<hbm>>
      %dma_wait3A_15 = arith.constant 0 : i32
      %dma_wait3A_16 = tpu.memref_slice %arg5[%mul3A_2, %dma_wait3A_15] : memref<8000x40xi32, #tpu.memory_space<hbm>> -> memref<250x40xi32, #tpu.memory_space<hbm>>
      tpu.wait_dma2 semaphore(%run_scoped3A : memref<!tpu.dma_semaphore, #tpu.memory_space<semaphore_mem>>) src(%dma_wait3A_16 : memref<250x40xi32, #tpu.memory_space<hbm>>) dst(%arg9 : memref<250x40xi32, #tpu.memory_space<vmem>>)
      tpu.yield
    }) : () -> ()
    %scan3A = arith.constant 0 : i32
    %scan3A_5 = arith.constant 0 : i32
    %scan3A_6 = arith.constant 25 : i32
    %scan3A_7 = arith.addi %scan3A_5, %scan3A_6 : i32
    %scan3A_8 = arith.constant 1 : i32
    %scan3A_9 = scf.for %scan3A_11 = %scan3A_5 to %scan3A_7 step %scan3A_8 iter_args(%scan3A_12 = %scan3A) -> (i32)  : i32 {
      %mul3A_13 = arith.constant 2 : i32
      %mul3A_14 = arith.muli %mul3A_13, %scan3A_11 : i32
      %mul3A_15 = arith.constant 5 : i32
      %mul3A_16 = arith.muli %mul3A_14, %mul3A_15 : i32
      %mul3A_17 = arith.constant 2 : i32
      %mul3A_18 = arith.muli %mul3A_17, %scan3A_11 : i32
      %mul3A_19 = arith.constant 200 : i32
      %mul3A_20 = arith.muli %mul3A_18, %mul3A_19 : i32
      %add3A_21 = arith.addi %mul3A_4, %mul3A_20 : i32
      %add3A_22 = arith.constant 0 : i32
      %add3A_23 = arith.addi %mul3A_16, %add3A_22 : i32
      %dma_start3A = arith.constant 0 : i32
      %dma_start3A_24 = arith.constant 0 : i32
      %dma_start3A_25 = tpu.memref_slice %arg10[%dma_start3A, %dma_start3A_24] : memref<200x128xf32, #tpu.memory_space<vmem>> -> memref<40x128xf32, #tpu.memory_space<vmem>>
      %dma_start3A_26 = arith.constant 0 : i32
      %dma_start3A_27 = tpu.memref_slice %arg8[%add3A_23, %dma_start3A_26] : memref<250x40xi32, #tpu.memory_space<vmem>> -> memref<1x40xi32, #tpu.memory_space<vmem>>
      %dma_start3A_28 = tpu.memref_squeeze %dma_start3A_27 : memref<1x40xi32, #tpu.memory_space<vmem>> -> memref<40xi32, #tpu.memory_space<vmem>>
      %dma_start3A_29 = arith.constant 0 : i32
      %dma_start3A_30 = arith.constant 0 : i32
      %dma_start3A_31 = tpu.memref_slice %arg2[%dma_start3A_29, %dma_start3A_30] : memref<10000x128xf32, #tpu.memory_space<hbm>> -> memref<10000x128xf32, #tpu.memory_space<hbm>>
      tpu.enqueue_indirect_dma source(%dma_start3A_31 : memref<10000x128xf32, #tpu.memory_space<hbm>>) target(%dma_start3A_25 : memref<40x128xf32, #tpu.memory_space<vmem>>) offsets(%dma_start3A_28 : memref<40xi32, #tpu.memory_space<vmem>>) semaphore(%arg14 : memref<!tpu.dma_semaphore, #tpu.memory_space<semaphore_mem>>)
      %add3A_32 = arith.constant 0 : i32
      %add3A_33 = arith.addi %mul3A_16, %add3A_32 : i32
      %dma_start3A_34 = arith.constant 0 : i32
      %dma_start3A_35 = arith.constant 0 : i32
      %dma_start3A_36 = tpu.memref_slice %arg11[%dma_start3A_34, %dma_start3A_35] : memref<200x128xf32, #tpu.memory_space<vmem>> -> memref<40x128xf32, #tpu.memory_space<vmem>>
      %dma_start3A_37 = arith.constant 0 : i32
      %dma_start3A_38 = tpu.memref_slice %arg9[%add3A_33, %dma_start3A_37] : memref<250x40xi32, #tpu.memory_space<vmem>> -> memref<1x40xi32, #tpu.memory_space<vmem>>
      %dma_start3A_39 = tpu.memref_squeeze %dma_start3A_38 : memref<1x40xi32, #tpu.memory_space<vmem>> -> memref<40xi32, #tpu.memory_space<vmem>>
      %dma_start3A_40 = arith.constant 0 : i32
      %dma_start3A_41 = arith.constant 0 : i32
      %dma_start3A_42 = tpu.memref_slice %arg3[%dma_start3A_40, %dma_start3A_41] : memref<10000x128xf32, #tpu.memory_space<hbm>> -> memref<10000x128xf32, #tpu.memory_space<hbm>>
      tpu.enqueue_indirect_dma source(%dma_start3A_42 : memref<10000x128xf32, #tpu.memory_space<hbm>>) target(%dma_start3A_36 : memref<40x128xf32, #tpu.memory_space<vmem>>) offsets(%dma_start3A_39 : memref<40xi32, #tpu.memory_space<vmem>>) semaphore(%arg14 : memref<!tpu.dma_semaphore, #tpu.memory_space<semaphore_mem>>)
      %add3A_43 = arith.constant 1 : i32
      %add3A_44 = arith.addi %mul3A_16, %add3A_43 : i32
      %dma_start3A_45 = arith.constant 40 : i32
      %dma_start3A_46 = arith.constant 0 : i32
      %dma_start3A_47 = tpu.memref_slice %arg10[%dma_start3A_45, %dma_start3A_46] : memref<200x128xf32, #tpu.memory_space<vmem>> -> memref<40x128xf32, #tpu.memory_space<vmem>>
      %dma_start3A_48 = arith.constant 0 : i32
      %dma_start3A_49 = tpu.memref_slice %arg8[%add3A_44, %dma_start3A_48] : memref<250x40xi32, #tpu.memory_space<vmem>> -> memref<1x40xi32, #tpu.memory_space<vmem>>
      %dma_start3A_50 = tpu.memref_squeeze %dma_start3A_49 : memref<1x40xi32, #tpu.memory_space<vmem>> -> memref<40xi32, #tpu.memory_space<vmem>>
      %dma_start3A_51 = arith.constant 0 : i32
      %dma_start3A_52 = arith.constant 0 : i32
      %dma_start3A_53 = tpu.memref_slice %arg2[%dma_start3A_51, %dma_start3A_52] : memref<10000x128xf32, #tpu.memory_space<hbm>> -> memref<10000x128xf32, #tpu.memory_space<hbm>>
      tpu.enqueue_indirect_dma source(%dma_start3A_53 : memref<10000x128xf32, #tpu.memory_space<hbm>>) target(%dma_start3A_47 : memref<40x128xf32, #tpu.memory_space<vmem>>) offsets(%dma_start3A_50 : memref<40xi32, #tpu.memory_space<vmem>>) semaphore(%arg14 : memref<!tpu.dma_semaphore, #tpu.memory_space<semaphore_mem>>)
      %add3A_54 = arith.constant 1 : i32
      %add3A_55 = arith.addi %mul3A_16, %add3A_54 : i32
      %dma_start3A_56 = arith.constant 40 : i32
      %dma_start3A_57 = arith.constant 0 : i32
      %dma_start3A_58 = tpu.memref_slice %arg11[%dma_start3A_56, %dma_start3A_57] : memref<200x128xf32, #tpu.memory_space<vmem>> -> memref<40x128xf32, #tpu.memory_space<vmem>>
      %dma_start3A_59 = arith.constant 0 : i32
      %dma_start3A_60 = tpu.memref_slice %arg9[%add3A_55, %dma_start3A_59] : memref<250x40xi32, #tpu.memory_space<vmem>> -> memref<1x40xi32, #tpu.memory_space<vmem>>
      %dma_start3A_61 = tpu.memref_squeeze %dma_start3A_60 : memref<1x40xi32, #tpu.memory_space<vmem>> -> memref<40xi32, #tpu.memory_space<vmem>>
      %dma_start3A_62 = arith.constant 0 : i32
      %dma_start3A_63 = arith.constant 0 : i32
      %dma_start3A_64 = tpu.memref_slice %arg3[%dma_start3A_62, %dma_start3A_63] : memref<10000x128xf32, #tpu.memory_space<hbm>> -> memref<10000x128xf32, #tpu.memory_space<hbm>>
      tpu.enqueue_indirect_dma source(%dma_start3A_64 : memref<10000x128xf32, #tpu.memory_space<hbm>>) target(%dma_start3A_58 : memref<40x128xf32, #tpu.memory_space<vmem>>) offsets(%dma_start3A_61 : memref<40xi32, #tpu.memory_space<vmem>>) semaphore(%arg14 : memref<!tpu.dma_semaphore, #tpu.memory_space<semaphore_mem>>)
      %add3A_65 = arith.constant 2 : i32
      %add3A_66 = arith.addi %mul3A_16, %add3A_65 : i32
      %dma_start3A_67 = arith.constant 80 : i32
      %dma_start3A_68 = arith.constant 0 : i32
      %dma_start3A_69 = tpu.memref_slice %arg10[%dma_start3A_67, %dma_start3A_68] : memref<200x128xf32, #tpu.memory_space<vmem>> -> memref<40x128xf32, #tpu.memory_space<vmem>>
      %dma_start3A_70 = arith.constant 0 : i32
      %dma_start3A_71 = tpu.memref_slice %arg8[%add3A_66, %dma_start3A_70] : memref<250x40xi32, #tpu.memory_space<vmem>> -> memref<1x40xi32, #tpu.memory_space<vmem>>
      %dma_start3A_72 = tpu.memref_squeeze %dma_start3A_71 : memref<1x40xi32, #tpu.memory_space<vmem>> -> memref<40xi32, #tpu.memory_space<vmem>>
      %dma_start3A_73 = arith.constant 0 : i32
      %dma_start3A_74 = arith.constant 0 : i32
      %dma_start3A_75 = tpu.memref_slice %arg2[%dma_start3A_73, %dma_start3A_74] : memref<10000x128xf32, #tpu.memory_space<hbm>> -> memref<10000x128xf32, #tpu.memory_space<hbm>>
      tpu.enqueue_indirect_dma source(%dma_start3A_75 : memref<10000x128xf32, #tpu.memory_space<hbm>>) target(%dma_start3A_69 : memref<40x128xf32, #tpu.memory_space<vmem>>) offsets(%dma_start3A_72 : memref<40xi32, #tpu.memory_space<vmem>>) semaphore(%arg14 : memref<!tpu.dma_semaphore, #tpu.memory_space<semaphore_mem>>)
      %add3A_76 = arith.constant 2 : i32
      %add3A_77 = arith.addi %mul3A_16, %add3A_76 : i32
      %dma_start3A_78 = arith.constant 80 : i32
      %dma_start3A_79 = arith.constant 0 : i32
      %dma_start3A_80 = tpu.memref_slice %arg11[%dma_start3A_78, %dma_start3A_79] : memref<200x128xf32, #tpu.memory_space<vmem>> -> memref<40x128xf32, #tpu.memory_space<vmem>>
      %dma_start3A_81 = arith.constant 0 : i32
      %dma_start3A_82 = tpu.memref_slice %arg9[%add3A_77, %dma_start3A_81] : memref<250x40xi32, #tpu.memory_space<vmem>> -> memref<1x40xi32, #tpu.memory_space<vmem>>
      %dma_start3A_83 = tpu.memref_squeeze %dma_start3A_82 : memref<1x40xi32, #tpu.memory_space<vmem>> -> memref<40xi32, #tpu.memory_space<vmem>>
      %dma_start3A_84 = arith.constant 0 : i32
      %dma_start3A_85 = arith.constant 0 : i32
      %dma_start3A_86 = tpu.memref_slice %arg3[%dma_start3A_84, %dma_start3A_85] : memref<10000x128xf32, #tpu.memory_space<hbm>> -> memref<10000x128xf32, #tpu.memory_space<hbm>>
      tpu.enqueue_indirect_dma source(%dma_start3A_86 : memref<10000x128xf32, #tpu.memory_space<hbm>>) target(%dma_start3A_80 : memref<40x128xf32, #tpu.memory_space<vmem>>) offsets(%dma_start3A_83 : memref<40xi32, #tpu.memory_space<vmem>>) semaphore(%arg14 : memref<!tpu.dma_semaphore, #tpu.memory_space<semaphore_mem>>)
      %add3A_87 = arith.constant 3 : i32
      %add3A_88 = arith.addi %mul3A_16, %add3A_87 : i32
      %dma_start3A_89 = arith.constant 120 : i32
      %dma_start3A_90 = arith.constant 0 : i32
      %dma_start3A_91 = tpu.memref_slice %arg10[%dma_start3A_89, %dma_start3A_90] : memref<200x128xf32, #tpu.memory_space<vmem>> -> memref<40x128xf32, #tpu.memory_space<vmem>>
      %dma_start3A_92 = arith.constant 0 : i32
      %dma_start3A_93 = tpu.memref_slice %arg8[%add3A_88, %dma_start3A_92] : memref<250x40xi32, #tpu.memory_space<vmem>> -> memref<1x40xi32, #tpu.memory_space<vmem>>
      %dma_start3A_94 = tpu.memref_squeeze %dma_start3A_93 : memref<1x40xi32, #tpu.memory_space<vmem>> -> memref<40xi32, #tpu.memory_space<vmem>>
      %dma_start3A_95 = arith.constant 0 : i32
      %dma_start3A_96 = arith.constant 0 : i32
      %dma_start3A_97 = tpu.memref_slice %arg2[%dma_start3A_95, %dma_start3A_96] : memref<10000x128xf32, #tpu.memory_space<hbm>> -> memref<10000x128xf32, #tpu.memory_space<hbm>>
      tpu.enqueue_indirect_dma source(%dma_start3A_97 : memref<10000x128xf32, #tpu.memory_space<hbm>>) target(%dma_start3A_91 : memref<40x128xf32, #tpu.memory_space<vmem>>) offsets(%dma_start3A_94 : memref<40xi32, #tpu.memory_space<vmem>>) semaphore(%arg14 : memref<!tpu.dma_semaphore, #tpu.memory_space<semaphore_mem>>)
      %add3A_98 = arith.constant 3 : i32
      %add3A_99 = arith.addi %mul3A_16, %add3A_98 : i32
      %dma_start3A_100 = arith.constant 120 : i32
      %dma_start3A_101 = arith.constant 0 : i32
      %dma_start3A_102 = tpu.memref_slice %arg11[%dma_start3A_100, %dma_start3A_101] : memref<200x128xf32, #tpu.memory_space<vmem>> -> memref<40x128xf32, #tpu.memory_space<vmem>>
      %dma_start3A_103 = arith.constant 0 : i32
      %dma_start3A_104 = tpu.memref_slice %arg9[%add3A_99, %dma_start3A_103] : memref<250x40xi32, #tpu.memory_space<vmem>> -> memref<1x40xi32, #tpu.memory_space<vmem>>
      %dma_start3A_105 = tpu.memref_squeeze %dma_start3A_104 : memref<1x40xi32, #tpu.memory_space<vmem>> -> memref<40xi32, #tpu.memory_space<vmem>>
      %dma_start3A_106 = arith.constant 0 : i32
      %dma_start3A_107 = arith.constant 0 : i32
      %dma_start3A_108 = tpu.memref_slice %arg3[%dma_start3A_106, %dma_start3A_107] : memref<10000x128xf32, #tpu.memory_space<hbm>> -> memref<10000x128xf32, #tpu.memory_space<hbm>>
      tpu.enqueue_indirect_dma source(%dma_start3A_108 : memref<10000x128xf32, #tpu.memory_space<hbm>>) target(%dma_start3A_102 : memref<40x128xf32, #tpu.memory_space<vmem>>) offsets(%dma_start3A_105 : memref<40xi32, #tpu.memory_space<vmem>>) semaphore(%arg14 : memref<!tpu.dma_semaphore, #tpu.memory_space<semaphore_mem>>)
      %add3A_109 = arith.constant 4 : i32
      %add3A_110 = arith.addi %mul3A_16, %add3A_109 : i32
      %dma_start3A_111 = arith.constant 160 : i32
      %dma_start3A_112 = arith.constant 0 : i32
      %dma_start3A_113 = tpu.memref_slice %arg10[%dma_start3A_111, %dma_start3A_112] : memref<200x128xf32, #tpu.memory_space<vmem>> -> memref<40x128xf32, #tpu.memory_space<vmem>>
      %dma_start3A_114 = arith.constant 0 : i32
      %dma_start3A_115 = tpu.memref_slice %arg8[%add3A_110, %dma_start3A_114] : memref<250x40xi32, #tpu.memory_space<vmem>> -> memref<1x40xi32, #tpu.memory_space<vmem>>
      %dma_start3A_116 = tpu.memref_squeeze %dma_start3A_115 : memref<1x40xi32, #tpu.memory_space<vmem>> -> memref<40xi32, #tpu.memory_space<vmem>>
      %dma_start3A_117 = arith.constant 0 : i32
      %dma_start3A_118 = arith.constant 0 : i32
      %dma_start3A_119 = tpu.memref_slice %arg2[%dma_start3A_117, %dma_start3A_118] : memref<10000x128xf32, #tpu.memory_space<hbm>> -> memref<10000x128xf32, #tpu.memory_space<hbm>>
      tpu.enqueue_indirect_dma source(%dma_start3A_119 : memref<10000x128xf32, #tpu.memory_space<hbm>>) target(%dma_start3A_113 : memref<40x128xf32, #tpu.memory_space<vmem>>) offsets(%dma_start3A_116 : memref<40xi32, #tpu.memory_space<vmem>>) semaphore(%arg14 : memref<!tpu.dma_semaphore, #tpu.memory_space<semaphore_mem>>)
      %add3A_120 = arith.constant 4 : i32
      %add3A_121 = arith.addi %mul3A_16, %add3A_120 : i32
      %dma_start3A_122 = arith.constant 160 : i32
      %dma_start3A_123 = arith.constant 0 : i32
      %dma_start3A_124 = tpu.memref_slice %arg11[%dma_start3A_122, %dma_start3A_123] : memref<200x128xf32, #tpu.memory_space<vmem>> -> memref<40x128xf32, #tpu.memory_space<vmem>>
      %dma_start3A_125 = arith.constant 0 : i32
      %dma_start3A_126 = tpu.memref_slice %arg9[%add3A_121, %dma_start3A_125] : memref<250x40xi32, #tpu.memory_space<vmem>> -> memref<1x40xi32, #tpu.memory_space<vmem>>
      %dma_start3A_127 = tpu.memref_squeeze %dma_start3A_126 : memref<1x40xi32, #tpu.memory_space<vmem>> -> memref<40xi32, #tpu.memory_space<vmem>>
      %dma_start3A_128 = arith.constant 0 : i32
      %dma_start3A_129 = arith.constant 0 : i32
      %dma_start3A_130 = tpu.memref_slice %arg3[%dma_start3A_128, %dma_start3A_129] : memref<10000x128xf32, #tpu.memory_space<hbm>> -> memref<10000x128xf32, #tpu.memory_space<hbm>>
      tpu.enqueue_indirect_dma source(%dma_start3A_130 : memref<10000x128xf32, #tpu.memory_space<hbm>>) target(%dma_start3A_124 : memref<40x128xf32, #tpu.memory_space<vmem>>) offsets(%dma_start3A_127 : memref<40xi32, #tpu.memory_space<vmem>>) semaphore(%arg14 : memref<!tpu.dma_semaphore, #tpu.memory_space<semaphore_mem>>)
      %dma_wait3A = arith.constant 0 : i32
      %dma_wait3A_131 = arith.constant 0 : i32
      %dma_wait3A_132 = tpu.memref_slice %arg10[%dma_wait3A, %dma_wait3A_131] : memref<200x128xf32, #tpu.memory_space<vmem>> -> memref<40x128xf32, #tpu.memory_space<vmem>>
      %dma_wait3A_133 = arith.constant 0 : i32
      %dma_wait3A_134 = tpu.memref_slice %arg8[%add3A_23, %dma_wait3A_133] : memref<250x40xi32, #tpu.memory_space<vmem>> -> memref<1x40xi32, #tpu.memory_space<vmem>>
      %dma_wait3A_135 = tpu.memref_squeeze %dma_wait3A_134 : memref<1x40xi32, #tpu.memory_space<vmem>> -> memref<40xi32, #tpu.memory_space<vmem>>
      %dma_wait3A_136 = arith.constant 0 : i32
      %dma_wait3A_137 = arith.constant 0 : i32
      %dma_wait3A_138 = tpu.memref_slice %arg2[%dma_wait3A_136, %dma_wait3A_137] : memref<10000x128xf32, #tpu.memory_space<hbm>> -> memref<10000x128xf32, #tpu.memory_space<hbm>>
      tpu.wait_indirect_dma semaphore(%arg14 : memref<!tpu.dma_semaphore, #tpu.memory_space<semaphore_mem>>) src(%dma_wait3A_138 : memref<10000x128xf32, #tpu.memory_space<hbm>>) dst(%dma_wait3A_132 : memref<40x128xf32, #tpu.memory_space<vmem>>)
      %dma_wait3A_139 = arith.constant 0 : i32
      %dma_wait3A_140 = arith.constant 0 : i32
      %dma_wait3A_141 = tpu.memref_slice %arg11[%dma_wait3A_139, %dma_wait3A_140] : memref<200x128xf32, #tpu.memory_space<vmem>> -> memref<40x128xf32, #tpu.memory_space<vmem>>
      %dma_wait3A_142 = arith.constant 0 : i32
      %dma_wait3A_143 = tpu.memref_slice %arg9[%add3A_33, %dma_wait3A_142] : memref<250x40xi32, #tpu.memory_space<vmem>> -> memref<1x40xi32, #tpu.memory_space<vmem>>
      %dma_wait3A_144 = tpu.memref_squeeze %dma_wait3A_143 : memref<1x40xi32, #tpu.memory_space<vmem>> -> memref<40xi32, #tpu.memory_space<vmem>>
      %dma_wait3A_145 = arith.constant 0 : i32
      %dma_wait3A_146 = arith.constant 0 : i32
      %dma_wait3A_147 = tpu.memref_slice %arg3[%dma_wait3A_145, %dma_wait3A_146] : memref<10000x128xf32, #tpu.memory_space<hbm>> -> memref<10000x128xf32, #tpu.memory_space<hbm>>
      tpu.wait_indirect_dma semaphore(%arg14 : memref<!tpu.dma_semaphore, #tpu.memory_space<semaphore_mem>>) src(%dma_wait3A_147 : memref<10000x128xf32, #tpu.memory_space<hbm>>) dst(%dma_wait3A_141 : memref<40x128xf32, #tpu.memory_space<vmem>>)
      %dma_wait3A_148 = arith.constant 40 : i32
      %dma_wait3A_149 = arith.constant 0 : i32
      %dma_wait3A_150 = tpu.memref_slice %arg10[%dma_wait3A_148, %dma_wait3A_149] : memref<200x128xf32, #tpu.memory_space<vmem>> -> memref<40x128xf32, #tpu.memory_space<vmem>>
      %dma_wait3A_151 = arith.constant 0 : i32
      %dma_wait3A_152 = tpu.memref_slice %arg8[%add3A_44, %dma_wait3A_151] : memref<250x40xi32, #tpu.memory_space<vmem>> -> memref<1x40xi32, #tpu.memory_space<vmem>>
      %dma_wait3A_153 = tpu.memref_squeeze %dma_wait3A_152 : memref<1x40xi32, #tpu.memory_space<vmem>> -> memref<40xi32, #tpu.memory_space<vmem>>
      %dma_wait3A_154 = arith.constant 0 : i32
      %dma_wait3A_155 = arith.constant 0 : i32
      %dma_wait3A_156 = tpu.memref_slice %arg2[%dma_wait3A_154, %dma_wait3A_155] : memref<10000x128xf32, #tpu.memory_space<hbm>> -> memref<10000x128xf32, #tpu.memory_space<hbm>>
      tpu.wait_indirect_dma semaphore(%arg14 : memref<!tpu.dma_semaphore, #tpu.memory_space<semaphore_mem>>) src(%dma_wait3A_156 : memref<10000x128xf32, #tpu.memory_space<hbm>>) dst(%dma_wait3A_150 : memref<40x128xf32, #tpu.memory_space<vmem>>)
      %dma_wait3A_157 = arith.constant 40 : i32
      %dma_wait3A_158 = arith.constant 0 : i32
      %dma_wait3A_159 = tpu.memref_slice %arg11[%dma_wait3A_157, %dma_wait3A_158] : memref<200x128xf32, #tpu.memory_space<vmem>> -> memref<40x128xf32, #tpu.memory_space<vmem>>
      %dma_wait3A_160 = arith.constant 0 : i32
      %dma_wait3A_161 = tpu.memref_slice %arg9[%add3A_55, %dma_wait3A_160] : memref<250x40xi32, #tpu.memory_space<vmem>> -> memref<1x40xi32, #tpu.memory_space<vmem>>
      %dma_wait3A_162 = tpu.memref_squeeze %dma_wait3A_161 : memref<1x40xi32, #tpu.memory_space<vmem>> -> memref<40xi32, #tpu.memory_space<vmem>>
      %dma_wait3A_163 = arith.constant 0 : i32
      %dma_wait3A_164 = arith.constant 0 : i32
      %dma_wait3A_165 = tpu.memref_slice %arg3[%dma_wait3A_163, %dma_wait3A_164] : memref<10000x128xf32, #tpu.memory_space<hbm>> -> memref<10000x128xf32, #tpu.memory_space<hbm>>
      tpu.wait_indirect_dma semaphore(%arg14 : memref<!tpu.dma_semaphore, #tpu.memory_space<semaphore_mem>>) src(%dma_wait3A_165 : memref<10000x128xf32, #tpu.memory_space<hbm>>) dst(%dma_wait3A_159 : memref<40x128xf32, #tpu.memory_space<vmem>>)
      %dma_wait3A_166 = arith.constant 80 : i32
      %dma_wait3A_167 = arith.constant 0 : i32
      %dma_wait3A_168 = tpu.memref_slice %arg10[%dma_wait3A_166, %dma_wait3A_167] : memref<200x128xf32, #tpu.memory_space<vmem>> -> memref<40x128xf32, #tpu.memory_space<vmem>>
      %dma_wait3A_169 = arith.constant 0 : i32
      %dma_wait3A_170 = tpu.memref_slice %arg8[%add3A_66, %dma_wait3A_169] : memref<250x40xi32, #tpu.memory_space<vmem>> -> memref<1x40xi32, #tpu.memory_space<vmem>>
      %dma_wait3A_171 = tpu.memref_squeeze %dma_wait3A_170 : memref<1x40xi32, #tpu.memory_space<vmem>> -> memref<40xi32, #tpu.memory_space<vmem>>
      %dma_wait3A_172 = arith.constant 0 : i32
      %dma_wait3A_173 = arith.constant 0 : i32
      %dma_wait3A_174 = tpu.memref_slice %arg2[%dma_wait3A_172, %dma_wait3A_173] : memref<10000x128xf32, #tpu.memory_space<hbm>> -> memref<10000x128xf32, #tpu.memory_space<hbm>>
      tpu.wait_indirect_dma semaphore(%arg14 : memref<!tpu.dma_semaphore, #tpu.memory_space<semaphore_mem>>) src(%dma_wait3A_174 : memref<10000x128xf32, #tpu.memory_space<hbm>>) dst(%dma_wait3A_168 : memref<40x128xf32, #tpu.memory_space<vmem>>)
      %dma_wait3A_175 = arith.constant 80 : i32
      %dma_wait3A_176 = arith.constant 0 : i32
      %dma_wait3A_177 = tpu.memref_slice %arg11[%dma_wait3A_175, %dma_wait3A_176] : memref<200x128xf32, #tpu.memory_space<vmem>> -> memref<40x128xf32, #tpu.memory_space<vmem>>
      %dma_wait3A_178 = arith.constant 0 : i32
      %dma_wait3A_179 = tpu.memref_slice %arg9[%add3A_77, %dma_wait3A_178] : memref<250x40xi32, #tpu.memory_space<vmem>> -> memref<1x40xi32, #tpu.memory_space<vmem>>
      %dma_wait3A_180 = tpu.memref_squeeze %dma_wait3A_179 : memref<1x40xi32, #tpu.memory_space<vmem>> -> memref<40xi32, #tpu.memory_space<vmem>>
      %dma_wait3A_181 = arith.constant 0 : i32
      %dma_wait3A_182 = arith.constant 0 : i32
      %dma_wait3A_183 = tpu.memref_slice %arg3[%dma_wait3A_181, %dma_wait3A_182] : memref<10000x128xf32, #tpu.memory_space<hbm>> -> memref<10000x128xf32, #tpu.memory_space<hbm>>
      tpu.wait_indirect_dma semaphore(%arg14 : memref<!tpu.dma_semaphore, #tpu.memory_space<semaphore_mem>>) src(%dma_wait3A_183 : memref<10000x128xf32, #tpu.memory_space<hbm>>) dst(%dma_wait3A_177 : memref<40x128xf32, #tpu.memory_space<vmem>>)
      %dma_wait3A_184 = arith.constant 120 : i32
      %dma_wait3A_185 = arith.constant 0 : i32
      %dma_wait3A_186 = tpu.memref_slice %arg10[%dma_wait3A_184, %dma_wait3A_185] : memref<200x128xf32, #tpu.memory_space<vmem>> -> memref<40x128xf32, #tpu.memory_space<vmem>>
      %dma_wait3A_187 = arith.constant 0 : i32
      %dma_wait3A_188 = tpu.memref_slice %arg8[%add3A_88, %dma_wait3A_187] : memref<250x40xi32, #tpu.memory_space<vmem>> -> memref<1x40xi32, #tpu.memory_space<vmem>>
      %dma_wait3A_189 = tpu.memref_squeeze %dma_wait3A_188 : memref<1x40xi32, #tpu.memory_space<vmem>> -> memref<40xi32, #tpu.memory_space<vmem>>
      %dma_wait3A_190 = arith.constant 0 : i32
      %dma_wait3A_191 = arith.constant 0 : i32
      %dma_wait3A_192 = tpu.memref_slice %arg2[%dma_wait3A_190, %dma_wait3A_191] : memref<10000x128xf32, #tpu.memory_space<hbm>> -> memref<10000x128xf32, #tpu.memory_space<hbm>>
      tpu.wait_indirect_dma semaphore(%arg14 : memref<!tpu.dma_semaphore, #tpu.memory_space<semaphore_mem>>) src(%dma_wait3A_192 : memref<10000x128xf32, #tpu.memory_space<hbm>>) dst(%dma_wait3A_186 : memref<40x128xf32, #tpu.memory_space<vmem>>)
      %dma_wait3A_193 = arith.constant 120 : i32
      %dma_wait3A_194 = arith.constant 0 : i32
      %dma_wait3A_195 = tpu.memref_slice %arg11[%dma_wait3A_193, %dma_wait3A_194] : memref<200x128xf32, #tpu.memory_space<vmem>> -> memref<40x128xf32, #tpu.memory_space<vmem>>
      %dma_wait3A_196 = arith.constant 0 : i32
      %dma_wait3A_197 = tpu.memref_slice %arg9[%add3A_99, %dma_wait3A_196] : memref<250x40xi32, #tpu.memory_space<vmem>> -> memref<1x40xi32, #tpu.memory_space<vmem>>
      %dma_wait3A_198 = tpu.memref_squeeze %dma_wait3A_197 : memref<1x40xi32, #tpu.memory_space<vmem>> -> memref<40xi32, #tpu.memory_space<vmem>>
      %dma_wait3A_199 = arith.constant 0 : i32
      %dma_wait3A_200 = arith.constant 0 : i32
      %dma_wait3A_201 = tpu.memref_slice %arg3[%dma_wait3A_199, %dma_wait3A_200] : memref<10000x128xf32, #tpu.memory_space<hbm>> -> memref<10000x128xf32, #tpu.memory_space<hbm>>
      tpu.wait_indirect_dma semaphore(%arg14 : memref<!tpu.dma_semaphore, #tpu.memory_space<semaphore_mem>>) src(%dma_wait3A_201 : memref<10000x128xf32, #tpu.memory_space<hbm>>) dst(%dma_wait3A_195 : memref<40x128xf32, #tpu.memory_space<vmem>>)
      %dma_wait3A_202 = arith.constant 160 : i32
      %dma_wait3A_203 = arith.constant 0 : i32
      %dma_wait3A_204 = tpu.memref_slice %arg10[%dma_wait3A_202, %dma_wait3A_203] : memref<200x128xf32, #tpu.memory_space<vmem>> -> memref<40x128xf32, #tpu.memory_space<vmem>>
      %dma_wait3A_205 = arith.constant 0 : i32
      %dma_wait3A_206 = tpu.memref_slice %arg8[%add3A_110, %dma_wait3A_205] : memref<250x40xi32, #tpu.memory_space<vmem>> -> memref<1x40xi32, #tpu.memory_space<vmem>>
      %dma_wait3A_207 = tpu.memref_squeeze %dma_wait3A_206 : memref<1x40xi32, #tpu.memory_space<vmem>> -> memref<40xi32, #tpu.memory_space<vmem>>
      %dma_wait3A_208 = arith.constant 0 : i32
      %dma_wait3A_209 = arith.constant 0 : i32
      %dma_wait3A_210 = tpu.memref_slice %arg2[%dma_wait3A_208, %dma_wait3A_209] : memref<10000x128xf32, #tpu.memory_space<hbm>> -> memref<10000x128xf32, #tpu.memory_space<hbm>>
      tpu.wait_indirect_dma semaphore(%arg14 : memref<!tpu.dma_semaphore, #tpu.memory_space<semaphore_mem>>) src(%dma_wait3A_210 : memref<10000x128xf32, #tpu.memory_space<hbm>>) dst(%dma_wait3A_204 : memref<40x128xf32, #tpu.memory_space<vmem>>)
      %dma_wait3A_211 = arith.constant 160 : i32
      %dma_wait3A_212 = arith.constant 0 : i32
      %dma_wait3A_213 = tpu.memref_slice %arg11[%dma_wait3A_211, %dma_wait3A_212] : memref<200x128xf32, #tpu.memory_space<vmem>> -> memref<40x128xf32, #tpu.memory_space<vmem>>
      %dma_wait3A_214 = arith.constant 0 : i32
      %dma_wait3A_215 = tpu.memref_slice %arg9[%add3A_121, %dma_wait3A_214] : memref<250x40xi32, #tpu.memory_space<vmem>> -> memref<1x40xi32, #tpu.memory_space<vmem>>
      %dma_wait3A_216 = tpu.memref_squeeze %dma_wait3A_215 : memref<1x40xi32, #tpu.memory_space<vmem>> -> memref<40xi32, #tpu.memory_space<vmem>>
      %dma_wait3A_217 = arith.constant 0 : i32
      %dma_wait3A_218 = arith.constant 0 : i32
      %dma_wait3A_219 = tpu.memref_slice %arg3[%dma_wait3A_217, %dma_wait3A_218] : memref<10000x128xf32, #tpu.memory_space<hbm>> -> memref<10000x128xf32, #tpu.memory_space<hbm>>
      tpu.wait_indirect_dma semaphore(%arg14 : memref<!tpu.dma_semaphore, #tpu.memory_space<semaphore_mem>>) src(%dma_wait3A_219 : memref<10000x128xf32, #tpu.memory_space<hbm>>) dst(%dma_wait3A_213 : memref<40x128xf32, #tpu.memory_space<vmem>>)
      %dma_start3A_220 = arith.constant 0 : i32
      %dma_start3A_221 = tpu.memref_slice %arg6[%add3A_21, %dma_start3A_220] : memref<320000x128xf32, #tpu.memory_space<hbm>> -> memref<200x128xf32, #tpu.memory_space<hbm>>
      %dma_start3A_222 = arith.constant 0 : i32
      %dma_start3A_223 = tpu.memref_slice %arg6[%add3A_21, %dma_start3A_222] : memref<320000x128xf32, #tpu.memory_space<hbm>> -> memref<200x128xf32, #tpu.memory_space<hbm>>
      tpu.enqueue_dma source(%arg10 : memref<200x128xf32, #tpu.memory_space<vmem>>) target(%dma_start3A_223 : memref<200x128xf32, #tpu.memory_space<hbm>>) target_semaphore(%arg16 : memref<!tpu.dma_semaphore, #tpu.memory_space<semaphore_mem>>)
      %dma_start3A_224 = arith.constant 0 : i32
      %dma_start3A_225 = tpu.memref_slice %arg7[%add3A_21, %dma_start3A_224] : memref<320000x128xf32, #tpu.memory_space<hbm>> -> memref<200x128xf32, #tpu.memory_space<hbm>>
      %dma_start3A_226 = arith.constant 0 : i32
      %dma_start3A_227 = tpu.memref_slice %arg7[%add3A_21, %dma_start3A_226] : memref<320000x128xf32, #tpu.memory_space<hbm>> -> memref<200x128xf32, #tpu.memory_space<hbm>>
      tpu.enqueue_dma source(%arg11 : memref<200x128xf32, #tpu.memory_space<vmem>>) target(%dma_start3A_227 : memref<200x128xf32, #tpu.memory_space<hbm>>) target_semaphore(%arg16 : memref<!tpu.dma_semaphore, #tpu.memory_space<semaphore_mem>>)
      %add3A_228 = arith.constant 5 : i32
      %add3A_229 = arith.addi %mul3A_16, %add3A_228 : i32
      %add3A_230 = arith.constant 0 : i32
      %add3A_231 = arith.addi %add3A_229, %add3A_230 : i32
      %dma_start3A_232 = arith.constant 0 : i32
      %dma_start3A_233 = arith.constant 0 : i32
      %dma_start3A_234 = tpu.memref_slice %arg12[%dma_start3A_232, %dma_start3A_233] : memref<200x128xf32, #tpu.memory_space<vmem>> -> memref<40x128xf32, #tpu.memory_space<vmem>>
      %dma_start3A_235 = arith.constant 0 : i32
      %dma_start3A_236 = tpu.memref_slice %arg8[%add3A_231, %dma_start3A_235] : memref<250x40xi32, #tpu.memory_space<vmem>> -> memref<1x40xi32, #tpu.memory_space<vmem>>
      %dma_start3A_237 = tpu.memref_squeeze %dma_start3A_236 : memref<1x40xi32, #tpu.memory_space<vmem>> -> memref<40xi32, #tpu.memory_space<vmem>>
      %dma_start3A_238 = arith.constant 0 : i32
      %dma_start3A_239 = arith.constant 0 : i32
      %dma_start3A_240 = tpu.memref_slice %arg2[%dma_start3A_238, %dma_start3A_239] : memref<10000x128xf32, #tpu.memory_space<hbm>> -> memref<10000x128xf32, #tpu.memory_space<hbm>>
      tpu.enqueue_indirect_dma source(%dma_start3A_240 : memref<10000x128xf32, #tpu.memory_space<hbm>>) target(%dma_start3A_234 : memref<40x128xf32, #tpu.memory_space<vmem>>) offsets(%dma_start3A_237 : memref<40xi32, #tpu.memory_space<vmem>>) semaphore(%arg15 : memref<!tpu.dma_semaphore, #tpu.memory_space<semaphore_mem>>)
      %add3A_241 = arith.constant 0 : i32
      %add3A_242 = arith.addi %add3A_229, %add3A_241 : i32
      %dma_start3A_243 = arith.constant 0 : i32
      %dma_start3A_244 = arith.constant 0 : i32
      %dma_start3A_245 = tpu.memref_slice %arg13[%dma_start3A_243, %dma_start3A_244] : memref<200x128xf32, #tpu.memory_space<vmem>> -> memref<40x128xf32, #tpu.memory_space<vmem>>
      %dma_start3A_246 = arith.constant 0 : i32
      %dma_start3A_247 = tpu.memref_slice %arg9[%add3A_242, %dma_start3A_246] : memref<250x40xi32, #tpu.memory_space<vmem>> -> memref<1x40xi32, #tpu.memory_space<vmem>>
      %dma_start3A_248 = tpu.memref_squeeze %dma_start3A_247 : memref<1x40xi32, #tpu.memory_space<vmem>> -> memref<40xi32, #tpu.memory_space<vmem>>
      %dma_start3A_249 = arith.constant 0 : i32
      %dma_start3A_250 = arith.constant 0 : i32
      %dma_start3A_251 = tpu.memref_slice %arg3[%dma_start3A_249, %dma_start3A_250] : memref<10000x128xf32, #tpu.memory_space<hbm>> -> memref<10000x128xf32, #tpu.memory_space<hbm>>
      tpu.enqueue_indirect_dma source(%dma_start3A_251 : memref<10000x128xf32, #tpu.memory_space<hbm>>) target(%dma_start3A_245 : memref<40x128xf32, #tpu.memory_space<vmem>>) offsets(%dma_start3A_248 : memref<40xi32, #tpu.memory_space<vmem>>) semaphore(%arg15 : memref<!tpu.dma_semaphore, #tpu.memory_space<semaphore_mem>>)
      %add3A_252 = arith.constant 1 : i32
      %add3A_253 = arith.addi %add3A_229, %add3A_252 : i32
      %dma_start3A_254 = arith.constant 40 : i32
      %dma_start3A_255 = arith.constant 0 : i32
      %dma_start3A_256 = tpu.memref_slice %arg12[%dma_start3A_254, %dma_start3A_255] : memref<200x128xf32, #tpu.memory_space<vmem>> -> memref<40x128xf32, #tpu.memory_space<vmem>>
      %dma_start3A_257 = arith.constant 0 : i32
      %dma_start3A_258 = tpu.memref_slice %arg8[%add3A_253, %dma_start3A_257] : memref<250x40xi32, #tpu.memory_space<vmem>> -> memref<1x40xi32, #tpu.memory_space<vmem>>
      %dma_start3A_259 = tpu.memref_squeeze %dma_start3A_258 : memref<1x40xi32, #tpu.memory_space<vmem>> -> memref<40xi32, #tpu.memory_space<vmem>>
      %dma_start3A_260 = arith.constant 0 : i32
      %dma_start3A_261 = arith.constant 0 : i32
      %dma_start3A_262 = tpu.memref_slice %arg2[%dma_start3A_260, %dma_start3A_261] : memref<10000x128xf32, #tpu.memory_space<hbm>> -> memref<10000x128xf32, #tpu.memory_space<hbm>>
      tpu.enqueue_indirect_dma source(%dma_start3A_262 : memref<10000x128xf32, #tpu.memory_space<hbm>>) target(%dma_start3A_256 : memref<40x128xf32, #tpu.memory_space<vmem>>) offsets(%dma_start3A_259 : memref<40xi32, #tpu.memory_space<vmem>>) semaphore(%arg15 : memref<!tpu.dma_semaphore, #tpu.memory_space<semaphore_mem>>)
      %add3A_263 = arith.constant 1 : i32
      %add3A_264 = arith.addi %add3A_229, %add3A_263 : i32
      %dma_start3A_265 = arith.constant 40 : i32
      %dma_start3A_266 = arith.constant 0 : i32
      %dma_start3A_267 = tpu.memref_slice %arg13[%dma_start3A_265, %dma_start3A_266] : memref<200x128xf32, #tpu.memory_space<vmem>> -> memref<40x128xf32, #tpu.memory_space<vmem>>
      %dma_start3A_268 = arith.constant 0 : i32
      %dma_start3A_269 = tpu.memref_slice %arg9[%add3A_264, %dma_start3A_268] : memref<250x40xi32, #tpu.memory_space<vmem>> -> memref<1x40xi32, #tpu.memory_space<vmem>>
      %dma_start3A_270 = tpu.memref_squeeze %dma_start3A_269 : memref<1x40xi32, #tpu.memory_space<vmem>> -> memref<40xi32, #tpu.memory_space<vmem>>
      %dma_start3A_271 = arith.constant 0 : i32
      %dma_start3A_272 = arith.constant 0 : i32
      %dma_start3A_273 = tpu.memref_slice %arg3[%dma_start3A_271, %dma_start3A_272] : memref<10000x128xf32, #tpu.memory_space<hbm>> -> memref<10000x128xf32, #tpu.memory_space<hbm>>
      tpu.enqueue_indirect_dma source(%dma_start3A_273 : memref<10000x128xf32, #tpu.memory_space<hbm>>) target(%dma_start3A_267 : memref<40x128xf32, #tpu.memory_space<vmem>>) offsets(%dma_start3A_270 : memref<40xi32, #tpu.memory_space<vmem>>) semaphore(%arg15 : memref<!tpu.dma_semaphore, #tpu.memory_space<semaphore_mem>>)
      %add3A_274 = arith.constant 2 : i32
      %add3A_275 = arith.addi %add3A_229, %add3A_274 : i32
      %dma_start3A_276 = arith.constant 80 : i32
      %dma_start3A_277 = arith.constant 0 : i32
      %dma_start3A_278 = tpu.memref_slice %arg12[%dma_start3A_276, %dma_start3A_277] : memref<200x128xf32, #tpu.memory_space<vmem>> -> memref<40x128xf32, #tpu.memory_space<vmem>>
      %dma_start3A_279 = arith.constant 0 : i32
      %dma_start3A_280 = tpu.memref_slice %arg8[%add3A_275, %dma_start3A_279] : memref<250x40xi32, #tpu.memory_space<vmem>> -> memref<1x40xi32, #tpu.memory_space<vmem>>
      %dma_start3A_281 = tpu.memref_squeeze %dma_start3A_280 : memref<1x40xi32, #tpu.memory_space<vmem>> -> memref<40xi32, #tpu.memory_space<vmem>>
      %dma_start3A_282 = arith.constant 0 : i32
      %dma_start3A_283 = arith.constant 0 : i32
      %dma_start3A_284 = tpu.memref_slice %arg2[%dma_start3A_282, %dma_start3A_283] : memref<10000x128xf32, #tpu.memory_space<hbm>> -> memref<10000x128xf32, #tpu.memory_space<hbm>>
      tpu.enqueue_indirect_dma source(%dma_start3A_284 : memref<10000x128xf32, #tpu.memory_space<hbm>>) target(%dma_start3A_278 : memref<40x128xf32, #tpu.memory_space<vmem>>) offsets(%dma_start3A_281 : memref<40xi32, #tpu.memory_space<vmem>>) semaphore(%arg15 : memref<!tpu.dma_semaphore, #tpu.memory_space<semaphore_mem>>)
      %add3A_285 = arith.constant 2 : i32
      %add3A_286 = arith.addi %add3A_229, %add3A_285 : i32
      %dma_start3A_287 = arith.constant 80 : i32
      %dma_start3A_288 = arith.constant 0 : i32
      %dma_start3A_289 = tpu.memref_slice %arg13[%dma_start3A_287, %dma_start3A_288] : memref<200x128xf32, #tpu.memory_space<vmem>> -> memref<40x128xf32, #tpu.memory_space<vmem>>
      %dma_start3A_290 = arith.constant 0 : i32
      %dma_start3A_291 = tpu.memref_slice %arg9[%add3A_286, %dma_start3A_290] : memref<250x40xi32, #tpu.memory_space<vmem>> -> memref<1x40xi32, #tpu.memory_space<vmem>>
      %dma_start3A_292 = tpu.memref_squeeze %dma_start3A_291 : memref<1x40xi32, #tpu.memory_space<vmem>> -> memref<40xi32, #tpu.memory_space<vmem>>
      %dma_start3A_293 = arith.constant 0 : i32
      %dma_start3A_294 = arith.constant 0 : i32
      %dma_start3A_295 = tpu.memref_slice %arg3[%dma_start3A_293, %dma_start3A_294] : memref<10000x128xf32, #tpu.memory_space<hbm>> -> memref<10000x128xf32, #tpu.memory_space<hbm>>
      tpu.enqueue_indirect_dma source(%dma_start3A_295 : memref<10000x128xf32, #tpu.memory_space<hbm>>) target(%dma_start3A_289 : memref<40x128xf32, #tpu.memory_space<vmem>>) offsets(%dma_start3A_292 : memref<40xi32, #tpu.memory_space<vmem>>) semaphore(%arg15 : memref<!tpu.dma_semaphore, #tpu.memory_space<semaphore_mem>>)
      %add3A_296 = arith.constant 3 : i32
      %add3A_297 = arith.addi %add3A_229, %add3A_296 : i32
      %dma_start3A_298 = arith.constant 120 : i32
      %dma_start3A_299 = arith.constant 0 : i32
      %dma_start3A_300 = tpu.memref_slice %arg12[%dma_start3A_298, %dma_start3A_299] : memref<200x128xf32, #tpu.memory_space<vmem>> -> memref<40x128xf32, #tpu.memory_space<vmem>>
      %dma_start3A_301 = arith.constant 0 : i32
      %dma_start3A_302 = tpu.memref_slice %arg8[%add3A_297, %dma_start3A_301] : memref<250x40xi32, #tpu.memory_space<vmem>> -> memref<1x40xi32, #tpu.memory_space<vmem>>
      %dma_start3A_303 = tpu.memref_squeeze %dma_start3A_302 : memref<1x40xi32, #tpu.memory_space<vmem>> -> memref<40xi32, #tpu.memory_space<vmem>>
      %dma_start3A_304 = arith.constant 0 : i32
      %dma_start3A_305 = arith.constant 0 : i32
      %dma_start3A_306 = tpu.memref_slice %arg2[%dma_start3A_304, %dma_start3A_305] : memref<10000x128xf32, #tpu.memory_space<hbm>> -> memref<10000x128xf32, #tpu.memory_space<hbm>>
      tpu.enqueue_indirect_dma source(%dma_start3A_306 : memref<10000x128xf32, #tpu.memory_space<hbm>>) target(%dma_start3A_300 : memref<40x128xf32, #tpu.memory_space<vmem>>) offsets(%dma_start3A_303 : memref<40xi32, #tpu.memory_space<vmem>>) semaphore(%arg15 : memref<!tpu.dma_semaphore, #tpu.memory_space<semaphore_mem>>)
      %add3A_307 = arith.constant 3 : i32
      %add3A_308 = arith.addi %add3A_229, %add3A_307 : i32
      %dma_start3A_309 = arith.constant 120 : i32
      %dma_start3A_310 = arith.constant 0 : i32
      %dma_start3A_311 = tpu.memref_slice %arg13[%dma_start3A_309, %dma_start3A_310] : memref<200x128xf32, #tpu.memory_space<vmem>> -> memref<40x128xf32, #tpu.memory_space<vmem>>
      %dma_start3A_312 = arith.constant 0 : i32
      %dma_start3A_313 = tpu.memref_slice %arg9[%add3A_308, %dma_start3A_312] : memref<250x40xi32, #tpu.memory_space<vmem>> -> memref<1x40xi32, #tpu.memory_space<vmem>>
      %dma_start3A_314 = tpu.memref_squeeze %dma_start3A_313 : memref<1x40xi32, #tpu.memory_space<vmem>> -> memref<40xi32, #tpu.memory_space<vmem>>
      %dma_start3A_315 = arith.constant 0 : i32
      %dma_start3A_316 = arith.constant 0 : i32
      %dma_start3A_317 = tpu.memref_slice %arg3[%dma_start3A_315, %dma_start3A_316] : memref<10000x128xf32, #tpu.memory_space<hbm>> -> memref<10000x128xf32, #tpu.memory_space<hbm>>
      tpu.enqueue_indirect_dma source(%dma_start3A_317 : memref<10000x128xf32, #tpu.memory_space<hbm>>) target(%dma_start3A_311 : memref<40x128xf32, #tpu.memory_space<vmem>>) offsets(%dma_start3A_314 : memref<40xi32, #tpu.memory_space<vmem>>) semaphore(%arg15 : memref<!tpu.dma_semaphore, #tpu.memory_space<semaphore_mem>>)
      %add3A_318 = arith.constant 4 : i32
      %add3A_319 = arith.addi %add3A_229, %add3A_318 : i32
      %dma_start3A_320 = arith.constant 160 : i32
      %dma_start3A_321 = arith.constant 0 : i32
      %dma_start3A_322 = tpu.memref_slice %arg12[%dma_start3A_320, %dma_start3A_321] : memref<200x128xf32, #tpu.memory_space<vmem>> -> memref<40x128xf32, #tpu.memory_space<vmem>>
      %dma_start3A_323 = arith.constant 0 : i32
      %dma_start3A_324 = tpu.memref_slice %arg8[%add3A_319, %dma_start3A_323] : memref<250x40xi32, #tpu.memory_space<vmem>> -> memref<1x40xi32, #tpu.memory_space<vmem>>
      %dma_start3A_325 = tpu.memref_squeeze %dma_start3A_324 : memref<1x40xi32, #tpu.memory_space<vmem>> -> memref<40xi32, #tpu.memory_space<vmem>>
      %dma_start3A_326 = arith.constant 0 : i32
      %dma_start3A_327 = arith.constant 0 : i32
      %dma_start3A_328 = tpu.memref_slice %arg2[%dma_start3A_326, %dma_start3A_327] : memref<10000x128xf32, #tpu.memory_space<hbm>> -> memref<10000x128xf32, #tpu.memory_space<hbm>>
      tpu.enqueue_indirect_dma source(%dma_start3A_328 : memref<10000x128xf32, #tpu.memory_space<hbm>>) target(%dma_start3A_322 : memref<40x128xf32, #tpu.memory_space<vmem>>) offsets(%dma_start3A_325 : memref<40xi32, #tpu.memory_space<vmem>>) semaphore(%arg15 : memref<!tpu.dma_semaphore, #tpu.memory_space<semaphore_mem>>)
      %add3A_329 = arith.constant 4 : i32
      %add3A_330 = arith.addi %add3A_229, %add3A_329 : i32
      %dma_start3A_331 = arith.constant 160 : i32
      %dma_start3A_332 = arith.constant 0 : i32
      %dma_start3A_333 = tpu.memref_slice %arg13[%dma_start3A_331, %dma_start3A_332] : memref<200x128xf32, #tpu.memory_space<vmem>> -> memref<40x128xf32, #tpu.memory_space<vmem>>
      %dma_start3A_334 = arith.constant 0 : i32
      %dma_start3A_335 = tpu.memref_slice %arg9[%add3A_330, %dma_start3A_334] : memref<250x40xi32, #tpu.memory_space<vmem>> -> memref<1x40xi32, #tpu.memory_space<vmem>>
      %dma_start3A_336 = tpu.memref_squeeze %dma_start3A_335 : memref<1x40xi32, #tpu.memory_space<vmem>> -> memref<40xi32, #tpu.memory_space<vmem>>
      %dma_start3A_337 = arith.constant 0 : i32
      %dma_start3A_338 = arith.constant 0 : i32
      %dma_start3A_339 = tpu.memref_slice %arg3[%dma_start3A_337, %dma_start3A_338] : memref<10000x128xf32, #tpu.memory_space<hbm>> -> memref<10000x128xf32, #tpu.memory_space<hbm>>
      tpu.enqueue_indirect_dma source(%dma_start3A_339 : memref<10000x128xf32, #tpu.memory_space<hbm>>) target(%dma_start3A_333 : memref<40x128xf32, #tpu.memory_space<vmem>>) offsets(%dma_start3A_336 : memref<40xi32, #tpu.memory_space<vmem>>) semaphore(%arg15 : memref<!tpu.dma_semaphore, #tpu.memory_space<semaphore_mem>>)
      %dma_wait3A_340 = arith.constant 0 : i32
      %dma_wait3A_341 = arith.constant 0 : i32
      %dma_wait3A_342 = tpu.memref_slice %arg12[%dma_wait3A_340, %dma_wait3A_341] : memref<200x128xf32, #tpu.memory_space<vmem>> -> memref<40x128xf32, #tpu.memory_space<vmem>>
      %dma_wait3A_343 = arith.constant 0 : i32
      %dma_wait3A_344 = tpu.memref_slice %arg8[%add3A_231, %dma_wait3A_343] : memref<250x40xi32, #tpu.memory_space<vmem>> -> memref<1x40xi32, #tpu.memory_space<vmem>>
      %dma_wait3A_345 = tpu.memref_squeeze %dma_wait3A_344 : memref<1x40xi32, #tpu.memory_space<vmem>> -> memref<40xi32, #tpu.memory_space<vmem>>
      %dma_wait3A_346 = arith.constant 0 : i32
      %dma_wait3A_347 = arith.constant 0 : i32
      %dma_wait3A_348 = tpu.memref_slice %arg2[%dma_wait3A_346, %dma_wait3A_347] : memref<10000x128xf32, #tpu.memory_space<hbm>> -> memref<10000x128xf32, #tpu.memory_space<hbm>>
      tpu.wait_indirect_dma semaphore(%arg15 : memref<!tpu.dma_semaphore, #tpu.memory_space<semaphore_mem>>) src(%dma_wait3A_348 : memref<10000x128xf32, #tpu.memory_space<hbm>>) dst(%dma_wait3A_342 : memref<40x128xf32, #tpu.memory_space<vmem>>)
      %dma_wait3A_349 = arith.constant 0 : i32
      %dma_wait3A_350 = arith.constant 0 : i32
      %dma_wait3A_351 = tpu.memref_slice %arg13[%dma_wait3A_349, %dma_wait3A_350] : memref<200x128xf32, #tpu.memory_space<vmem>> -> memref<40x128xf32, #tpu.memory_space<vmem>>
      %dma_wait3A_352 = arith.constant 0 : i32
      %dma_wait3A_353 = tpu.memref_slice %arg9[%add3A_242, %dma_wait3A_352] : memref<250x40xi32, #tpu.memory_space<vmem>> -> memref<1x40xi32, #tpu.memory_space<vmem>>
      %dma_wait3A_354 = tpu.memref_squeeze %dma_wait3A_353 : memref<1x40xi32, #tpu.memory_space<vmem>> -> memref<40xi32, #tpu.memory_space<vmem>>
      %dma_wait3A_355 = arith.constant 0 : i32
      %dma_wait3A_356 = arith.constant 0 : i32
      %dma_wait3A_357 = tpu.memref_slice %arg3[%dma_wait3A_355, %dma_wait3A_356] : memref<10000x128xf32, #tpu.memory_space<hbm>> -> memref<10000x128xf32, #tpu.memory_space<hbm>>
      tpu.wait_indirect_dma semaphore(%arg15 : memref<!tpu.dma_semaphore, #tpu.memory_space<semaphore_mem>>) src(%dma_wait3A_357 : memref<10000x128xf32, #tpu.memory_space<hbm>>) dst(%dma_wait3A_351 : memref<40x128xf32, #tpu.memory_space<vmem>>)
      %dma_wait3A_358 = arith.constant 40 : i32
      %dma_wait3A_359 = arith.constant 0 : i32
      %dma_wait3A_360 = tpu.memref_slice %arg12[%dma_wait3A_358, %dma_wait3A_359] : memref<200x128xf32, #tpu.memory_space<vmem>> -> memref<40x128xf32, #tpu.memory_space<vmem>>
      %dma_wait3A_361 = arith.constant 0 : i32
      %dma_wait3A_362 = tpu.memref_slice %arg8[%add3A_253, %dma_wait3A_361] : memref<250x40xi32, #tpu.memory_space<vmem>> -> memref<1x40xi32, #tpu.memory_space<vmem>>
      %dma_wait3A_363 = tpu.memref_squeeze %dma_wait3A_362 : memref<1x40xi32, #tpu.memory_space<vmem>> -> memref<40xi32, #tpu.memory_space<vmem>>
      %dma_wait3A_364 = arith.constant 0 : i32
      %dma_wait3A_365 = arith.constant 0 : i32
      %dma_wait3A_366 = tpu.memref_slice %arg2[%dma_wait3A_364, %dma_wait3A_365] : memref<10000x128xf32, #tpu.memory_space<hbm>> -> memref<10000x128xf32, #tpu.memory_space<hbm>>
      tpu.wait_indirect_dma semaphore(%arg15 : memref<!tpu.dma_semaphore, #tpu.memory_space<semaphore_mem>>) src(%dma_wait3A_366 : memref<10000x128xf32, #tpu.memory_space<hbm>>) dst(%dma_wait3A_360 : memref<40x128xf32, #tpu.memory_space<vmem>>)
      %dma_wait3A_367 = arith.constant 40 : i32
      %dma_wait3A_368 = arith.constant 0 : i32
      %dma_wait3A_369 = tpu.memref_slice %arg13[%dma_wait3A_367, %dma_wait3A_368] : memref<200x128xf32, #tpu.memory_space<vmem>> -> memref<40x128xf32, #tpu.memory_space<vmem>>
      %dma_wait3A_370 = arith.constant 0 : i32
      %dma_wait3A_371 = tpu.memref_slice %arg9[%add3A_264, %dma_wait3A_370] : memref<250x40xi32, #tpu.memory_space<vmem>> -> memref<1x40xi32, #tpu.memory_space<vmem>>
      %dma_wait3A_372 = tpu.memref_squeeze %dma_wait3A_371 : memref<1x40xi32, #tpu.memory_space<vmem>> -> memref<40xi32, #tpu.memory_space<vmem>>
      %dma_wait3A_373 = arith.constant 0 : i32
      %dma_wait3A_374 = arith.constant 0 : i32
      %dma_wait3A_375 = tpu.memref_slice %arg3[%dma_wait3A_373, %dma_wait3A_374] : memref<10000x128xf32, #tpu.memory_space<hbm>> -> memref<10000x128xf32, #tpu.memory_space<hbm>>
      tpu.wait_indirect_dma semaphore(%arg15 : memref<!tpu.dma_semaphore, #tpu.memory_space<semaphore_mem>>) src(%dma_wait3A_375 : memref<10000x128xf32, #tpu.memory_space<hbm>>) dst(%dma_wait3A_369 : memref<40x128xf32, #tpu.memory_space<vmem>>)
      %dma_wait3A_376 = arith.constant 80 : i32
      %dma_wait3A_377 = arith.constant 0 : i32
      %dma_wait3A_378 = tpu.memref_slice %arg12[%dma_wait3A_376, %dma_wait3A_377] : memref<200x128xf32, #tpu.memory_space<vmem>> -> memref<40x128xf32, #tpu.memory_space<vmem>>
      %dma_wait3A_379 = arith.constant 0 : i32
      %dma_wait3A_380 = tpu.memref_slice %arg8[%add3A_275, %dma_wait3A_379] : memref<250x40xi32, #tpu.memory_space<vmem>> -> memref<1x40xi32, #tpu.memory_space<vmem>>
      %dma_wait3A_381 = tpu.memref_squeeze %dma_wait3A_380 : memref<1x40xi32, #tpu.memory_space<vmem>> -> memref<40xi32, #tpu.memory_space<vmem>>
      %dma_wait3A_382 = arith.constant 0 : i32
      %dma_wait3A_383 = arith.constant 0 : i32
      %dma_wait3A_384 = tpu.memref_slice %arg2[%dma_wait3A_382, %dma_wait3A_383] : memref<10000x128xf32, #tpu.memory_space<hbm>> -> memref<10000x128xf32, #tpu.memory_space<hbm>>
      tpu.wait_indirect_dma semaphore(%arg15 : memref<!tpu.dma_semaphore, #tpu.memory_space<semaphore_mem>>) src(%dma_wait3A_384 : memref<10000x128xf32, #tpu.memory_space<hbm>>) dst(%dma_wait3A_378 : memref<40x128xf32, #tpu.memory_space<vmem>>)
      %dma_wait3A_385 = arith.constant 80 : i32
      %dma_wait3A_386 = arith.constant 0 : i32
      %dma_wait3A_387 = tpu.memref_slice %arg13[%dma_wait3A_385, %dma_wait3A_386] : memref<200x128xf32, #tpu.memory_space<vmem>> -> memref<40x128xf32, #tpu.memory_space<vmem>>
      %dma_wait3A_388 = arith.constant 0 : i32
      %dma_wait3A_389 = tpu.memref_slice %arg9[%add3A_286, %dma_wait3A_388] : memref<250x40xi32, #tpu.memory_space<vmem>> -> memref<1x40xi32, #tpu.memory_space<vmem>>
      %dma_wait3A_390 = tpu.memref_squeeze %dma_wait3A_389 : memref<1x40xi32, #tpu.memory_space<vmem>> -> memref<40xi32, #tpu.memory_space<vmem>>
      %dma_wait3A_391 = arith.constant 0 : i32
      %dma_wait3A_392 = arith.constant 0 : i32
      %dma_wait3A_393 = tpu.memref_slice %arg3[%dma_wait3A_391, %dma_wait3A_392] : memref<10000x128xf32, #tpu.memory_space<hbm>> -> memref<10000x128xf32, #tpu.memory_space<hbm>>
      tpu.wait_indirect_dma semaphore(%arg15 : memref<!tpu.dma_semaphore, #tpu.memory_space<semaphore_mem>>) src(%dma_wait3A_393 : memref<10000x128xf32, #tpu.memory_space<hbm>>) dst(%dma_wait3A_387 : memref<40x128xf32, #tpu.memory_space<vmem>>)
      %dma_wait3A_394 = arith.constant 120 : i32
      %dma_wait3A_395 = arith.constant 0 : i32
      %dma_wait3A_396 = tpu.memref_slice %arg12[%dma_wait3A_394, %dma_wait3A_395] : memref<200x128xf32, #tpu.memory_space<vmem>> -> memref<40x128xf32, #tpu.memory_space<vmem>>
      %dma_wait3A_397 = arith.constant 0 : i32
      %dma_wait3A_398 = tpu.memref_slice %arg8[%add3A_297, %dma_wait3A_397] : memref<250x40xi32, #tpu.memory_space<vmem>> -> memref<1x40xi32, #tpu.memory_space<vmem>>
      %dma_wait3A_399 = tpu.memref_squeeze %dma_wait3A_398 : memref<1x40xi32, #tpu.memory_space<vmem>> -> memref<40xi32, #tpu.memory_space<vmem>>
      %dma_wait3A_400 = arith.constant 0 : i32
      %dma_wait3A_401 = arith.constant 0 : i32
      %dma_wait3A_402 = tpu.memref_slice %arg2[%dma_wait3A_400, %dma_wait3A_401] : memref<10000x128xf32, #tpu.memory_space<hbm>> -> memref<10000x128xf32, #tpu.memory_space<hbm>>
      tpu.wait_indirect_dma semaphore(%arg15 : memref<!tpu.dma_semaphore, #tpu.memory_space<semaphore_mem>>) src(%dma_wait3A_402 : memref<10000x128xf32, #tpu.memory_space<hbm>>) dst(%dma_wait3A_396 : memref<40x128xf32, #tpu.memory_space<vmem>>)
      %dma_wait3A_403 = arith.constant 120 : i32
      %dma_wait3A_404 = arith.constant 0 : i32
      %dma_wait3A_405 = tpu.memref_slice %arg13[%dma_wait3A_403, %dma_wait3A_404] : memref<200x128xf32, #tpu.memory_space<vmem>> -> memref<40x128xf32, #tpu.memory_space<vmem>>
      %dma_wait3A_406 = arith.constant 0 : i32
      %dma_wait3A_407 = tpu.memref_slice %arg9[%add3A_308, %dma_wait3A_406] : memref<250x40xi32, #tpu.memory_space<vmem>> -> memref<1x40xi32, #tpu.memory_space<vmem>>
      %dma_wait3A_408 = tpu.memref_squeeze %dma_wait3A_407 : memref<1x40xi32, #tpu.memory_space<vmem>> -> memref<40xi32, #tpu.memory_space<vmem>>
      %dma_wait3A_409 = arith.constant 0 : i32
      %dma_wait3A_410 = arith.constant 0 : i32
      %dma_wait3A_411 = tpu.memref_slice %arg3[%dma_wait3A_409, %dma_wait3A_410] : memref<10000x128xf32, #tpu.memory_space<hbm>> -> memref<10000x128xf32, #tpu.memory_space<hbm>>
      tpu.wait_indirect_dma semaphore(%arg15 : memref<!tpu.dma_semaphore, #tpu.memory_space<semaphore_mem>>) src(%dma_wait3A_411 : memref<10000x128xf32, #tpu.memory_space<hbm>>) dst(%dma_wait3A_405 : memref<40x128xf32, #tpu.memory_space<vmem>>)
      %dma_wait3A_412 = arith.constant 160 : i32
      %dma_wait3A_413 = arith.constant 0 : i32
      %dma_wait3A_414 = tpu.memref_slice %arg12[%dma_wait3A_412, %dma_wait3A_413] : memref<200x128xf32, #tpu.memory_space<vmem>> -> memref<40x128xf32, #tpu.memory_space<vmem>>
      %dma_wait3A_415 = arith.constant 0 : i32
      %dma_wait3A_416 = tpu.memref_slice %arg8[%add3A_319, %dma_wait3A_415] : memref<250x40xi32, #tpu.memory_space<vmem>> -> memref<1x40xi32, #tpu.memory_space<vmem>>
      %dma_wait3A_417 = tpu.memref_squeeze %dma_wait3A_416 : memref<1x40xi32, #tpu.memory_space<vmem>> -> memref<40xi32, #tpu.memory_space<vmem>>
      %dma_wait3A_418 = arith.constant 0 : i32
      %dma_wait3A_419 = arith.constant 0 : i32
      %dma_wait3A_420 = tpu.memref_slice %arg2[%dma_wait3A_418, %dma_wait3A_419] : memref<10000x128xf32, #tpu.memory_space<hbm>> -> memref<10000x128xf32, #tpu.memory_space<hbm>>
      tpu.wait_indirect_dma semaphore(%arg15 : memref<!tpu.dma_semaphore, #tpu.memory_space<semaphore_mem>>) src(%dma_wait3A_420 : memref<10000x128xf32, #tpu.memory_space<hbm>>) dst(%dma_wait3A_414 : memref<40x128xf32, #tpu.memory_space<vmem>>)
      %dma_wait3A_421 = arith.constant 160 : i32
      %dma_wait3A_422 = arith.constant 0 : i32
      %dma_wait3A_423 = tpu.memref_slice %arg13[%dma_wait3A_421, %dma_wait3A_422] : memref<200x128xf32, #tpu.memory_space<vmem>> -> memref<40x128xf32, #tpu.memory_space<vmem>>
      %dma_wait3A_424 = arith.constant 0 : i32
      %dma_wait3A_425 = tpu.memref_slice %arg9[%add3A_330, %dma_wait3A_424] : memref<250x40xi32, #tpu.memory_space<vmem>> -> memref<1x40xi32, #tpu.memory_space<vmem>>
      %dma_wait3A_426 = tpu.memref_squeeze %dma_wait3A_425 : memref<1x40xi32, #tpu.memory_space<vmem>> -> memref<40xi32, #tpu.memory_space<vmem>>
      %dma_wait3A_427 = arith.constant 0 : i32
      %dma_wait3A_428 = arith.constant 0 : i32
      %dma_wait3A_429 = tpu.memref_slice %arg3[%dma_wait3A_427, %dma_wait3A_428] : memref<10000x128xf32, #tpu.memory_space<hbm>> -> memref<10000x128xf32, #tpu.memory_space<hbm>>
      tpu.wait_indirect_dma semaphore(%arg15 : memref<!tpu.dma_semaphore, #tpu.memory_space<semaphore_mem>>) src(%dma_wait3A_429 : memref<10000x128xf32, #tpu.memory_space<hbm>>) dst(%dma_wait3A_423 : memref<40x128xf32, #tpu.memory_space<vmem>>)
      %dma_wait3A_430 = arith.constant 0 : i32
      %dma_wait3A_431 = tpu.memref_slice %arg6[%add3A_21, %dma_wait3A_430] : memref<320000x128xf32, #tpu.memory_space<hbm>> -> memref<200x128xf32, #tpu.memory_space<hbm>>
      %dma_wait3A_432 = arith.constant 0 : i32
      %dma_wait3A_433 = tpu.memref_slice %arg6[%add3A_21, %dma_wait3A_432] : memref<320000x128xf32, #tpu.memory_space<hbm>> -> memref<200x128xf32, #tpu.memory_space<hbm>>
      tpu.wait_dma2 semaphore(%arg16 : memref<!tpu.dma_semaphore, #tpu.memory_space<semaphore_mem>>) src(%arg10 : memref<200x128xf32, #tpu.memory_space<vmem>>) dst(%dma_wait3A_433 : memref<200x128xf32, #tpu.memory_space<hbm>>)
      %dma_wait3A_434 = arith.constant 0 : i32
      %dma_wait3A_435 = tpu.memref_slice %arg7[%add3A_21, %dma_wait3A_434] : memref<320000x128xf32, #tpu.memory_space<hbm>> -> memref<200x128xf32, #tpu.memory_space<hbm>>
      %dma_wait3A_436 = arith.constant 0 : i32
      %dma_wait3A_437 = tpu.memref_slice %arg7[%add3A_21, %dma_wait3A_436] : memref<320000x128xf32, #tpu.memory_space<hbm>> -> memref<200x128xf32, #tpu.memory_space<hbm>>
      tpu.wait_dma2 semaphore(%arg16 : memref<!tpu.dma_semaphore, #tpu.memory_space<semaphore_mem>>) src(%arg11 : memref<200x128xf32, #tpu.memory_space<vmem>>) dst(%dma_wait3A_437 : memref<200x128xf32, #tpu.memory_space<hbm>>)
      %add3A_438 = arith.constant 200 : i32
      %add3A_439 = arith.addi %add3A_21, %add3A_438 : i32
      "tpu.region"() ({
        %run_scoped3A = tpu.sem_alloc : memref<!tpu.dma_semaphore, #tpu.memory_space<semaphore_mem>>
        %dma_start3A_443 = arith.constant 0 : i32
        %dma_start3A_444 = tpu.memref_slice %arg6[%add3A_439, %dma_start3A_443] : memref<320000x128xf32, #tpu.memory_space<hbm>> -> memref<200x128xf32, #tpu.memory_space<hbm>>
        %dma_start3A_445 = arith.constant 0 : i32
        %dma_start3A_446 = tpu.memref_slice %arg6[%add3A_439, %dma_start3A_445] : memref<320000x128xf32, #tpu.memory_space<hbm>> -> memref<200x128xf32, #tpu.memory_space<hbm>>
        tpu.enqueue_dma source(%arg12 : memref<200x128xf32, #tpu.memory_space<vmem>>) target(%dma_start3A_446 : memref<200x128xf32, #tpu.memory_space<hbm>>) target_semaphore(%run_scoped3A : memref<!tpu.dma_semaphore, #tpu.memory_space<semaphore_mem>>)
        %dma_wait3A_447 = arith.constant 0 : i32
        %dma_wait3A_448 = tpu.memref_slice %arg6[%add3A_439, %dma_wait3A_447] : memref<320000x128xf32, #tpu.memory_space<hbm>> -> memref<200x128xf32, #tpu.memory_space<hbm>>
        %dma_wait3A_449 = arith.constant 0 : i32
        %dma_wait3A_450 = tpu.memref_slice %arg6[%add3A_439, %dma_wait3A_449] : memref<320000x128xf32, #tpu.memory_space<hbm>> -> memref<200x128xf32, #tpu.memory_space<hbm>>
        tpu.wait_dma2 semaphore(%run_scoped3A : memref<!tpu.dma_semaphore, #tpu.memory_space<semaphore_mem>>) src(%arg12 : memref<200x128xf32, #tpu.memory_space<vmem>>) dst(%dma_wait3A_450 : memref<200x128xf32, #tpu.memory_space<hbm>>)
        tpu.yield
      }) : () -> ()
      %add3A_440 = arith.constant 200 : i32
      %add3A_441 = arith.addi %add3A_21, %add3A_440 : i32
      "tpu.region"() ({
        %run_scoped3A = tpu.sem_alloc : memref<!tpu.dma_semaphore, #tpu.memory_space<semaphore_mem>>
        %dma_start3A_443 = arith.constant 0 : i32
        %dma_start3A_444 = tpu.memref_slice %arg7[%add3A_441, %dma_start3A_443] : memref<320000x128xf32, #tpu.memory_space<hbm>> -> memref<200x128xf32, #tpu.memory_space<hbm>>
        %dma_start3A_445 = arith.constant 0 : i32
        %dma_start3A_446 = tpu.memref_slice %arg7[%add3A_441, %dma_start3A_445] : memref<320000x128xf32, #tpu.memory_space<hbm>> -> memref<200x128xf32, #tpu.memory_space<hbm>>
        tpu.enqueue_dma source(%arg13 : memref<200x128xf32, #tpu.memory_space<vmem>>) target(%dma_start3A_446 : memref<200x128xf32, #tpu.memory_space<hbm>>) target_semaphore(%run_scoped3A : memref<!tpu.dma_semaphore, #tpu.memory_space<semaphore_mem>>)
        %dma_wait3A_447 = arith.constant 0 : i32
        %dma_wait3A_448 = tpu.memref_slice %arg7[%add3A_441, %dma_wait3A_447] : memref<320000x128xf32, #tpu.memory_space<hbm>> -> memref<200x128xf32, #tpu.memory_space<hbm>>
        %dma_wait3A_449 = arith.constant 0 : i32
        %dma_wait3A_450 = tpu.memref_slice %arg7[%add3A_441, %dma_wait3A_449] : memref<320000x128xf32, #tpu.memory_space<hbm>> -> memref<200x128xf32, #tpu.memory_space<hbm>>
        tpu.wait_dma2 semaphore(%run_scoped3A : memref<!tpu.dma_semaphore, #tpu.memory_space<semaphore_mem>>) src(%arg13 : memref<200x128xf32, #tpu.memory_space<vmem>>) dst(%dma_wait3A_450 : memref<200x128xf32, #tpu.memory_space<hbm>>)
        tpu.yield
      }) : () -> ()
      %scan3A_442 = arith.constant 0 : i32
      scf.yield %scan3A_442 : i32
    }
    %scan3A_10 = arith.constant 25 : i32
    return
  }
}

module attributes {stable_mosaic.version = 14 : i64} {
  func.func @_proj_body(%arg0: i32, %arg1: memref<2000x128xf32, #tpu.memory_space<vmem>>, %arg2: memref<128x128xf32, #tpu.memory_space<vmem>>, %arg3: memref<1x128xf32, #tpu.memory_space<vmem>>, %arg4: memref<128x128xf32, #tpu.memory_space<vmem>>, %arg5: memref<1x128xf32, #tpu.memory_space<vmem>>, %arg6: memref<2000x128xf32, #tpu.memory_space<vmem>>, %arg7: memref<2000x128xf32, #tpu.memory_space<vmem>>) attributes {dimension_semantics = [#tpu.dimension_semantics<arbitrary>], iteration_bounds = array<i64: 5>, scalar_prefetch = 0 : i64, scratch_operands = 0 : i64, tpu.core_type = #tpu.core_type<tc>, window_params = [{transform_indices = @transform_0, window_bounds = array<i64: 2000, 128>}, {pipeline_mode = #tpu.pipeline_mode<synchronous>, transform_indices = @transform_1, window_bounds = array<i64: 128, 128>}, {pipeline_mode = #tpu.pipeline_mode<synchronous>, transform_indices = @transform_2, window_bounds = array<i64: 1, 128>}, {pipeline_mode = #tpu.pipeline_mode<synchronous>, transform_indices = @transform_3, window_bounds = array<i64: 128, 128>}, {pipeline_mode = #tpu.pipeline_mode<synchronous>, transform_indices = @transform_4, window_bounds = array<i64: 1, 128>}, {transform_indices = @transform_5, window_bounds = array<i64: 2000, 128>}, {transform_indices = @transform_6, window_bounds = array<i64: 2000, 128>}]} {
    %get3A = arith.constant 0 : index
    %get3A_0 = arith.constant 0 : index
    %get3A_1 = vector.load %arg1[%get3A, %get3A_0] : memref<2000x128xf32, #tpu.memory_space<vmem>>, vector<2000x128xf32>
    %get3A_2 = arith.constant 0 : index
    %get3A_3 = arith.constant 0 : index
    %get3A_4 = vector.load %arg2[%get3A_2, %get3A_3] : memref<128x128xf32, #tpu.memory_space<vmem>>, vector<128x128xf32>
    %dot_general3A = arith.constant dense<0.000000e+00> : vector<2000x128xf32>
    %dot_general3A_5 = tpu.matmul %get3A_1, %get3A_4, %dot_general3A {dimension_numbers = #tpu.dot_dimension_numbers<[1], [0], [0], [1], [0, 0, 1, 1], [], []>, transpose_lhs_hint = false} : vector<2000x128xf32>, vector<128x128xf32>, vector<2000x128xf32> -> vector<2000x128xf32>
    %get3A_6 = arith.constant 0 : index
    %get3A_7 = arith.constant 0 : index
    %get3A_8 = vector.load %arg3[%get3A_6, %get3A_7] : memref<1x128xf32, #tpu.memory_space<vmem>>, vector<1x128xf32>
    %add3A = vector.broadcast %get3A_8 : vector<1x128xf32> to vector<2000x128xf32>
    %add3A_9 = arith.addf %dot_general3A_5, %add3A : vector<2000x128xf32>
    %swap3A = arith.constant 0 : index
    %swap3A_10 = arith.constant 0 : index
    %swap3A_11 = vector.load %arg6[%swap3A, %swap3A_10] : memref<2000x128xf32, #tpu.memory_space<vmem>>, vector<2000x128xf32>
    tpu.vector_store %arg6[%swap3A, %swap3A_10], %add3A_9 {strides = array<i32>} : memref<2000x128xf32, #tpu.memory_space<vmem>>, vector<2000x128xf32>,
    %get3A_12 = arith.constant 0 : index
    %get3A_13 = arith.constant 0 : index
    %get3A_14 = vector.load %arg4[%get3A_12, %get3A_13] : memref<128x128xf32, #tpu.memory_space<vmem>>, vector<128x128xf32>
    %dot_general3A_15 = arith.constant dense<0.000000e+00> : vector<2000x128xf32>
    %dot_general3A_16 = tpu.matmul %get3A_1, %get3A_14, %dot_general3A_15 {dimension_numbers = #tpu.dot_dimension_numbers<[1], [0], [0], [1], [0, 0, 1, 1], [], []>, transpose_lhs_hint = false} : vector<2000x128xf32>, vector<128x128xf32>, vector<2000x128xf32> -> vector<2000x128xf32>
    %get3A_17 = arith.constant 0 : index
    %get3A_18 = arith.constant 0 : index
    %get3A_19 = vector.load %arg5[%get3A_17, %get3A_18] : memref<1x128xf32, #tpu.memory_space<vmem>>, vector<1x128xf32>
    %add3A_20 = vector.broadcast %get3A_19 : vector<1x128xf32> to vector<2000x128xf32>
    %add3A_21 = arith.addf %dot_general3A_16, %add3A_20 : vector<2000x128xf32>
    %swap3A_22 = arith.constant 0 : index
    %swap3A_23 = arith.constant 0 : index
    %swap3A_24 = vector.load %arg7[%swap3A_22, %swap3A_23] : memref<2000x128xf32, #tpu.memory_space<vmem>>, vector<2000x128xf32>
    tpu.vector_store %arg7[%swap3A_22, %swap3A_23], %add3A_21 {strides = array<i32>} : memref<2000x128xf32, #tpu.memory_space<vmem>>, vector<2000x128xf32>,
    return
  }
  func.func @transform_0(%arg0: i32) -> (i32, i32) {
    %c0_i32 = arith.constant 0 : i32
    %c0_i32_0 = arith.constant 0 : i32
    return %arg0, %c0_i32 : i32, i32
  }
  func.func @transform_1(%arg0: i32) -> (i32, i32) {
    %c0_i32 = arith.constant 0 : i32
    %c0_i32_0 = arith.constant 0 : i32
    %c0_i32_1 = arith.constant 0 : i32
    return %c0_i32, %c0_i32_0 : i32, i32
  }
  func.func @transform_2(%arg0: i32) -> (i32, i32) {
    %c0_i32 = arith.constant 0 : i32
    %c0_i32_0 = arith.constant 0 : i32
    %c0_i32_1 = arith.constant 0 : i32
    return %c0_i32, %c0_i32_0 : i32, i32
  }
  func.func @transform_3(%arg0: i32) -> (i32, i32) {
    %c0_i32 = arith.constant 0 : i32
    %c0_i32_0 = arith.constant 0 : i32
    %c0_i32_1 = arith.constant 0 : i32
    return %c0_i32, %c0_i32_0 : i32, i32
  }
  func.func @transform_4(%arg0: i32) -> (i32, i32) {
    %c0_i32 = arith.constant 0 : i32
    %c0_i32_0 = arith.constant 0 : i32
    %c0_i32_1 = arith.constant 0 : i32
    return %c0_i32, %c0_i32_0 : i32, i32
  }
  func.func @transform_5(%arg0: i32) -> (i32, i32) {
    %c0_i32 = arith.constant 0 : i32
    %c0_i32_0 = arith.constant 0 : i32
    return %arg0, %c0_i32 : i32, i32
  }
  func.func @transform_6(%arg0: i32) -> (i32, i32) {
    %c0_i32 = arith.constant 0 : i32
    %c0_i32_0 = arith.constant 0 : i32
    return %arg0, %c0_i32 : i32, i32
  }
}

module attributes {stable_mosaic.version = 14 : i64} {
  func.func @_edge_w_body(%arg0: i32, %arg1: memref<4000x16xf32, #tpu.memory_space<vmem>>, %arg2: memref<4000x128xf32, #tpu.memory_space<vmem>>, %arg3: memref<4000x128xf32, #tpu.memory_space<vmem>>, %arg4: memref<16x128xf32, #tpu.memory_space<vmem>>, %arg5: memref<1x128xf32, #tpu.memory_space<vmem>>, %arg6: memref<1x128xf32, #tpu.memory_space<vmem>>, %arg7: memref<4000x128xf32, #tpu.memory_space<vmem>>, %arg8: memref<4000x16xf32, #tpu.memory_space<vmem>>, %arg9: memref<1x16xf32, #tpu.memory_space<vmem>>) attributes {dimension_semantics = [#tpu.dimension_semantics<arbitrary>], iteration_bounds = array<i64: 80>, scalar_prefetch = 0 : i64, scratch_operands = 0 : i64, tpu.core_type = #tpu.core_type<tc>, window_params = [{transform_indices = @transform_0, window_bounds = array<i64: 4000, 16>}, {transform_indices = @transform_1, window_bounds = array<i64: 4000, 128>}, {transform_indices = @transform_2, window_bounds = array<i64: 4000, 128>}, {pipeline_mode = #tpu.pipeline_mode<synchronous>, transform_indices = @transform_3, window_bounds = array<i64: 16, 128>}, {pipeline_mode = #tpu.pipeline_mode<synchronous>, transform_indices = @transform_4, window_bounds = array<i64: 1, 128>}, {pipeline_mode = #tpu.pipeline_mode<synchronous>, transform_indices = @transform_5, window_bounds = array<i64: 1, 128>}, {transform_indices = @transform_6, window_bounds = array<i64: 4000, 128>}, {transform_indices = @transform_7, window_bounds = array<i64: 4000, 16>}, {pipeline_mode = #tpu.pipeline_mode<synchronous>, transform_indices = @transform_8, window_bounds = array<i64: 1, 16>}]} {
    %get3A = arith.constant 0 : index
    %get3A_0 = arith.constant 0 : index
    %get3A_1 = vector.load %arg1[%get3A, %get3A_0] : memref<4000x16xf32, #tpu.memory_space<vmem>>, vector<4000x16xf32>
    %get3A_2 = arith.constant 0 : index
    %get3A_3 = arith.constant 0 : index
    %get3A_4 = vector.load %arg4[%get3A_2, %get3A_3] : memref<16x128xf32, #tpu.memory_space<vmem>>, vector<16x128xf32>
    %dot_general3A = arith.constant dense<0.000000e+00> : vector<4000x128xf32>
    %dot_general3A_5 = tpu.matmul %get3A_1, %get3A_4, %dot_general3A {dimension_numbers = #tpu.dot_dimension_numbers<[1], [0], [0], [1], [0, 0, 1, 1], [], []>, transpose_lhs_hint = false} : vector<4000x16xf32>, vector<16x128xf32>, vector<4000x128xf32> -> vector<4000x128xf32>
    %get3A_6 = arith.constant 0 : index
    %get3A_7 = arith.constant 0 : index
    %get3A_8 = vector.load %arg5[%get3A_6, %get3A_7] : memref<1x128xf32, #tpu.memory_space<vmem>>, vector<1x128xf32>
    %add3A = vector.broadcast %get3A_8 : vector<1x128xf32> to vector<4000x128xf32>
    %add3A_9 = arith.addf %dot_general3A_5, %add3A : vector<4000x128xf32>
    %get3A_10 = arith.constant 0 : index
    %get3A_11 = arith.constant 0 : index
    %get3A_12 = vector.load %arg2[%get3A_10, %get3A_11] : memref<4000x128xf32, #tpu.memory_space<vmem>>, vector<4000x128xf32>
    %get3A_13 = arith.constant 0 : index
    %get3A_14 = arith.constant 0 : index
    %get3A_15 = vector.load %arg3[%get3A_13, %get3A_14] : memref<4000x128xf32, #tpu.memory_space<vmem>>, vector<4000x128xf32>
    %add3A_16 = arith.addf %get3A_12, %get3A_15 : vector<4000x128xf32>
    %add3A_17 = arith.addf %add3A_16, %add3A_9 : vector<4000x128xf32>
    %gt3A = arith.constant 0.000000e+00 : f32
    %gt3A_18 = vector.broadcast %gt3A : f32 to vector<4000x128xf32>
    %gt3A_19 = arith.cmpf ogt, %add3A_17, %gt3A_18 : vector<4000x128xf32>
    %mul3A = arith.constant 2.000000e-01 : f32
    %mul3A_20 = vector.broadcast %mul3A : f32 to vector<4000x128xf32>
    %mul3A_21 = arith.mulf %mul3A_20, %add3A_17 : vector<4000x128xf32>
    %select_n3A = arith.select %gt3A_19, %add3A_17, %mul3A_21 : vector<4000x128xi1>, vector<4000x128xf32>
    %get3A_22 = arith.constant 0 : index
    %get3A_23 = arith.constant 0 : index
    %get3A_24 = vector.load %arg6[%get3A_22, %get3A_23] : memref<1x128xf32, #tpu.memory_space<vmem>>, vector<1x128xf32>
    %mul3A_25 = vector.broadcast %get3A_24 : vector<1x128xf32> to vector<4000x128xf32>
    %mul3A_26 = arith.mulf %select_n3A, %mul3A_25 : vector<4000x128xf32>
    %iota3A = tpu.iota {dimensions = array<i32: 0>} : vector<128x4xi32>
    %jit3A = arith.constant 32 : i32
    %div3A = vector.broadcast %jit3A : i32 to vector<128x4xi32>
    %div3A_27 = arith.divsi %iota3A, %div3A : vector<128x4xi32>
    %sign3A = arith.constant 0 : i32
    %sign3A_28 = vector.broadcast %sign3A : i32 to vector<128x4xi32>
    %sign3A_29 = arith.cmpi sgt, %iota3A, %sign3A_28 : vector<128x4xi32>
    %sign3A_30 = arith.extui %sign3A_29 : vector<128x4xi1> to vector<128x4xi32>
    %sign3A_31 = arith.constant 0 : i32
    %sign3A_32 = vector.broadcast %sign3A_31 : i32 to vector<128x4xi32>
    %sign3A_33 = arith.cmpi slt, %iota3A, %sign3A_32 : vector<128x4xi32>
    %sign3A_34 = arith.extui %sign3A_33 : vector<128x4xi1> to vector<128x4xi32>
    %sign3A_35 = arith.subi %sign3A_30, %sign3A_34 : vector<128x4xi32>
    %sign3A_36 = arith.constant 0 : i32
    %sign3A_37 = arith.cmpi sgt, %jit3A, %sign3A_36 : i32
    %sign3A_38 = arith.extui %sign3A_37 : i1 to i32
    %sign3A_39 = arith.constant 0 : i32
    %sign3A_40 = arith.cmpi slt, %jit3A, %sign3A_39 : i32
    %sign3A_41 = arith.extui %sign3A_40 : i1 to i32
    %sign3A_42 = arith.subi %sign3A_38, %sign3A_41 : i32
    %ne3A = vector.broadcast %sign3A_42 : i32 to vector<128x4xi32>
    %ne3A_43 = arith.cmpi ne, %sign3A_35, %ne3A : vector<128x4xi32>
    %rem3A = vector.broadcast %jit3A : i32 to vector<128x4xi32>
    %rem3A_44 = arith.remsi %iota3A, %rem3A : vector<128x4xi32>
    %ne3A_45 = arith.constant 0 : i32
    %ne3A_46 = vector.broadcast %ne3A_45 : i32 to vector<128x4xi32>
    %ne3A_47 = arith.cmpi ne, %rem3A_44, %ne3A_46 : vector<128x4xi32>
    %and3A = arith.andi %ne3A_43, %ne3A_47 : vector<128x4xi1>
    %sub3A = arith.constant 1 : i32
    %sub3A_48 = vector.broadcast %sub3A : i32 to vector<128x4xi32>
    %sub3A_49 = arith.subi %div3A_27, %sub3A_48 : vector<128x4xi32>
    %select_n3A_50 = arith.select %and3A, %sub3A_49, %div3A_27 : vector<128x4xi1>, vector<128x4xi32>
    %iota3A_51 = tpu.iota {dimensions = array<i32: 1>} : vector<128x4xi32>
    %eq3A = arith.cmpi eq, %select_n3A_50, %iota3A_51 : vector<128x4xi32>
    %convert_element_type3A = arith.extui %eq3A : vector<128x4xi1> to vector<128x4xi32>
    %convert_element_type3A_52 = arith.sitofp %convert_element_type3A : vector<128x4xi32> to vector<128x4xf32>
    %dot_general3A_53 = arith.constant dense<0.000000e+00> : vector<4000x4xf32>
    %dot_general3A_54 = tpu.matmul %mul3A_26, %convert_element_type3A_52, %dot_general3A_53 {dimension_numbers = #tpu.dot_dimension_numbers<[1], [0], [0], [1], [0, 0, 1, 1], [], []>, transpose_lhs_hint = false} : vector<4000x128xf32>, vector<128x4xf32>, vector<4000x4xf32> -> vector<4000x4xf32>
    %exp3A = math.exp %dot_general3A_54 : vector<4000x4xf32>
    %transpose3A = tpu.transpose %convert_element_type3A_52, [1, 0] : vector<128x4xf32> -> vector<4x128xf32>
    %dot_general3A_55 = arith.constant dense<0.000000e+00> : vector<4000x128xf32>
    %dot_general3A_56 = tpu.matmul %exp3A, %transpose3A, %dot_general3A_55 {dimension_numbers = #tpu.dot_dimension_numbers<[1], [0], [0], [1], [0, 0, 1, 1], [], []>, transpose_lhs_hint = false} : vector<4000x4xf32>, vector<4x128xf32>, vector<4000x128xf32> -> vector<4000x128xf32>
    %mul3A_57 = arith.mulf %get3A_12, %dot_general3A_56 : vector<4000x128xf32>
    %swap3A = arith.constant 0 : index
    %swap3A_58 = arith.constant 0 : index
    %swap3A_59 = vector.load %arg7[%swap3A, %swap3A_58] : memref<4000x128xf32, #tpu.memory_space<vmem>>, vector<4000x128xf32>
    tpu.vector_store %arg7[%swap3A, %swap3A_58], %mul3A_57 {strides = array<i32>} : memref<4000x128xf32, #tpu.memory_space<vmem>>, vector<4000x128xf32>,
    %iota3A_60 = tpu.iota {dimensions = array<i32: 1>} : vector<4x16xi32>
    %iota3A_61 = tpu.iota {dimensions = array<i32: 0>} : vector<4x16xi32>
    %mul3A_62 = arith.constant 4 : i32
    %mul3A_63 = vector.broadcast %mul3A_62 : i32 to vector<4x16xi32>
    %mul3A_64 = arith.muli %mul3A_63, %iota3A_61 : vector<4x16xi32>
    %eq3A_65 = arith.cmpi eq, %iota3A_60, %mul3A_64 : vector<4x16xi32>
    %convert_element_type3A_66 = arith.extui %eq3A_65 : vector<4x16xi1> to vector<4x16xi32>
    %convert_element_type3A_67 = arith.sitofp %convert_element_type3A_66 : vector<4x16xi32> to vector<4x16xf32>
    %dot_general3A_68 = arith.constant dense<0.000000e+00> : vector<4000x16xf32>
    %dot_general3A_69 = tpu.matmul %exp3A, %convert_element_type3A_67, %dot_general3A_68 {dimension_numbers = #tpu.dot_dimension_numbers<[1], [0], [0], [1], [0, 0, 1, 1], [], []>, transpose_lhs_hint = false} : vector<4000x4xf32>, vector<4x16xf32>, vector<4000x16xf32> -> vector<4000x16xf32>
    %swap3A_70 = arith.constant 0 : index
    %swap3A_71 = arith.constant 0 : index
    %swap3A_72 = vector.load %arg8[%swap3A_70, %swap3A_71] : memref<4000x16xf32, #tpu.memory_space<vmem>>, vector<4000x16xf32>
    tpu.vector_store %arg8[%swap3A_70, %swap3A_71], %dot_general3A_69 {strides = array<i32>} : memref<4000x16xf32, #tpu.memory_space<vmem>>, vector<4000x16xf32>,
    %eq3A_73 = arith.constant 0 : i32
    %eq3A_74 = arith.cmpi eq, %arg0, %eq3A_73 : i32
    %convert_element_type3A_75 = arith.extui %eq3A_74 : i1 to i32
    %cond3A = arith.constant 0 : i32
    %cond3A_76 = arith.cmpi ne, %convert_element_type3A_75, %cond3A : i32
    scf.if %cond3A_76 {
      %broadcast_in_dim3A_85 = arith.constant 0.000000e+00 : f32
      %broadcast_in_dim3A_86 = vector.broadcast %broadcast_in_dim3A_85 : f32 to vector<1x16xf32>
      %swap3A_87 = arith.constant 0 : index
      %swap3A_88 = arith.constant 0 : index
      %swap3A_89 = vector.load %arg9[%swap3A_87, %swap3A_88] : memref<1x16xf32, #tpu.memory_space<vmem>>, vector<1x16xf32>
      tpu.vector_store %arg9[%swap3A_87, %swap3A_88], %broadcast_in_dim3A_86 {strides = array<i32>} : memref<1x16xf32, #tpu.memory_space<vmem>>, vector<1x16xf32>,
    } else {
    }
    %get3A_77 = arith.constant 0 : index
    %get3A_78 = arith.constant 0 : index
    %get3A_79 = vector.load %arg9[%get3A_77, %get3A_78] : memref<1x16xf32, #tpu.memory_space<vmem>>, vector<1x16xf32>
    %reduce_sum3A = arith.constant dense<0.000000e+00> : vector<16xf32>
    %reduce_sum3A_80 = vector.multi_reduction <add>, %get3A_1, %reduce_sum3A [0] : vector<4000x16xf32> to vector<16xf32>
    %broadcast_in_dim3A = vector.shape_cast %reduce_sum3A_80 : vector<16xf32> to vector<1x16xf32>
    %add3A_81 = arith.addf %get3A_79, %broadcast_in_dim3A : vector<1x16xf32>
    %swap3A_82 = arith.constant 0 : index
    %swap3A_83 = arith.constant 0 : index
    %swap3A_84 = vector.load %arg9[%swap3A_82, %swap3A_83] : memref<1x16xf32, #tpu.memory_space<vmem>>, vector<1x16xf32>
    tpu.vector_store %arg9[%swap3A_82, %swap3A_83], %add3A_81 {strides = array<i32>} : memref<1x16xf32, #tpu.memory_space<vmem>>, vector<1x16xf32>,
    return
  }
  func.func @transform_0(%arg0: i32) -> (i32, i32) {
    %c0_i32 = arith.constant 0 : i32
    %c0_i32_0 = arith.constant 0 : i32
    return %arg0, %c0_i32 : i32, i32
  }
  func.func @transform_1(%arg0: i32) -> (i32, i32) {
    %c0_i32 = arith.constant 0 : i32
    %c0_i32_0 = arith.constant 0 : i32
    return %arg0, %c0_i32 : i32, i32
  }
  func.func @transform_2(%arg0: i32) -> (i32, i32) {
    %c0_i32 = arith.constant 0 : i32
    %c0_i32_0 = arith.constant 0 : i32
    return %arg0, %c0_i32 : i32, i32
  }
  func.func @transform_3(%arg0: i32) -> (i32, i32) {
    %c0_i32 = arith.constant 0 : i32
    %c0_i32_0 = arith.constant 0 : i32
    %c0_i32_1 = arith.constant 0 : i32
    return %c0_i32, %c0_i32_0 : i32, i32
  }
  func.func @transform_4(%arg0: i32) -> (i32, i32) {
    %c0_i32 = arith.constant 0 : i32
    %c0_i32_0 = arith.constant 0 : i32
    %c0_i32_1 = arith.constant 0 : i32
    return %c0_i32, %c0_i32_0 : i32, i32
  }
  func.func @transform_5(%arg0: i32) -> (i32, i32) {
    %c0_i32 = arith.constant 0 : i32
    %c0_i32_0 = arith.constant 0 : i32
    %c0_i32_1 = arith.constant 0 : i32
    return %c0_i32, %c0_i32_0 : i32, i32
  }
  func.func @transform_6(%arg0: i32) -> (i32, i32) {
    %c0_i32 = arith.constant 0 : i32
    %c0_i32_0 = arith.constant 0 : i32
    return %arg0, %c0_i32 : i32, i32
  }
  func.func @transform_7(%arg0: i32) -> (i32, i32) {
    %c0_i32 = arith.constant 0 : i32
    %c0_i32_0 = arith.constant 0 : i32
    return %arg0, %c0_i32 : i32, i32
  }
  func.func @transform_8(%arg0: i32) -> (i32, i32) {
    %c0_i32 = arith.constant 0 : i32
    %c0_i32_0 = arith.constant 0 : i32
    %c0_i32_1 = arith.constant 0 : i32
    return %c0_i32, %c0_i32_0 : i32, i32
  }
}

module attributes {stable_mosaic.version = 14 : i64} {
  func.func @_merge_body(%arg0: i32, %arg1: memref<2000x128xf32, #tpu.memory_space<vmem>>, %arg2: memref<2000x128xf32, #tpu.memory_space<vmem>>, %arg3: memref<2x2000x128xf32, #tpu.memory_space<vmem>>, %arg4: memref<2x2000x16xf32, #tpu.memory_space<vmem>>, %arg5: memref<1x16xf32, #tpu.memory_space<vmem>>, %arg6: memref<16x128xf32, #tpu.memory_space<vmem>>, %arg7: memref<1x128xf32, #tpu.memory_space<vmem>>, %arg8: memref<1x128xf32, #tpu.memory_space<vmem>>, %arg9: memref<1x128xf32, #tpu.memory_space<vmem>>, %arg10: memref<2000x128xf32, #tpu.memory_space<vmem>>, %arg11: memref<2x128xf32, #tpu.memory_space<vmem>>) attributes {dimension_semantics = [#tpu.dimension_semantics<arbitrary>], iteration_bounds = array<i64: 5>, scalar_prefetch = 0 : i64, scratch_operands = 0 : i64, tpu.core_type = #tpu.core_type<tc>, window_params = [{transform_indices = @transform_0, window_bounds = array<i64: 2000, 128>}, {transform_indices = @transform_1, window_bounds = array<i64: 2000, 128>}, {transform_indices = @transform_2, window_bounds = array<i64: 2, 2000, 128>}, {transform_indices = @transform_3, window_bounds = array<i64: 2, 2000, 16>}, {pipeline_mode = #tpu.pipeline_mode<synchronous>, transform_indices = @transform_4, window_bounds = array<i64: 1, 16>}, {pipeline_mode = #tpu.pipeline_mode<synchronous>, transform_indices = @transform_5, window_bounds = array<i64: 16, 128>}, {pipeline_mode = #tpu.pipeline_mode<synchronous>, transform_indices = @transform_6, window_bounds = array<i64: 1, 128>}, {pipeline_mode = #tpu.pipeline_mode<synchronous>, transform_indices = @transform_7, window_bounds = array<i64: 1, 128>}, {pipeline_mode = #tpu.pipeline_mode<synchronous>, transform_indices = @transform_8, window_bounds = array<i64: 1, 128>}, {transform_indices = @transform_9, window_bounds = array<i64: 2000, 128>}, {pipeline_mode = #tpu.pipeline_mode<synchronous>, transform_indices = @transform_10, window_bounds = array<i64: 2, 128>}]} {
    %iota3A = tpu.iota {dimensions = array<i32: 0>} : vector<128x4xi32>
    %jit3A = arith.constant 32 : i32
    %div3A = vector.broadcast %jit3A : i32 to vector<128x4xi32>
    %div3A_0 = arith.divsi %iota3A, %div3A : vector<128x4xi32>
    %sign3A = arith.constant 0 : i32
    %sign3A_1 = vector.broadcast %sign3A : i32 to vector<128x4xi32>
    %sign3A_2 = arith.cmpi sgt, %iota3A, %sign3A_1 : vector<128x4xi32>
    %sign3A_3 = arith.extui %sign3A_2 : vector<128x4xi1> to vector<128x4xi32>
    %sign3A_4 = arith.constant 0 : i32
    %sign3A_5 = vector.broadcast %sign3A_4 : i32 to vector<128x4xi32>
    %sign3A_6 = arith.cmpi slt, %iota3A, %sign3A_5 : vector<128x4xi32>
    %sign3A_7 = arith.extui %sign3A_6 : vector<128x4xi1> to vector<128x4xi32>
    %sign3A_8 = arith.subi %sign3A_3, %sign3A_7 : vector<128x4xi32>
    %sign3A_9 = arith.constant 0 : i32
    %sign3A_10 = arith.cmpi sgt, %jit3A, %sign3A_9 : i32
    %sign3A_11 = arith.extui %sign3A_10 : i1 to i32
    %sign3A_12 = arith.constant 0 : i32
    %sign3A_13 = arith.cmpi slt, %jit3A, %sign3A_12 : i32
    %sign3A_14 = arith.extui %sign3A_13 : i1 to i32
    %sign3A_15 = arith.subi %sign3A_11, %sign3A_14 : i32
    %ne3A = vector.broadcast %sign3A_15 : i32 to vector<128x4xi32>
    %ne3A_16 = arith.cmpi ne, %sign3A_8, %ne3A : vector<128x4xi32>
    %rem3A = vector.broadcast %jit3A : i32 to vector<128x4xi32>
    %rem3A_17 = arith.remsi %iota3A, %rem3A : vector<128x4xi32>
    %ne3A_18 = arith.constant 0 : i32
    %ne3A_19 = vector.broadcast %ne3A_18 : i32 to vector<128x4xi32>
    %ne3A_20 = arith.cmpi ne, %rem3A_17, %ne3A_19 : vector<128x4xi32>
    %and3A = arith.andi %ne3A_16, %ne3A_20 : vector<128x4xi1>
    %sub3A = arith.constant 1 : i32
    %sub3A_21 = vector.broadcast %sub3A : i32 to vector<128x4xi32>
    %sub3A_22 = arith.subi %div3A_0, %sub3A_21 : vector<128x4xi32>
    %select_n3A = arith.select %and3A, %sub3A_22, %div3A_0 : vector<128x4xi1>, vector<128x4xi32>
    %iota3A_23 = tpu.iota {dimensions = array<i32: 1>} : vector<128x4xi32>
    %eq3A = arith.cmpi eq, %select_n3A, %iota3A_23 : vector<128x4xi32>
    %convert_element_type3A = arith.extui %eq3A : vector<128x4xi1> to vector<128x4xi32>
    %convert_element_type3A_24 = arith.sitofp %convert_element_type3A : vector<128x4xi32> to vector<128x4xf32>
    %get3A = arith.constant 0 : index
    %get3A_25 = arith.constant 0 : index
    %get3A_26 = vector.load %arg5[%get3A, %get3A_25] : memref<1x16xf32, #tpu.memory_space<vmem>>, vector<1x16xf32>
    %mul3A = arith.constant 3.125000e-06 : f32
    %mul3A_27 = vector.broadcast %mul3A : f32 to vector<1x16xf32>
    %mul3A_28 = arith.mulf %get3A_26, %mul3A_27 : vector<1x16xf32>
    %get3A_29 = arith.constant 0 : index
    %get3A_30 = arith.constant 0 : index
    %get3A_31 = vector.load %arg6[%get3A_29, %get3A_30] : memref<16x128xf32, #tpu.memory_space<vmem>>, vector<16x128xf32>
    %dot_general3A = arith.constant dense<0.000000e+00> : vector<1x128xf32>
    %dot_general3A_32 = tpu.matmul %mul3A_28, %get3A_31, %dot_general3A {dimension_numbers = #tpu.dot_dimension_numbers<[1], [0], [0], [1], [0, 0, 1, 1], [], []>, transpose_lhs_hint = false} : vector<1x16xf32>, vector<16x128xf32>, vector<1x128xf32> -> vector<1x128xf32>
    %get3A_33 = arith.constant 0 : index
    %get3A_34 = arith.constant 0 : index
    %get3A_35 = vector.load %arg7[%get3A_33, %get3A_34] : memref<1x128xf32, #tpu.memory_space<vmem>>, vector<1x128xf32>
    %add3A = arith.addf %dot_general3A_32, %get3A_35 : vector<1x128xf32>
    %get3A_36 = arith.constant 0 : index
    %get3A_37 = arith.constant 0 : index
    %get3A_38 = vector.load %arg1[%get3A_36, %get3A_37] : memref<2000x128xf32, #tpu.memory_space<vmem>>, vector<2000x128xf32>
    %get3A_39 = arith.constant 0 : index
    %get3A_40 = arith.constant 0 : index
    %get3A_41 = vector.load %arg2[%get3A_39, %get3A_40] : memref<2000x128xf32, #tpu.memory_space<vmem>>, vector<2000x128xf32>
    %add3A_42 = arith.addf %get3A_38, %get3A_41 : vector<2000x128xf32>
    %add3A_43 = vector.broadcast %add3A : vector<1x128xf32> to vector<2000x128xf32>
    %add3A_44 = arith.addf %add3A_42, %add3A_43 : vector<2000x128xf32>
    %gt3A = arith.constant 0.000000e+00 : f32
    %gt3A_45 = vector.broadcast %gt3A : f32 to vector<2000x128xf32>
    %gt3A_46 = arith.cmpf ogt, %add3A_44, %gt3A_45 : vector<2000x128xf32>
    %mul3A_47 = arith.constant 2.000000e-01 : f32
    %mul3A_48 = vector.broadcast %mul3A_47 : f32 to vector<2000x128xf32>
    %mul3A_49 = arith.mulf %mul3A_48, %add3A_44 : vector<2000x128xf32>
    %select_n3A_50 = arith.select %gt3A_46, %add3A_44, %mul3A_49 : vector<2000x128xi1>, vector<2000x128xf32>
    %get3A_51 = arith.constant 0 : index
    %get3A_52 = arith.constant 0 : index
    %get3A_53 = vector.load %arg8[%get3A_51, %get3A_52] : memref<1x128xf32, #tpu.memory_space<vmem>>, vector<1x128xf32>
    %mul3A_54 = vector.broadcast %get3A_53 : vector<1x128xf32> to vector<2000x128xf32>
    %mul3A_55 = arith.mulf %select_n3A_50, %mul3A_54 : vector<2000x128xf32>
    %dot_general3A_56 = arith.constant dense<0.000000e+00> : vector<2000x4xf32>
    %dot_general3A_57 = tpu.matmul %mul3A_55, %convert_element_type3A_24, %dot_general3A_56 {dimension_numbers = #tpu.dot_dimension_numbers<[1], [0], [0], [1], [0, 0, 1, 1], [], []>, transpose_lhs_hint = false} : vector<2000x128xf32>, vector<128x4xf32>, vector<2000x4xf32> -> vector<2000x4xf32>
    %exp3A = math.exp %dot_general3A_57 : vector<2000x4xf32>
    %transpose3A = tpu.transpose %convert_element_type3A_24, [1, 0] : vector<128x4xf32> -> vector<4x128xf32>
    %dot_general3A_58 = arith.constant dense<0.000000e+00> : vector<2000x128xf32>
    %dot_general3A_59 = tpu.matmul %exp3A, %transpose3A, %dot_general3A_58 {dimension_numbers = #tpu.dot_dimension_numbers<[1], [0], [0], [1], [0, 0, 1, 1], [], []>, transpose_lhs_hint = false} : vector<2000x4xf32>, vector<4x128xf32>, vector<2000x128xf32> -> vector<2000x128xf32>
    %get3A_60 = arith.constant 0 : index
    %get3A_61 = arith.constant 0 : index
    %get3A_62 = arith.constant 0 : index
    %get3A_63 = vector.load %arg3[%get3A_60, %get3A_61, %get3A_62] : memref<2x2000x128xf32, #tpu.memory_space<vmem>>, vector<1x2000x128xf32>
    %get3A_64 = vector.shape_cast %get3A_63 : vector<1x2000x128xf32> to vector<2000x128xf32>
    %get3A_65 = arith.constant 1 : index
    %get3A_66 = arith.constant 0 : index
    %get3A_67 = arith.constant 0 : index
    %get3A_68 = vector.load %arg3[%get3A_65, %get3A_66, %get3A_67] : memref<2x2000x128xf32, #tpu.memory_space<vmem>>, vector<1x2000x128xf32>
    %get3A_69 = vector.shape_cast %get3A_68 : vector<1x2000x128xf32> to vector<2000x128xf32>
    %add3A_70 = arith.addf %get3A_64, %get3A_69 : vector<2000x128xf32>
    %mul3A_71 = arith.mulf %dot_general3A_59, %get3A_38 : vector<2000x128xf32>
    %add3A_72 = arith.addf %add3A_70, %mul3A_71 : vector<2000x128xf32>
    %iota3A_73 = tpu.iota {dimensions = array<i32: 0>} : vector<16x4xi32>
    %iota3A_74 = tpu.iota {dimensions = array<i32: 1>} : vector<16x4xi32>
    %mul3A_75 = arith.constant 4 : i32
    %mul3A_76 = vector.broadcast %mul3A_75 : i32 to vector<16x4xi32>
    %mul3A_77 = arith.muli %mul3A_76, %iota3A_74 : vector<16x4xi32>
    %eq3A_78 = arith.cmpi eq, %iota3A_73, %mul3A_77 : vector<16x4xi32>
    %convert_element_type3A_79 = arith.extui %eq3A_78 : vector<16x4xi1> to vector<16x4xi32>
    %convert_element_type3A_80 = arith.sitofp %convert_element_type3A_79 : vector<16x4xi32> to vector<16x4xf32>
    %get3A_81 = arith.constant 0 : index
    %get3A_82 = arith.constant 0 : index
    %get3A_83 = arith.constant 0 : index
    %get3A_84 = vector.load %arg4[%get3A_81, %get3A_82, %get3A_83] : memref<2x2000x16xf32, #tpu.memory_space<vmem>>, vector<1x2000x16xf32>
    %get3A_85 = vector.shape_cast %get3A_84 : vector<1x2000x16xf32> to vector<2000x16xf32>
    %get3A_86 = arith.constant 1 : index
    %get3A_87 = arith.constant 0 : index
    %get3A_88 = arith.constant 0 : index
    %get3A_89 = vector.load %arg4[%get3A_86, %get3A_87, %get3A_88] : memref<2x2000x16xf32, #tpu.memory_space<vmem>>, vector<1x2000x16xf32>
    %get3A_90 = vector.shape_cast %get3A_89 : vector<1x2000x16xf32> to vector<2000x16xf32>
    %add3A_91 = arith.addf %get3A_85, %get3A_90 : vector<2000x16xf32>
    %dot_general3A_92 = arith.constant dense<0.000000e+00> : vector<2000x4xf32>
    %dot_general3A_93 = tpu.matmul %add3A_91, %convert_element_type3A_80, %dot_general3A_92 {dimension_numbers = #tpu.dot_dimension_numbers<[1], [0], [0], [1], [0, 0, 1, 1], [], []>, transpose_lhs_hint = false} : vector<2000x16xf32>, vector<16x4xf32>, vector<2000x4xf32> -> vector<2000x4xf32>
    %add3A_94 = arith.addf %dot_general3A_93, %exp3A : vector<2000x4xf32>
    %transpose3A_95 = tpu.transpose %convert_element_type3A_24, [1, 0] : vector<128x4xf32> -> vector<4x128xf32>
    %dot_general3A_96 = arith.constant dense<0.000000e+00> : vector<2000x128xf32>
    %dot_general3A_97 = tpu.matmul %add3A_94, %transpose3A_95, %dot_general3A_96 {dimension_numbers = #tpu.dot_dimension_numbers<[1], [0], [0], [1], [0, 0, 1, 1], [], []>, transpose_lhs_hint = false} : vector<2000x4xf32>, vector<4x128xf32>, vector<2000x128xf32> -> vector<2000x128xf32>
    %add3A_98 = arith.constant 1.000000e-16 : f32
    %add3A_99 = vector.broadcast %add3A_98 : f32 to vector<2000x128xf32>
    %add3A_100 = arith.addf %dot_general3A_97, %add3A_99 : vector<2000x128xf32>
    %div3A_101 = arith.divf %add3A_72, %add3A_100 : vector<2000x128xf32>
    %get3A_102 = arith.constant 0 : index
    %get3A_103 = arith.constant 0 : index
    %get3A_104 = vector.load %arg9[%get3A_102, %get3A_103] : memref<1x128xf32, #tpu.memory_space<vmem>>, vector<1x128xf32>
    %add3A_105 = vector.broadcast %get3A_104 : vector<1x128xf32> to vector<2000x128xf32>
    %add3A_106 = arith.addf %div3A_101, %add3A_105 : vector<2000x128xf32>
    %swap3A = arith.constant 0 : index
    %swap3A_107 = arith.constant 0 : index
    %swap3A_108 = vector.load %arg10[%swap3A, %swap3A_107] : memref<2000x128xf32, #tpu.memory_space<vmem>>, vector<2000x128xf32>
    tpu.vector_store %arg10[%swap3A, %swap3A_107], %add3A_106 {strides = array<i32>} : memref<2000x128xf32, #tpu.memory_space<vmem>>, vector<2000x128xf32>,
    %eq3A_109 = arith.constant 0 : i32
    %eq3A_110 = arith.cmpi eq, %arg0, %eq3A_109 : i32
    %convert_element_type3A_111 = arith.extui %eq3A_110 : i1 to i32
    %cond3A = arith.constant 0 : i32
    %cond3A_112 = arith.cmpi ne, %convert_element_type3A_111, %cond3A : i32
    scf.if %cond3A_112 {
      %broadcast_in_dim3A_132 = arith.constant 0.000000e+00 : f32
      %broadcast_in_dim3A_133 = vector.broadcast %broadcast_in_dim3A_132 : f32 to vector<2x128xf32>
      %swap3A_134 = arith.constant 0 : index
      %swap3A_135 = arith.constant 0 : index
      %swap3A_136 = vector.load %arg11[%swap3A_134, %swap3A_135] : memref<2x128xf32, #tpu.memory_space<vmem>>, vector<2x128xf32>
      tpu.vector_store %arg11[%swap3A_134, %swap3A_135], %broadcast_in_dim3A_133 {strides = array<i32>} : memref<2x128xf32, #tpu.memory_space<vmem>>, vector<2x128xf32>,
    } else {
    }
    %get3A_113 = arith.constant 0 : index
    %get3A_114 = arith.constant 0 : index
    %get3A_115 = vector.load %arg11[%get3A_113, %get3A_114] : memref<2x128xf32, #tpu.memory_space<vmem>>, vector<1x128xf32>
    %reduce_sum3A = arith.constant dense<0.000000e+00> : vector<128xf32>
    %reduce_sum3A_116 = vector.multi_reduction <add>, %add3A_106, %reduce_sum3A [0] : vector<2000x128xf32> to vector<128xf32>
    %broadcast_in_dim3A = vector.shape_cast %reduce_sum3A_116 : vector<128xf32> to vector<1x128xf32>
    %add3A_117 = arith.addf %get3A_115, %broadcast_in_dim3A : vector<1x128xf32>
    %swap3A_118 = arith.constant 0 : index
    %swap3A_119 = arith.constant 0 : index
    %swap3A_120 = vector.load %arg11[%swap3A_118, %swap3A_119] : memref<2x128xf32, #tpu.memory_space<vmem>>, vector<1x128xf32>
    tpu.vector_store %arg11[%swap3A_118, %swap3A_119], %add3A_117 {strides = array<i32>} : memref<2x128xf32, #tpu.memory_space<vmem>>, vector<1x128xf32>,
    %get3A_121 = arith.constant 1 : index
    %get3A_122 = arith.constant 0 : index
    %get3A_123 = vector.load %arg11[%get3A_121, %get3A_122] : memref<2x128xf32, #tpu.memory_space<vmem>>, vector<1x128xf32>
    %mul3A_124 = arith.mulf %add3A_106, %add3A_106 : vector<2000x128xf32>
    %reduce_sum3A_125 = arith.constant dense<0.000000e+00> : vector<128xf32>
    %reduce_sum3A_126 = vector.multi_reduction <add>, %mul3A_124, %reduce_sum3A_125 [0] : vector<2000x128xf32> to vector<128xf32>
    %broadcast_in_dim3A_127 = vector.shape_cast %reduce_sum3A_126 : vector<128xf32> to vector<1x128xf32>
    %add3A_128 = arith.addf %get3A_123, %broadcast_in_dim3A_127 : vector<1x128xf32>
    %swap3A_129 = arith.constant 1 : index
    %swap3A_130 = arith.constant 0 : index
    %swap3A_131 = vector.load %arg11[%swap3A_129, %swap3A_130] : memref<2x128xf32, #tpu.memory_space<vmem>>, vector<1x128xf32>
    tpu.vector_store %arg11[%swap3A_129, %swap3A_130], %add3A_128 {strides = array<i32>} : memref<2x128xf32, #tpu.memory_space<vmem>>, vector<1x128xf32>,
    return
  }
  func.func @transform_0(%arg0: i32) -> (i32, i32) {
    %c0_i32 = arith.constant 0 : i32
    %c0_i32_0 = arith.constant 0 : i32
    return %arg0, %c0_i32 : i32, i32
  }
  func.func @transform_1(%arg0: i32) -> (i32, i32) {
    %c0_i32 = arith.constant 0 : i32
    %c0_i32_0 = arith.constant 0 : i32
    return %arg0, %c0_i32 : i32, i32
  }
  func.func @transform_2(%arg0: i32) -> (i32, i32, i32) {
    %c0_i32 = arith.constant 0 : i32
    %c0_i32_0 = arith.constant 0 : i32
    %c0_i32_1 = arith.constant 0 : i32
    return %c0_i32, %arg0, %c0_i32_0 : i32, i32, i32
  }
  func.func @transform_3(%arg0: i32) -> (i32, i32, i32) {
    %c0_i32 = arith.constant 0 : i32
    %c0_i32_0 = arith.constant 0 : i32
    %c0_i32_1 = arith.constant 0 : i32
    return %c0_i32, %arg0, %c0_i32_0 : i32, i32, i32
  }
  func.func @transform_4(%arg0: i32) -> (i32, i32) {
    %c0_i32 = arith.constant 0 : i32
    %c0_i32_0 = arith.constant 0 : i32
    %c0_i32_1 = arith.constant 0 : i32
    return %c0_i32, %c0_i32_0 : i32, i32
  }
  func.func @transform_5(%arg0: i32) -> (i32, i32) {
    %c0_i32 = arith.constant 0 : i32
    %c0_i32_0 = arith.constant 0 : i32
    %c0_i32_1 = arith.constant 0 : i32
    return %c0_i32, %c0_i32_0 : i32, i32
  }
  func.func @transform_6(%arg0: i32) -> (i32, i32) {
    %c0_i32 = arith.constant 0 : i32
    %c0_i32_0 = arith.constant 0 : i32
    %c0_i32_1 = arith.constant 0 : i32
    return %c0_i32, %c0_i32_0 : i32, i32
  }
  func.func @transform_7(%arg0: i32) -> (i32, i32) {
    %c0_i32 = arith.constant 0 : i32
    %c0_i32_0 = arith.constant 0 : i32
    %c0_i32_1 = arith.constant 0 : i32
    return %c0_i32, %c0_i32_0 : i32, i32
  }
  func.func @transform_8(%arg0: i32) -> (i32, i32) {
    %c0_i32 = arith.constant 0 : i32
    %c0_i32_0 = arith.constant 0 : i32
    %c0_i32_1 = arith.constant 0 : i32
    return %c0_i32, %c0_i32_0 : i32, i32
  }
  func.func @transform_9(%arg0: i32) -> (i32, i32) {
    %c0_i32 = arith.constant 0 : i32
    %c0_i32_0 = arith.constant 0 : i32
    return %arg0, %c0_i32 : i32, i32
  }
  func.func @transform_10(%arg0: i32) -> (i32, i32) {
    %c0_i32 = arith.constant 0 : i32
    %c0_i32_0 = arith.constant 0 : i32
    %c0_i32_1 = arith.constant 0 : i32
    return %c0_i32, %c0_i32_0 : i32, i32
  }
}

module attributes {stable_mosaic.version = 14 : i64} {
  func.func @_norm_body(%arg0: i32, %arg1: memref<2000x128xf32, #tpu.memory_space<vmem>>, %arg2: memref<2x128xf32, #tpu.memory_space<vmem>>, %arg3: memref<1x128xf32, #tpu.memory_space<vmem>>, %arg4: memref<1x128xf32, #tpu.memory_space<vmem>>, %arg5: memref<1x128xf32, #tpu.memory_space<vmem>>, %arg6: memref<2000x128xf32, #tpu.memory_space<vmem>>) attributes {dimension_semantics = [#tpu.dimension_semantics<arbitrary>], iteration_bounds = array<i64: 5>, scalar_prefetch = 0 : i64, scratch_operands = 0 : i64, tpu.core_type = #tpu.core_type<tc>, window_params = [{transform_indices = @transform_0, window_bounds = array<i64: 2000, 128>}, {pipeline_mode = #tpu.pipeline_mode<synchronous>, transform_indices = @transform_1, window_bounds = array<i64: 2, 128>}, {pipeline_mode = #tpu.pipeline_mode<synchronous>, transform_indices = @transform_2, window_bounds = array<i64: 1, 128>}, {pipeline_mode = #tpu.pipeline_mode<synchronous>, transform_indices = @transform_3, window_bounds = array<i64: 1, 128>}, {pipeline_mode = #tpu.pipeline_mode<synchronous>, transform_indices = @transform_4, window_bounds = array<i64: 1, 128>}, {transform_indices = @transform_5, window_bounds = array<i64: 2000, 128>}]} {
    %get3A = arith.constant 0 : index
    %get3A_0 = arith.constant 0 : index
    %get3A_1 = vector.load %arg2[%get3A, %get3A_0] : memref<2x128xf32, #tpu.memory_space<vmem>>, vector<1x128xf32>
    %mul3A = arith.constant 9.99999974E-5 : f32
    %mul3A_2 = vector.broadcast %mul3A : f32 to vector<1x128xf32>
    %mul3A_3 = arith.mulf %get3A_1, %mul3A_2 : vector<1x128xf32>
    %get3A_4 = arith.constant 1 : index
    %get3A_5 = arith.constant 0 : index
    %get3A_6 = vector.load %arg2[%get3A_4, %get3A_5] : memref<2x128xf32, #tpu.memory_space<vmem>>, vector<1x128xf32>
    %mul3A_7 = arith.constant 9.99999974E-5 : f32
    %mul3A_8 = vector.broadcast %mul3A_7 : f32 to vector<1x128xf32>
    %mul3A_9 = arith.mulf %get3A_6, %mul3A_8 : vector<1x128xf32>
    %get3A_10 = arith.constant 0 : index
    %get3A_11 = arith.constant 0 : index
    %get3A_12 = vector.load %arg5[%get3A_10, %get3A_11] : memref<1x128xf32, #tpu.memory_space<vmem>>, vector<1x128xf32>
    %mul3A_13 = arith.mulf %get3A_12, %mul3A_3 : vector<1x128xf32>
    %mul3A_14 = arith.mulf %mul3A_13, %mul3A_3 : vector<1x128xf32>
    %sub3A = arith.constant 2.000000e+00 : f32
    %sub3A_15 = vector.broadcast %sub3A : f32 to vector<1x128xf32>
    %sub3A_16 = arith.subf %sub3A_15, %get3A_12 : vector<1x128xf32>
    %mul3A_17 = arith.mulf %mul3A_14, %sub3A_16 : vector<1x128xf32>
    %sub3A_18 = arith.subf %mul3A_9, %mul3A_17 : vector<1x128xf32>
    %add3A = arith.constant 9.99999974E-6 : f32
    %add3A_19 = vector.broadcast %add3A : f32 to vector<1x128xf32>
    %add3A_20 = arith.addf %sub3A_18, %add3A_19 : vector<1x128xf32>
    %rsqrt3A = math.rsqrt %add3A_20 : vector<1x128xf32>
    %get3A_21 = arith.constant 0 : index
    %get3A_22 = arith.constant 0 : index
    %get3A_23 = vector.load %arg3[%get3A_21, %get3A_22] : memref<1x128xf32, #tpu.memory_space<vmem>>, vector<1x128xf32>
    %get3A_24 = arith.constant 0 : index
    %get3A_25 = arith.constant 0 : index
    %get3A_26 = vector.load %arg1[%get3A_24, %get3A_25] : memref<2000x128xf32, #tpu.memory_space<vmem>>, vector<2000x128xf32>
    %mul3A_27 = arith.mulf %get3A_12, %mul3A_3 : vector<1x128xf32>
    %sub3A_28 = vector.broadcast %mul3A_27 : vector<1x128xf32> to vector<2000x128xf32>
    %sub3A_29 = arith.subf %get3A_26, %sub3A_28 : vector<2000x128xf32>
    %mul3A_30 = vector.broadcast %get3A_23 : vector<1x128xf32> to vector<2000x128xf32>
    %mul3A_31 = arith.mulf %mul3A_30, %sub3A_29 : vector<2000x128xf32>
    %mul3A_32 = vector.broadcast %rsqrt3A : vector<1x128xf32> to vector<2000x128xf32>
    %mul3A_33 = arith.mulf %mul3A_31, %mul3A_32 : vector<2000x128xf32>
    %get3A_34 = arith.constant 0 : index
    %get3A_35 = arith.constant 0 : index
    %get3A_36 = vector.load %arg4[%get3A_34, %get3A_35] : memref<1x128xf32, #tpu.memory_space<vmem>>, vector<1x128xf32>
    %add3A_37 = vector.broadcast %get3A_36 : vector<1x128xf32> to vector<2000x128xf32>
    %add3A_38 = arith.addf %mul3A_33, %add3A_37 : vector<2000x128xf32>
    %max3A = arith.constant 0.000000e+00 : f32
    %max3A_39 = vector.broadcast %max3A : f32 to vector<2000x128xf32>
    %max3A_40 = arith.maximumf %add3A_38, %max3A_39 : vector<2000x128xf32>
    %swap3A = arith.constant 0 : index
    %swap3A_41 = arith.constant 0 : index
    %swap3A_42 = vector.load %arg6[%swap3A, %swap3A_41] : memref<2000x128xf32, #tpu.memory_space<vmem>>, vector<2000x128xf32>
    tpu.vector_store %arg6[%swap3A, %swap3A_41], %max3A_40 {strides = array<i32>} : memref<2000x128xf32, #tpu.memory_space<vmem>>, vector<2000x128xf32>,
    return
  }
  func.func @transform_0(%arg0: i32) -> (i32, i32) {
    %c0_i32 = arith.constant 0 : i32
    %c0_i32_0 = arith.constant 0 : i32
    return %arg0, %c0_i32 : i32, i32
  }
  func.func @transform_1(%arg0: i32) -> (i32, i32) {
    %c0_i32 = arith.constant 0 : i32
    %c0_i32_0 = arith.constant 0 : i32
    %c0_i32_1 = arith.constant 0 : i32
    return %c0_i32, %c0_i32_0 : i32, i32
  }
  func.func @transform_2(%arg0: i32) -> (i32, i32) {
    %c0_i32 = arith.constant 0 : i32
    %c0_i32_0 = arith.constant 0 : i32
    %c0_i32_1 = arith.constant 0 : i32
    return %c0_i32, %c0_i32_0 : i32, i32
  }
  func.func @transform_3(%arg0: i32) -> (i32, i32) {
    %c0_i32 = arith.constant 0 : i32
    %c0_i32_0 = arith.constant 0 : i32
    %c0_i32_1 = arith.constant 0 : i32
    return %c0_i32, %c0_i32_0 : i32, i32
  }
  func.func @transform_4(%arg0: i32) -> (i32, i32) {
    %c0_i32 = arith.constant 0 : i32
    %c0_i32_0 = arith.constant 0 : i32
    %c0_i32_1 = arith.constant 0 : i32
    return %c0_i32, %c0_i32_0 : i32, i32
  }
  func.func @transform_5(%arg0: i32) -> (i32, i32) {
    %c0_i32 = arith.constant 0 : i32
    %c0_i32_0 = arith.constant 0 : i32
    return %arg0, %c0_i32 : i32, i32
  }
}

</mosaic_0001>

<sc_bundles>
// kernel: kernel.11.cloned.1.call-start
scs
__scs_entry_jumppad:
0x0: {  	(pc) =	sbr.rel $0x88, $3  }
0x1: {  	(tag) =	ssettag $0x0;
	lr =	simm.s32 $0x1  }
0x2: {  	[smem:$0x3F93] =	sst lr;
	_ =	strace $0xD0000000  }
0x3: {  	_ = 	snop  }
0x4: {  	_ = 	snop  }
0x5: {  	_ = 	snop  }
0x6: {  	_ = 	snop  }
0x7: {  	_ = 	snop  }
__scs_overlays_trampoline_lowered:
0x8: {  	[smem:$0x3FA2] =	sst s0  }
0x9: {  	[smem:$0x3FA3] =	sst s1  }
0xa: {  	[smem:$0x3FA4] =	sst s2  }
0xb: {  	[smem:$0x3FA5] =	sst s3  }
0xc: {  	[smem:$0x3FA6] =	sst s4  }
0xd: {  	[smem:$0x3FA7] =	sst s5  }
0xe: {  	[smem:$0x3FA8] =	sst s6  }
0xf: {  	[smem:$0x3FA9] =	sst s7  }
0x10: {  	[smem:$0x3FAA] =	sst s8  }
0x11: {  	[smem:$0x3FAB] =	sst s9;
	s0 =	simm.s32 @!p0 $0x0  }
0x12: {  	s1 =	sld [smem:$0x3F91];
	s0 =	simm.s32 @p0 $0x1  }
0x13: {  	[smem:$0x3FAC] =	sst s0;
	s0 =	simm.s32 @!p1 $0x0  }
0x14: {  	s2 =	sld [smem:$0x3F90];
	s0 =	simm.s32 @p1 $0x1  }
0x15: {  	[smem:$0x3FAD] =	sst s0;
	s0 =	simm.s32 @!p2 $0x0  }
0x16: {  	s3 =	sld [smem:$0x3FDB];
	s0 =	simm.s32 @p2 $0x1  }
0x17: {  	s4 =	simm.s32 $0x1BF5;
	[smem:$0x3FAF] =	sst s0  }
0x18: {  	s0 =	sld [smem:$0x3F92];
	_ =	swait.ge [sflag:s4], $0x0  }
0x19: {  	s7 =	sld [smem:$0x3F93]  }
0x1a: {  	s8 =	sadd.s32 $0xFFFFE003, lr  }
0x1b: {  	s9 =	sadd.s32 $0xFFFFFEF7, lr;
	s5 =	simm.s32 $0xFFFFFFFF;
	p2 =	slt.u32 s8, $0xFFFFF086  }
0x1c: {  	p1 =	slt.u32 s9, $0xF7A;
	s5 =	simm.s32 @!p2 $0x0  }
0x1d: {  	s5 =	simm.s32 @p1 $0x1;
	p0 =	seq.s32 s7, s2  }
0x1e: {  	s7 =	smul.u32 @!p0 $0xF7A, s2;
	p2 =	seq.s32 @!p0 s5, $0x0  }
0x1f: {  	s9 =	smul.u32 $0xF7A, s1;
	s8 =	simm.s32 @!p0 $0x1BF5;
	p2 =	por !p2, p0  }
0x20: {  	[sflag:s8] =	ssyncset.s32 @!p0 $0xFFFFF086;
	s6 =	sadd.s32 @!p0 s3, s7;
	s7 =	simm.s32 @!p0 $0x108  }
0x21: {  	s3 =	sadd.s32 s3, s9;
	s6 =	sadd.s32 @!p0 $0x88, s6;
	s7 =	simm.s32 @p2 $0x1082  }
0x22: {  	[simem:s7], [sflag:s8] =	dma.local @!p0 [hbm:s6], $0xF7A  }
0x23: {  	s9 =	sor.u32 $0xD0000000, s2;
	s6 =	simm.s32 $0x108;
	_ =	swait.ge @!p0 [sflag:s8], $0x0  }
0x24: {  	s3 =	sadd.s32 $0x88, s3;
	s6 =	simm.s32 @!p1 $0x1082;
	[sflag:s4] =	ssyncset.s32 $0xFFFFF086  }
0x25: {  	[simem:s6], [sflag:s4] =	dma.local [hbm:s3], $0xF7A  }
0x26: {  	[smem:$0x3F93] =	sst s1;
	(tag) =	ssettag s2;
	_ =	strace s9  }
0x27: {  	s1 =	sld [smem:$0x3FA3]  }
0x28: {  	s2 =	sld [smem:$0x3FA4]  }
0x29: {  	s4 =	sld [smem:$0x3FA6]  }
0x2a: {  	p0 =	seq.s32 s5, $0x0;
	s5 =	sld [smem:$0x3FA7]  }
0x2b: {  	s6 =	sld [smem:$0x3FA8]  }
0x2c: {  	s7 =	sld [smem:$0x3FA9]  }
0x2d: {  	s3 =	simm.s32 $0x108;
	s8 =	sld [smem:$0x3FAA]  }
0x2e: {  	s3 =	simm.s32 @!p0 $0x1082;
	s9 =	sld [smem:$0x3FAB]  }
0x2f: {  	lr =	sadd.s32 s0, s3;
	s0 =	sld [smem:$0x3FA2]  }
0x30: {  	s3 =	sld [smem:$0x3FA5]  }
0x31: {  	[smem:$0x3FAE] =	sst s10  }
0x32: {  	s10 =	sld [smem:$0x3FAC];
	_ =	sdelay $0x3  }
0x33: {  	p0 =	seq.s32 s10, $0x1;
	s10 =	sld [smem:$0x3FAE];
	_ =	sdelay $0x3  }
0x34: {  	[smem:$0x3FAE] =	sst s10  }
0x35: {  	s10 =	sld [smem:$0x3FAD];
	_ =	sdelay $0x3  }
0x36: {  	p1 =	seq.s32 s10, $0x1;
	s10 =	sld [smem:$0x3FAE];
	_ =	sdelay $0x3  }
0x37: {  	[smem:$0x3FAE] =	sst s10  }
0x38: {  	s10 =	sld [smem:$0x3FAF]  }
0x39: {  	_ = 	snop;
	(pc) =	sbr.ind lr, $3  }
0x3a: {  	_ = 	snop  }
0x3b: {  	_ = 	snop  }
0x3c: {  	p2 =	seq.s32 s10, $0x1;
	s10 =	sld [smem:$0x3FAE]  }
0x3d: {  	_ =	shalt  }
0x3e: {  	_ =	shalt  }
0x3f: {  	_ =	shalt  }
0x40: {  	_ =	shalt  }
0x41: {  	_ =	shalt  }
0x42: {  	_ =	shalt  }
0x43: {  	_ =	shalt  }
0x44: {  	_ =	shalt  }
0x45: {  	_ =	shalt  }
0x46: {  	_ =	shalt  }
0x47: {  	_ =	shalt  }
0x48: {  	_ =	shalt  }
0x49: {  	_ =	shalt  }
0x4a: {  	_ =	shalt  }
0x4b: {  	_ =	shalt  }
0x4c: {  	_ =	shalt  }
0x4d: {  	_ =	shalt  }
0x4e: {  	_ =	shalt  }
0x4f: {  	_ =	shalt  }
0x50: {  	_ =	shalt  }
0x51: {  	_ =	shalt  }
0x52: {  	_ =	shalt  }
0x53: {  	_ =	shalt  }
0x54: {  	_ =	shalt  }
0x55: {  	_ =	shalt  }
0x56: {  	_ =	shalt  }
0x57: {  	_ =	shalt  }
0x58: {  	_ =	shalt  }
0x59: {  	_ =	shalt  }
0x5a: {  	_ =	shalt  }
0x5b: {  	_ =	shalt  }
0x5c: {  	_ =	shalt  }
0x5d: {  	_ =	shalt  }
0x5e: {  	_ =	shalt  }
0x5f: {  	_ =	shalt  }
0x60: {  	_ =	shalt  }
0x61: {  	_ =	shalt  }
0x62: {  	_ =	shalt  }
0x63: {  	_ =	shalt  }
0x64: {  	_ =	shalt  }
0x65: {  	_ =	shalt  }
0x66: {  	_ =	shalt  }
0x67: {  	_ =	shalt  }
0x68: {  	_ =	shalt  }
0x69: {  	_ =	shalt  }
0x6a: {  	_ =	shalt  }
0x6b: {  	_ =	shalt  }
0x6c: {  	_ =	shalt  }
0x6d: {  	_ =	shalt  }
0x6e: {  	_ =	shalt  }
0x6f: {  	_ =	shalt  }
0x70: {  	_ =	shalt  }
0x71: {  	_ =	shalt  }
0x72: {  	_ =	shalt  }
0x73: {  	_ =	shalt  }
0x74: {  	_ =	shalt  }
0x75: {  	_ =	shalt  }
0x76: {  	_ =	shalt  }
0x77: {  	_ =	shalt  }
0x78: {  	_ =	shalt  }
0x79: {  	_ =	shalt  }
0x7a: {  	_ =	shalt  }
0x7b: {  	_ =	shalt  }
0x7c: {  	_ =	shalt  }
0x7d: {  	_ =	shalt  }
0x7e: {  	_ =	shalt  }
0x7f: {  	_ =	shalt  }
0x80: {  	_ =	shalt  }
0x81: {  	_ =	shalt  }
0x82: {  	_ =	shalt  }
0x83: {  	_ =	shalt  }
0x84: {  	_ =	shalt  }
0x85: {  	_ =	shalt  }
0x86: {  	_ =	shalt  }
0x87: {  	_ =	shalt  }
.Lfunc_end0:
.L_simem_size_0:
called_computation.1_lowered:
.L_overlay_start_0:
0x88: {  	s2 =	sld [smem:$0x3FD9]  }
0x89: {  	s3 =	sld [smem:$0x3FFE];
	_ =	sdelay $0x1  }
0x8a: {  	s1 =	srdreg.scid  }
0x8b: {  	s0 =	sand.u32 $0x1, s1  }
0x8c: {  	s16 =	sshll.u32 s0, $0xA;
	s2 =	sadd.s32 s3, s2  }
0x8d: {  	s2 =	sadd.s32 s2, s16  }
0x8e: {  	[smem:$0x3FBA] =	sst s2  }
0x8f: {  	_ = 	snop  }
0x90: {  	(tm) =	ssettm $0x1  }
0x91: {  	s17 =	sld [smem:$0x3FFB];
	_ =	sdelay $0x3  }
0x92: {  	_ =	strace s17  }
0x93: {  	s2 =	sld [smem:$0x3FFC];
	_ =	sdelay $0x3  }
0x94: {  	_ =	strace s2  }
0x95: {  	s2 =	sld [smem:$0x3FFD];
	_ =	sdelay $0x3  }
0x96: {  	_ =	strace s2  }
0x97: {  	_ =	strace $0x8FFFFFFF  }
0x98: {  	s18 =	sld [smem:$0x3FDB];
	_ =	sdelay $0x1  }
0x99: {  	s19 =	simm.s32 $_scs_section_size  }
0x9a: {  	s4 =	simm.s32 $_size__tile_overlayer_lowered;
	s5 =	simm.s32 $_tile_overlayer_lowered  }
0x9b: {  	s22 =	simm.s32 $0x1BFF;
	s21 =	sshll.u32 s5, $0x1;
	s2 =	sadd.s32 s19, s18  }
0x9c: {  	s6 =	simm.s32 $0x0;
	s20 =	sshll.u32 s4, $0x1;
	s4 =	sadd.s32 s21, s2  }
0x9d: {  	[timem:s6], [sflag:s22] =	dma.local [hbm:s4], s20  }
0x9e: {  	_ =	swait.ge [sflag:s22], s20  }
0x9f: {  	s3 =	ssub.s32 $0x0, s20;
	[sflag:s22] =	ssyncset.done $0x0  }
0xa0: {  	[sflag:s22] =	ssyncadd.s32 s3;
	_ =	sdelay $0x1  }
0xa1: {  	s23 =	simm.s32 $0x1B8B  }
0xa2: {  	_ =	swait.ge [sflag:s23], $0x1  }
0xa3: {  	[sflag:s23] =	ssyncset.done $0x0  }
0xa4: {  	s25 =	simm.s32 $0x1B8E;
	s24 =	sld [smem:$0x3FFE];
	[sflag:s23] =	ssyncadd.s32 $0xFFFFFFFF  }
0xa5: {  	s26 =	simm.s32 $execute0_lowered;
	[smem:$0x3FD2] =	sst s25  }
0xa6: {  	s4 =	sshll.u32 s26, $0x1;
	_ =	strace $0x80000049;
	[dreg:$0x1] =	wrdreg $0xFFFFFFFF  }
0xa7: {  	s28 =	simm.s32 $_size_execute0_lowered;
	s2 =	sadd.s32 s2, s4;
	[dreg:$0x0] =	wrdreg $0x0  }
0xa8: {  	s4 =	sshll.u32 s28, $0x1;
	[dreg:$0x2] =	wrdreg s2  }
0xa9: {  	[dreg:$0x3] =	wrdreg s4  }
0xaa: {  	[dreg:$0x4] =	wrdreg $0xC0  }
0xab: {  	_ =	task [dreg:s6], $0x5FFFF  }
0xac: {  	[dreg:$0x1] =	wrdreg $0xFFFFFFFF  }
0xad: {  	[dreg:$0x0] =	wrdreg $0x60  }
0xae: {  	[dreg:$0x2] =	wrdreg s24  }
0xaf: {  	[dreg:$0x3] =	wrdreg $0x8A100  }
0xb0: {  	[dreg:$0x4] =	wrdreg $0x1CA100  }
0xb1: {  	[dreg:$0x5] =	wrdreg $0x9  }
0xb2: {  	_ =	task.clear_ibuf [dreg:s6], $0x6FFFF;
	_ =	strace $0x90000049  }
0xb3: {  	s29 =	simm.s32 $0x9;
	_ =	strace $0x8000004B  }
0xb4: {  	_ =	swait.ge [sflag:s29], $0x1  }
0xb5: {  	[sflag:s29] =	ssyncadd.s32 $0xFFFFFFFF  }
0xb6: {  	_ =	strace $0x9000004B  }
0xb7: {  	_ =	sfence  }
0xb8: {  	s30 =	sld [smem:$0x0];
	_ =	sdelay $0x2  }
0xb9: {  	s31 =	sshll.u32 s1, $0xD;
	s1 =	sshrl.u32 s1, $0x2  }
0xba: {  	s3 =	sand.u32 $0x4000, s31;
	s1 =	sadd.s32 s1, s30  }
0xbb: {  	s0 =	sor.u32 s3, s0;
	s1 =	sshll.u32 s1, $0x11  }
0xbc: {  	s0 =	sor.u32 s1, s0  }
0xbd: {  	s0 =	sadd.s32 $0x8F2B, s0  }
0xbe: {  	[sflag:s0] =	ssyncadd.remote.s32 $0x1  }
0xbf: {  	_ =	sfence.sel $0xFFFF  }
0xc0: {  	[dreg:$0x0] =	wrdreg $0xFFFFFFFF;
	(pc) =	sbr.abs _section_cstart, $3  }
0xc1: {  	[dreg:$0x1] =	wrdreg $0xFFFFFFFF  }
0xc2: {  	_ =	task.clear_ibuf [dreg:s6], $0x2FFFF;
	_ =	strace $0x9FFFFFFF  }
0xc3: {  	(tm) =	ssettm $0x7FFFFFFF  }
tec
execute0_lowered:
.L_overlay_start_1:
0x0: {  	(tag) =	ssettag $0x1  }
0x1: {  	s16 =	stileid.u32  }
0x2: {  	s8 =	smul.u32 $0x14000, s16  }
0x3: {  	s0 =	srdreg.scid;
	s10 =	smul.u32 $0x2800, s16  }
0x4: {  	s1 =	rddreg [dreg:$0x0];
	s26 =	smul.u32 $0xA000, s16  }
0x5: {  	s2 =	rddreg [dreg:$0x1];
	s19 =	smul.u32 $0x4E20, s16  }
0x6: {  	s4 =	simm.s32 $0x0;
	s17 =	simm.s32 $0x8110;
	s21 =	smul.u32 $0x9C40, s16  }
0x7: {  	s18 =	simm.s32 $0x4;
	s0 =	sand.u32 $0x1, s0;
	s23 =	smul.u32 $0x4E200, s16  }
0x8: {  	s28 =	simm.s32 $0x50;
	s29 =	simm.s32 $0x2;
	s7 =	smul.u32 $0x140000, s0  }
0x9: {  	s30 =	simm.s32 $0x3;
	s31 =	simm.s32 $0x26C0;
	s9 =	smul.u32 $0x28000, s0  }
0xa: {  	s3 =	sshll.u32 s16, $0x1;
	s13 =	sadd.s32 $0x13C7E00, s1;
	s15 =	smul.u32 $0x2710, s0  }
0xb: {  	[smem:$0x7FF] =	sst s4;
	s14 =	sadd.s32 $0xA03E00, s1;
	s22 =	smul.u32 $0x4E20, s0  }
0xc: {  	s5 =	sor.u32 s0, s3;
	s11 =	ssub.s32 $0x2, s0;
	s0 =	smul.u32 $0x27100, s0  }
0xd: {  	s3 =	rddreg [dreg:$0x2];
	_ =	strace $0x8000004A;
	s6 =	smul.u32 $0x4E2, s5  }
0xe: {  	s5 =	smul.u32 $0x2710, s5;
	s12 =	sshrl.u32 s11, $0x1;
	s7 =	sadd.s32 s8, s7  }
0xf: {  	s9 =	sadd.s32 s10, s9;
	s11 =	ssub.s32 s11, s12;
	s6 =	sadd.s32 s6, s1  }
0x10: {  	s7 =	sshrl.u32 s7, $0x3;
	s9 =	sshrl.u32 s9, $0x3;
	s5 =	sadd.s32 $0x26C0, s5  }
0x11: {  	s7 =	sadd.s32 s7, s1;
	s1 =	sadd.s32 s9, s1;
	s6 =	sadd.s32 $0xEC00, s6  }
0x12: {  	s25 =	sshll.u32 s5, $0x4;
	s5 =	sshll.u32 s5, $0x1;
	s9 =	sadd.s32 s10, s3  }
0x13: {  	s10 =	smax.u32 s11, $0x1;
	[dreg:$0x4] =	wrdreg s6;
	s6 =	sadd.s32 s13, s25  }
0x14: {  	s5 =	sadd.s32 s14, s5;
	s7 =	sadd.s32 $0xAAA200, s7;
	[dreg:$0x5] =	wrdreg s6  }
0x15: {  	s1 =	sadd.s32 $0xAA0200, s1;
	s25 =	sadd.s32 s23, s13;
	[dreg:$0x6] =	wrdreg s5  }
0x16: {  	s23 =	simm.s32 $0x7C10;
	[dreg:$0x7] =	wrdreg s7;
	s6 =	sadd.s32 s8, s2  }
0x17: {  	s8 =	smul.u32 $0x50000, s16;
	[dreg:$0x8] =	wrdreg s1;
	s5 =	sshrl.u32 s26, $0x2  }
0x18: {  	s7 =	sadd.s32 s21, s14;
	s21 =	simm.s32 $0x7710;
	s1 =	simm.s32 $0x0  }
0x19: {  	s11 =	sadd.s32 s5, s3;
	s7 =	sadd.s32 s22, s7;
	s22 =	simm.s32 $0x4F10  }
0x1a: {  	s20 =	sshrl.u32 s8, $0x2;
	s8 =	sadd.s32 s15, s19;
	s19 =	simm.s32 $0x8910  }
0x1b: {  	s12 =	sadd.s32 s20, s2;
	s8 =	sadd.s32 $0x50, s8;
	s20 =	simm.s32 $0x2710  }
0x1c: {  	s24 =	sshrl.u32 s8, $0x4;
	s8 =	sadd.s32 s0, s25;
	s25 =	sshrl.u32 s9, $0x3  }
0x1d: {  	s26 =	sshll.u32 s24, $0x5;
	s5 =	sshll.u32 s24, $0x8;
	s24 =	sshrl.u32 s6, $0x3  }
0x1e: {  	v0 =	vimm.f32 $0.0e+00;
	s15 =	sadd.s32 s26, s14;
	s16 =	sadd.s32 s5, s13;
	s26 =	simm.s32 $0x1  }
.LBB2_1:
0x1f: {  	s0 =	simm.s32 $0x0;
	s5 =	simm.s32 $0x200  }
.LBB2_2:
0x20: {  	p0 =	sne.s32 s5, $0x1E00;
	[tilespmem:s0+$0x8180] =	vst v0  }
0x21: {  	[tilespmem:s0+$0x8110] =	vst v0  }
0x22: {  	[tilespmem:s0+$0x8120] =	vst v0  }
.Ltmp0:
0x23: {  	[tilespmem:s0+$0x8130] =	vst v0;
	(pc) =	sbr.rel @p0 .LBB2_2-.Ltmp0, $4  }
0x24: {  	[tilespmem:s0+$0x8140] =	vst v0  }
0x25: {  	[tilespmem:s0+$0x8150] =	vst v0  }
0x26: {  	[tilespmem:s0+$0x8160] =	vst v0  }
0x27: {  	[tilespmem:s0+$0x8170] =	vst v0;
	s0 =	sshra.s32 s5, $0x2;
	s5 =	sadd.s32 $0x200, s5  }
0x28: {  	[tilespmem:s0+$0x8180] =	vst v0  }
0x29: {  	[tilespmem:s0+$0x8110] =	vst v0  }
0x2a: {  	[tilespmem:s0+$0x8120] =	vst v0  }
0x2b: {  	[tilespmem:s0+$0x8130] =	vst v0  }
0x2c: {  	[tilespmem:s0+$0x8140] =	vst v0  }
0x2d: {  	[tilespmem:s0+$0x8150] =	vst v0  }
0x2e: {  	[tilespmem:s0+$0x8160] =	vst v0  }
0x2f: {  	[tilespmem:s0+$0x8170] =	vst v0  }
0x30: {  	[tilespmem:$0x8910] =	vst v0  }
0x31: {  	[tilespmem:$0x8920] =	vst v0  }
0x32: {  	[tilespmem:$0x8930] =	vst v0  }
0x33: {  	[tilespmem:$0x8940] =	vst v0  }
0x34: {  	[tilespmem:$0x8950] =	vst v0  }
0x35: {  	[tilespmem:$0x8960] =	vst v0  }
0x36: {  	[tilespmem:$0x8970] =	vst v0  }
0x37: {  	[tilespmem:$0x8980] =	vst v0  }
0x38: {  	[tilespmem:$0x8990] =	vst v0  }
0x39: {  	[tilespmem:$0x89A0] =	vst v0  }
0x3a: {  	[tilespmem:$0x89B0] =	vst v0  }
0x3b: {  	[tilespmem:$0x89C0] =	vst v0  }
0x3c: {  	[tilespmem:$0x89D0] =	vst v0  }
0x3d: {  	[tilespmem:$0x89E0] =	vst v0  }
0x3e: {  	[tilespmem:$0x89F0] =	vst v0  }
0x3f: {  	[tilespmem:$0x8A00] =	vst v0  }
0x40: {  	[spmem:s12] =	stream.linear.scatter [tilespmem:s17], [sflag:$0x4], $0x800, $0x38;
	[tilespmem:$0x1F210] =	vst v63  }
0x41: {  	_ =	swait.ge [sflag:s18], $0x800  }
0x42: {  	[sflag:s18] =	ssyncset.done $0x0  }
0x43: {  	s14 =	sadd.s32 $0x0, s11;
	[sflag:s18] =	ssyncadd.s32 $0xFFFFF800  }
0x44: {  	[spmem:s14] =	stream.linear.scatter [tilespmem:s19], [sflag:$0x4], $0x100, $0x38;
	[tilespmem:$0x1F210] =	vst v63  }
0x45: {  	_ =	swait.ge [sflag:s18], $0x100  }
0x46: {  	s0 =	simm.s32 $0x400;
	s5 =	smov.u32 s12;
	[sflag:s18] =	ssyncset.done $0x0  }
.LBB2_4:
0x47: {  	p0 =	sne.s32 s0, $0x9C00;
	[sflag:s18] =	ssyncadd.s32 $0xFFFFFF00;
	s5 =	sadd.s32 $0x800, s5  }
0x48: {  	[spmem:s5] =	stream.linear.scatter [tilespmem:s17], [sflag:$0x4], $0x800, $0x38;
	[tilespmem:$0x1F210] =	vst v63  }
0x49: {  	s6 =	smov.u32 s0;
	s0 =	sadd.s32 $0x400, s0;
	_ =	swait.ge [sflag:s18], $0x800  }
.Ltmp1:
0x4a: {  	s6 =	sshra.s32 s6, $0x2;
	[sflag:s18] =	ssyncset.done $0x0;
	(pc) =	sbr.rel @p0 .LBB2_4-.Ltmp1, $4  }
0x4b: {  	s6 =	sadd.s32 s6, s11;
	[sflag:s18] =	ssyncadd.s32 $0xFFFFF800  }
0x4c: {  	[spmem:s6] =	stream.linear.scatter [tilespmem:s19], [sflag:$0x4], $0x100, $0x38;
	[tilespmem:$0x1F210] =	vst v63  }
0x4d: {  	_ =	swait.ge [sflag:s18], $0x100  }
0x4e: {  	[sflag:s18] =	ssyncset.done $0x0  }
0x4f: {  	[sflag:s18] =	ssyncadd.s32 $0xFFFFFF00  }
0x50: {  	[bflag:$0x0] =	sbarrier.arrive $0xFFFF  }
0x51: {  	s0 =	simm.s32 $0x0;
	s5 =	rddreg [dreg:$0x4]  }
0x52: {  	[tilespmem:s0], [sflag:$0x4] =	stream.linear.gather [hbm4b:s5+s0], $0x2710, $0x38;
	[tilespmem:$0x1F210] =	vst v63  }
0x53: {  	_ =	swait.ge [sflag:s18], $0x2710  }
0x54: {  	[sflag:s18] =	ssyncset.done $0x0  }
0x55: {  	[sflag:s18] =	ssyncadd.s32 $0xFFFFD8F0  }
0x56: {  	[tilespmem:s20], [sflag:$0x1] =	stream.linear.gather [hbm4b:s8+s4], $0x2800, $0x38;
	[tilespmem:$0x1F210] =	vst v63  }
0x57: {  	_ = 	snop  }
0x58: {  	[tilespmem:s21], [sflag:$0x1] =	stream.linear.gather [hbm4b:s7+s4], $0x500, $0x38;
	[tilespmem:$0x1F210] =	vst v63  }
0x59: {  	_ = 	snop  }
0x5a: {  	[tilespmem:s22], [sflag:$0x2] =	stream.linear.gather [hbm4b:s16+s4], $0x2800, $0x38;
	[tilespmem:$0x1F210] =	vst v63  }
0x5b: {  	_ = 	snop  }
0x5c: {  	[tilespmem:s23], [sflag:$0x2] =	stream.linear.gather [hbm4b:s15+s4], $0x500, $0x38;
	[tilespmem:$0x1F210] =	vst v63  }
0x5d: {  	_ =	swait.ge [sflag:s26], $0x2800  }
0x5e: {  	[sflag:s26] =	ssyncset.done $0x0  }
0x5f: {  	[sflag:s26] =	ssyncadd.s32 $0xFFFFD800  }
0x60: {  	_ =	swait.ge [sflag:s26], $0x500  }
0x61: {  	[sflag:s26] =	ssyncset.done $0x0  }
0x62: {  	s13 =	simm.s32 $0x0;
	[sflag:s26] =	ssyncadd.s32 $0xFFFFFB00  }
0x63: {  	[spmem:s2] =	stream.indirect.scatter.add.f32 [tilespmem:s20], [sflag:$0x3], $0x80, s13, s28, $0xb8;
	[tilespmem:$0x1F210] =	vst v63  }
0x64: {  	_ = 	snop  }
0x65: {  	[spmem:s3] =	stream.indirect.scatter.add.f32 [tilespmem:s21], [sflag:$0x3], $0x10, s13, s28, $0xb8;
	[tilespmem:$0x1F210] =	vst v63  }
0x66: {  	_ =	swait.ge [sflag:s29], $0x2800  }
0x67: {  	[sflag:s29] =	ssyncset.done $0x0  }
0x68: {  	[sflag:s29] =	ssyncadd.s32 $0xFFFFD800  }
0x69: {  	_ =	swait.ge [sflag:s29], $0x500  }
0x6a: {  	[sflag:s29] =	ssyncset.done $0x0  }
0x6b: {  	s14 =	simm.s32 $0x50;
	[sflag:s29] =	ssyncadd.s32 $0xFFFFFB00  }
0x6c: {  	[spmem:s2] =	stream.indirect.scatter.add.f32 [tilespmem:s22], [sflag:$0x3], $0x80, s14, s28, $0xb8;
	[tilespmem:$0x1F210] =	vst v63  }
0x6d: {  	_ = 	snop  }
0x6e: {  	[spmem:s3] =	stream.indirect.scatter.add.f32 [tilespmem:s23], [sflag:$0x3], $0x10, s14, s28, $0xb8;
	[tilespmem:$0x1F210] =	vst v63  }
0x6f: {  	_ =	swait.ge [sflag:s30], $0x2800  }
0x70: {  	[sflag:s30] =	ssyncset.done $0x0  }
0x71: {  	[sflag:s30] =	ssyncadd.s32 $0xFFFFD800  }
0x72: {  	_ =	swait.ge [sflag:s30], $0x500  }
0x73: {  	[sflag:s30] =	ssyncset.done $0x0  }
0x74: {  	[sflag:s30] =	ssyncadd.s32 $0xFFFFFB00  }
0x75: {  	_ =	swait.ge [sflag:s30], $0x2800  }
0x76: {  	[sflag:s30] =	ssyncset.done $0x0  }
0x77: {  	s6 =	sadd.s32 $0xA00, s16;
	[sflag:s30] =	ssyncadd.s32 $0xFFFFD800  }
0x78: {  	s0 =	simm.s32 $0x280;
	s5 =	sadd.s32 $0x140, s15;
	_ =	swait.ge [sflag:s30], $0x500  }
0x79: {  	s13 =	smov.u32 s7;
	s14 =	smov.u32 s8;
	[sflag:s30] =	ssyncset.done $0x0  }
.LBB2_6:
0x7a: {  	[sflag:s30] =	ssyncadd.s32 $0xFFFFFB00;
	s13 =	sadd.s32 $0x140, s13;
	s14 =	sadd.s32 $0xA00, s14  }
0x7b: {  	[tilespmem:s20], [sflag:$0x1] =	stream.linear.gather [hbm4b:s14+s4], $0x2800, $0x38;
	[tilespmem:$0x1F210] =	vst v63  }
0x7c: {  	p0 =	sne.s32 s0, $0x9880;
	s9 =	smov.u32 s0;
	s0 =	sadd.s32 $0x280, s0  }
0x7d: {  	[tilespmem:s21], [sflag:$0x1] =	stream.linear.gather [hbm4b:s13+s4], $0x500, $0x38;
	[tilespmem:$0x1F210] =	vst v63  }
0x7e: {  	_ = 	snop  }
0x7f: {  	[tilespmem:s22], [sflag:$0x2] =	stream.linear.gather [hbm4b:s6+s4], $0x2800, $0x38;
	[tilespmem:$0x1F210] =	vst v63  }
0x80: {  	_ = 	snop  }
0x81: {  	[tilespmem:s23], [sflag:$0x2] =	stream.linear.gather [hbm4b:s5+s4], $0x500, $0x38;
	[tilespmem:$0x1F210] =	vst v63  }
0x82: {  	_ =	swait.ge [sflag:s26], $0x2800  }
0x83: {  	[sflag:s26] =	ssyncset.done $0x0  }
0x84: {  	[sflag:s26] =	ssyncadd.s32 $0xFFFFD800  }
0x85: {  	_ =	swait.ge [sflag:s26], $0x500  }
0x86: {  	[sflag:s26] =	ssyncset.done $0x0  }
0x87: {  	s9 =	sshra.s32 s9, $0x2;
	[sflag:s26] =	ssyncadd.s32 $0xFFFFFB00  }
0x88: {  	[spmem:s2] =	stream.indirect.scatter.add.f32 [tilespmem:s20], [sflag:$0x3], $0x80, s9, s28, $0xb8;
	[tilespmem:$0x1F210] =	vst v63  }
0x89: {  	_ = 	snop  }
0x8a: {  	[spmem:s3] =	stream.indirect.scatter.add.f32 [tilespmem:s21], [sflag:$0x3], $0x10, s9, s28, $0xb8;
	[tilespmem:$0x1F210] =	vst v63  }
0x8b: {  	_ =	swait.ge [sflag:s29], $0x2800  }
0x8c: {  	[sflag:s29] =	ssyncset.done $0x0  }
0x8d: {  	[sflag:s29] =	ssyncadd.s32 $0xFFFFD800  }
0x8e: {  	_ =	swait.ge [sflag:s29], $0x500  }
0x8f: {  	[sflag:s29] =	ssyncset.done $0x0  }
0x90: {  	s9 =	sadd.s32 $0x50, s9;
	[sflag:s29] =	ssyncadd.s32 $0xFFFFFB00  }
0x91: {  	[spmem:s2] =	stream.indirect.scatter.add.f32 [tilespmem:s22], [sflag:$0x3], $0x80, s9, s28, $0xb8;
	[tilespmem:$0x1F210] =	vst v63  }
0x92: {  	_ = 	snop  }
0x93: {  	[spmem:s3] =	stream.indirect.scatter.add.f32 [tilespmem:s23], [sflag:$0x3], $0x10, s9, s28, $0xb8;
	[tilespmem:$0x1F210] =	vst v63  }
0x94: {  	_ =	swait.ge [sflag:s30], $0x2800  }
0x95: {  	[sflag:s30] =	ssyncset.done $0x0  }
0x96: {  	[sflag:s30] =	ssyncadd.s32 $0xFFFFD800  }
0x97: {  	_ =	swait.ge [sflag:s30], $0x500  }
0x98: {  	[sflag:s30] =	ssyncset.done $0x0  }
0x99: {  	[sflag:s30] =	ssyncadd.s32 $0xFFFFFB00  }
.Ltmp2:
0x9a: {  	_ =	swait.ge [sflag:s30], $0x2800;
	(pc) =	sbr.rel @p0 .LBB2_6-.Ltmp2, $4  }
0x9b: {  	[sflag:s30] =	ssyncset.done $0x0  }
0x9c: {  	[sflag:s30] =	ssyncadd.s32 $0xFFFFD800  }
0x9d: {  	_ =	swait.ge [sflag:s30], $0x500  }
0x9e: {  	s6 =	sadd.s32 $0xA00, s6;
	s5 =	sadd.s32 $0x140, s5;
	[sflag:s30] =	ssyncset.done $0x0  }
0x9f: {  	[sflag:s30] =	ssyncadd.s32 $0xFFFFFB00;
	s0 =	rddreg [dreg:$0x5]  }
0xa0: {  	[tilespmem:s20], [sflag:$0x4] =	stream.linear.gather [hbm4b:s0+s4], $0x2800, $0x38;
	[tilespmem:$0x1F210] =	vst v63  }
0xa1: {  	_ =	swait.ge [sflag:s18], $0x2800  }
0xa2: {  	[sflag:s18] =	ssyncset.done $0x0  }
0xa3: {  	s9 =	rddreg [dreg:$0x6];
	[sflag:s18] =	ssyncadd.s32 $0xFFFFD800  }
0xa4: {  	[tilespmem:s21], [sflag:$0x4] =	stream.linear.gather [hbm4b:s9+s4], $0x500, $0x38;
	[tilespmem:$0x1F210] =	vst v63  }
0xa5: {  	_ =	swait.ge [sflag:s18], $0x500  }
0xa6: {  	[sflag:s18] =	ssyncset.done $0x0  }
0xa7: {  	[sflag:s18] =	ssyncadd.s32 $0xFFFFFB00  }
0xa8: {  	[spmem:s2] =	stream.indirect.scatter.add.f32 [tilespmem:s20], [sflag:$0x4], $0x80, s31, s28, $0xb8;
	[tilespmem:$0x1F210] =	vst v63  }
0xa9: {  	_ =	swait.ge [sflag:s18], $0x2800  }
0xaa: {  	[sflag:s18] =	ssyncset.done $0x0  }
0xab: {  	[sflag:s18] =	ssyncadd.s32 $0xFFFFD800  }
0xac: {  	[spmem:s3] =	stream.indirect.scatter.add.f32 [tilespmem:s21], [sflag:$0x4], $0x10, s31, s28, $0xb8;
	[tilespmem:$0x1F210] =	vst v63  }
0xad: {  	_ =	swait.ge [sflag:s18], $0x500  }
0xae: {  	[sflag:s18] =	ssyncset.done $0x0  }
0xaf: {  	s13 =	stileid.u32;
	[sflag:s18] =	ssyncadd.s32 $0xFFFFFB00  }
0xb0: {  	s0 =	sshll.u32 s13, $0x6;
	[bflag:$0x0] =	sbarrier.arrive $0xFFFF  }
0xb1: {  	s0 =	sor.u32 $0x1C04, s0;
	s5 =	rddreg [dreg:$0x7]  }
0xb2: {  	[hbm:s5], [sflag:s0] =	dma.local [spmem:s24], $0x2800  }
0xb3: {  	s1 =	sadd.s32 $0x1, s1;
	_ =	swait.ge [sflag:s18], $0x2800  }
0xb4: {  	p0 =	sne.s32 s1, s10;
	[sflag:s18] =	ssyncset.done $0x0  }
.Ltmp3:
0xb5: {  	s14 =	rddreg [dreg:$0x8];
	[sflag:s18] =	ssyncadd.s32 $0xFFFFD800;
	(pc) =	sbr.rel @p0 .LBB2_1-.Ltmp3, $4  }
0xb6: {  	[hbm:s14], [sflag:s0] =	dma.local [spmem:s25], $0x500  }
0xb7: {  	_ =	swait.ge [sflag:s18], $0x500  }
0xb8: {  	[sflag:s18] =	ssyncset.done $0x0  }
0xb9: {  	[sflag:s18] =	ssyncadd.s32 $0xFFFFFB00  }
0xba: {  	_ =	sfence.sel $0x180000  }
0xbb: {  	[bflag:$0x0] =	sbarrier.arrive $0xFFFF  }
0xbc: {  	_ =	strace $0x9000004A  }
0xbd: {  	s0 =	stileid.u32;
	[bflag:$0x2] =	sbarrier.arrive $0xFFFF  }
0xbe: {  	p0 =	sne.s32 s0, $0x0;
	s0 =	rddreg [dreg:$0x3]  }
0xbf: {  	s0 =	sadd.s32 @!p0 $0x100000, s0  }
0xc0: {  	[sflag:s0] =	ssyncadd.tile.s32 @!p0 $0x1;
	_ =	shalt  }
.Lfunc_end2:
_tile_overlayer_lowered:
.L_overlay_start_2:
0xc1: {  	(tag) =	ssettag $0x2  }
0xc2: {  	s0 =	rddreg [dreg:$0x0];
	s2 =	stileid.u32  }
0xc3: {  	s1 =	rddreg [dreg:$0x1];
	p0 =	sne.s32 s2, $0x0  }
0xc4: {  	s3 =	rddreg [dreg:$0x2];
	[bflag:$0x3] =	sbarrier.arrive $0xFFFF;
	s2 =	simm.s32 @!p0 $0x1C04  }
0xc5: {  	[timem:s3], [sflag:s2] =	dma.local @!p0 [hbm:s0], s1  }
0xc6: {  	s0 =	simm.s32 @!p0 $0x4  }
0xc7: {  	_ =	swait.ge @!p0 [sflag:s0], s1  }
0xc8: {  	s1 =	ssub.s32 @!p0 $0x0, s1;
	[sflag:s0] =	ssyncset.done @!p0 $0x0  }
0xc9: {  	[sflag:s0] =	ssyncadd.s32 @!p0 s1  }
0xca: {  	[bflag:$0x3] =	sbarrier.arrive $0xFFFF  }
0xcb: {  	_ =	shalt  }

// kernel: kernel.8.cloned.1.call-start
scs
__scs_entry_jumppad:
0x0: {  	(pc) =	sbr.rel $0x88, $3  }
0x1: {  	(tag) =	ssettag $0x0;
	lr =	simm.s32 $0x1  }
0x2: {  	[smem:$0x3F93] =	sst lr;
	_ =	strace $0xD0000000  }
0x3: {  	_ = 	snop  }
0x4: {  	_ = 	snop  }
0x5: {  	_ = 	snop  }
0x6: {  	_ = 	snop  }
0x7: {  	_ = 	snop  }
__scs_overlays_trampoline_lowered:
0x8: {  	[smem:$0x3FA2] =	sst s0  }
0x9: {  	[smem:$0x3FA3] =	sst s1  }
0xa: {  	[smem:$0x3FA4] =	sst s2  }
0xb: {  	[smem:$0x3FA5] =	sst s3  }
0xc: {  	[smem:$0x3FA6] =	sst s4  }
0xd: {  	[smem:$0x3FA7] =	sst s5  }
0xe: {  	[smem:$0x3FA8] =	sst s6  }
0xf: {  	[smem:$0x3FA9] =	sst s7  }
0x10: {  	[smem:$0x3FAA] =	sst s8  }
0x11: {  	[smem:$0x3FAB] =	sst s9;
	s0 =	simm.s32 @!p0 $0x0  }
0x12: {  	s1 =	sld [smem:$0x3F91];
	s0 =	simm.s32 @p0 $0x1  }
0x13: {  	[smem:$0x3FAC] =	sst s0;
	s0 =	simm.s32 @!p1 $0x0  }
0x14: {  	s2 =	sld [smem:$0x3F90];
	s0 =	simm.s32 @p1 $0x1  }
0x15: {  	[smem:$0x3FAD] =	sst s0;
	s0 =	simm.s32 @!p2 $0x0  }
0x16: {  	s3 =	sld [smem:$0x3FDB];
	s0 =	simm.s32 @p2 $0x1  }
0x17: {  	s4 =	simm.s32 $0x1BF5;
	[smem:$0x3FAF] =	sst s0  }
0x18: {  	s0 =	sld [smem:$0x3F92];
	_ =	swait.ge [sflag:s4], $0x0  }
0x19: {  	s7 =	sld [smem:$0x3F93]  }
0x1a: {  	s8 =	sadd.s32 $0xFFFFE003, lr  }
0x1b: {  	s9 =	sadd.s32 $0xFFFFFEF7, lr;
	s5 =	simm.s32 $0xFFFFFFFF;
	p2 =	slt.u32 s8, $0xFFFFF086  }
0x1c: {  	p1 =	slt.u32 s9, $0xF7A;
	s5 =	simm.s32 @!p2 $0x0  }
0x1d: {  	s5 =	simm.s32 @p1 $0x1;
	p0 =	seq.s32 s7, s2  }
0x1e: {  	s7 =	smul.u32 @!p0 $0xF7A, s2;
	p2 =	seq.s32 @!p0 s5, $0x0  }
0x1f: {  	s9 =	smul.u32 $0xF7A, s1;
	s8 =	simm.s32 @!p0 $0x1BF5;
	p2 =	por !p2, p0  }
0x20: {  	[sflag:s8] =	ssyncset.s32 @!p0 $0xFFFFF086;
	s6 =	sadd.s32 @!p0 s3, s7;
	s7 =	simm.s32 @!p0 $0x108  }
0x21: {  	s3 =	sadd.s32 s3, s9;
	s6 =	sadd.s32 @!p0 $0x88, s6;
	s7 =	simm.s32 @p2 $0x1082  }
0x22: {  	[simem:s7], [sflag:s8] =	dma.local @!p0 [hbm:s6], $0xF7A  }
0x23: {  	s9 =	sor.u32 $0xD0000000, s2;
	s6 =	simm.s32 $0x108;
	_ =	swait.ge @!p0 [sflag:s8], $0x0  }
0x24: {  	s3 =	sadd.s32 $0x88, s3;
	s6 =	simm.s32 @!p1 $0x1082;
	[sflag:s4] =	ssyncset.s32 $0xFFFFF086  }
0x25: {  	[simem:s6], [sflag:s4] =	dma.local [hbm:s3], $0xF7A  }
0x26: {  	[smem:$0x3F93] =	sst s1;
	(tag) =	ssettag s2;
	_ =	strace s9  }
0x27: {  	s1 =	sld [smem:$0x3FA3]  }
0x28: {  	s2 =	sld [smem:$0x3FA4]  }
0x29: {  	s4 =	sld [smem:$0x3FA6]  }
0x2a: {  	p0 =	seq.s32 s5, $0x0;
	s5 =	sld [smem:$0x3FA7]  }
0x2b: {  	s6 =	sld [smem:$0x3FA8]  }
0x2c: {  	s7 =	sld [smem:$0x3FA9]  }
0x2d: {  	s3 =	simm.s32 $0x108;
	s8 =	sld [smem:$0x3FAA]  }
0x2e: {  	s3 =	simm.s32 @!p0 $0x1082;
	s9 =	sld [smem:$0x3FAB]  }
0x2f: {  	lr =	sadd.s32 s0, s3;
	s0 =	sld [smem:$0x3FA2]  }
0x30: {  	s3 =	sld [smem:$0x3FA5]  }
0x31: {  	[smem:$0x3FAE] =	sst s10  }
0x32: {  	s10 =	sld [smem:$0x3FAC];
	_ =	sdelay $0x3  }
0x33: {  	p0 =	seq.s32 s10, $0x1;
	s10 =	sld [smem:$0x3FAE];
	_ =	sdelay $0x3  }
0x34: {  	[smem:$0x3FAE] =	sst s10  }
0x35: {  	s10 =	sld [smem:$0x3FAD];
	_ =	sdelay $0x3  }
0x36: {  	p1 =	seq.s32 s10, $0x1;
	s10 =	sld [smem:$0x3FAE];
	_ =	sdelay $0x3  }
0x37: {  	[smem:$0x3FAE] =	sst s10  }
0x38: {  	s10 =	sld [smem:$0x3FAF]  }
0x39: {  	_ = 	snop;
	(pc) =	sbr.ind lr, $3  }
0x3a: {  	_ = 	snop  }
0x3b: {  	_ = 	snop  }
0x3c: {  	p2 =	seq.s32 s10, $0x1;
	s10 =	sld [smem:$0x3FAE]  }
0x3d: {  	_ =	shalt  }
0x3e: {  	_ =	shalt  }
0x3f: {  	_ =	shalt  }
0x40: {  	_ =	shalt  }
0x41: {  	_ =	shalt  }
0x42: {  	_ =	shalt  }
0x43: {  	_ =	shalt  }
0x44: {  	_ =	shalt  }
0x45: {  	_ =	shalt  }
0x46: {  	_ =	shalt  }
0x47: {  	_ =	shalt  }
0x48: {  	_ =	shalt  }
0x49: {  	_ =	shalt  }
0x4a: {  	_ =	shalt  }
0x4b: {  	_ =	shalt  }
0x4c: {  	_ =	shalt  }
0x4d: {  	_ =	shalt  }
0x4e: {  	_ =	shalt  }
0x4f: {  	_ =	shalt  }
0x50: {  	_ =	shalt  }
0x51: {  	_ =	shalt  }
0x52: {  	_ =	shalt  }
0x53: {  	_ =	shalt  }
0x54: {  	_ =	shalt  }
0x55: {  	_ =	shalt  }
0x56: {  	_ =	shalt  }
0x57: {  	_ =	shalt  }
0x58: {  	_ =	shalt  }
0x59: {  	_ =	shalt  }
0x5a: {  	_ =	shalt  }
0x5b: {  	_ =	shalt  }
0x5c: {  	_ =	shalt  }
0x5d: {  	_ =	shalt  }
0x5e: {  	_ =	shalt  }
0x5f: {  	_ =	shalt  }
0x60: {  	_ =	shalt  }
0x61: {  	_ =	shalt  }
0x62: {  	_ =	shalt  }
0x63: {  	_ =	shalt  }
0x64: {  	_ =	shalt  }
0x65: {  	_ =	shalt  }
0x66: {  	_ =	shalt  }
0x67: {  	_ =	shalt  }
0x68: {  	_ =	shalt  }
0x69: {  	_ =	shalt  }
0x6a: {  	_ =	shalt  }
0x6b: {  	_ =	shalt  }
0x6c: {  	_ =	shalt  }
0x6d: {  	_ =	shalt  }
0x6e: {  	_ =	shalt  }
0x6f: {  	_ =	shalt  }
0x70: {  	_ =	shalt  }
0x71: {  	_ =	shalt  }
0x72: {  	_ =	shalt  }
0x73: {  	_ =	shalt  }
0x74: {  	_ =	shalt  }
0x75: {  	_ =	shalt  }
0x76: {  	_ =	shalt  }
0x77: {  	_ =	shalt  }
0x78: {  	_ =	shalt  }
0x79: {  	_ =	shalt  }
0x7a: {  	_ =	shalt  }
0x7b: {  	_ =	shalt  }
0x7c: {  	_ =	shalt  }
0x7d: {  	_ =	shalt  }
0x7e: {  	_ =	shalt  }
0x7f: {  	_ =	shalt  }
0x80: {  	_ =	shalt  }
0x81: {  	_ =	shalt  }
0x82: {  	_ =	shalt  }
0x83: {  	_ =	shalt  }
0x84: {  	_ =	shalt  }
0x85: {  	_ =	shalt  }
0x86: {  	_ =	shalt  }
0x87: {  	_ =	shalt  }
.Lfunc_end0:
.L_simem_size_0:
called_computation_lowered:
.L_overlay_start_0:
0x88: {  	s2 =	sld [smem:$0x3FD9]  }
0x89: {  	s3 =	sld [smem:$0x3FFE];
	_ =	sdelay $0x1  }
0x8a: {  	s1 =	srdreg.scid  }
0x8b: {  	s0 =	sand.u32 $0x1, s1  }
0x8c: {  	s17 =	sshll.u32 s0, $0xA;
	s2 =	sadd.s32 s3, s2  }
0x8d: {  	s2 =	sadd.s32 s2, s17  }
0x8e: {  	[smem:$0x3FBA] =	sst s2  }
0x8f: {  	_ = 	snop  }
0x90: {  	s2 =	sld [smem:$0x3FD0];
	(tm) =	ssettm $0x1  }
0x91: {  	s18 =	sld [smem:$0x3FFB];
	_ =	sdelay $0x3  }
0x92: {  	_ =	strace s18  }
0x93: {  	s3 =	sld [smem:$0x3FFC];
	_ =	sdelay $0x3  }
0x94: {  	_ =	strace s3  }
0x95: {  	s3 =	sld [smem:$0x3FFD];
	_ =	sdelay $0x3  }
0x96: {  	_ =	strace s3  }
0x97: {  	_ =	strace $0x8FFFFFFF  }
0x98: {  	s19 =	sld [smem:$0x3FDB];
	_ =	sdelay $0x1  }
0x99: {  	s4 =	simm.s32 $_scs_section_size  }
0x9a: {  	s5 =	simm.s32 $_size__tile_overlayer_lowered;
	s6 =	simm.s32 $_tile_overlayer_lowered  }
0x9b: {  	s22 =	simm.s32 $0x1BFF;
	s21 =	sshll.u32 s6, $0x1;
	s3 =	sadd.s32 s4, s19  }
0x9c: {  	s7 =	simm.s32 $0x0;
	s20 =	sshll.u32 s5, $0x1;
	s5 =	sadd.s32 s21, s3  }
0x9d: {  	[timem:s7], [sflag:s22] =	dma.local [hbm:s5], s20  }
0x9e: {  	_ =	swait.ge [sflag:s22], s20  }
0x9f: {  	s4 =	ssub.s32 $0x0, s20;
	[sflag:s22] =	ssyncset.done $0x0  }
0xa0: {  	[sflag:s22] =	ssyncadd.s32 s4;
	_ =	sdelay $0x1  }
0xa1: {  	s23 =	simm.s32 $0x1B8B  }
0xa2: {  	_ =	swait.ge [sflag:s23], $0x1  }
0xa3: {  	[sflag:s23] =	ssyncset.done $0x0  }
0xa4: {  	s25 =	simm.s32 $0x1B8E;
	s24 =	sld [smem:$0x3FFE];
	[sflag:s23] =	ssyncadd.s32 $0xFFFFFFFF  }
0xa5: {  	s26 =	simm.s32 $execute0_lowered;
	[smem:$0x3FD2] =	sst s25  }
0xa6: {  	s5 =	sshll.u32 s26, $0x1;
	_ =	strace $0x80000046;
	[dreg:$0x1] =	wrdreg $0xFFFFFFFF  }
0xa7: {  	s28 =	simm.s32 $_size_execute0_lowered;
	s3 =	sadd.s32 s3, s5;
	[dreg:$0x0] =	wrdreg $0x0  }
0xa8: {  	s5 =	sshll.u32 s28, $0x1;
	[dreg:$0x2] =	wrdreg s3  }
0xa9: {  	[dreg:$0x3] =	wrdreg s5  }
0xaa: {  	[dreg:$0x4] =	wrdreg $0xC0  }
0xab: {  	_ =	task [dreg:s7], $0x5FFFF  }
0xac: {  	[dreg:$0x1] =	wrdreg $0xFFFFFFFF  }
0xad: {  	[dreg:$0x0] =	wrdreg $0x60  }
0xae: {  	[dreg:$0x2] =	wrdreg s2  }
0xaf: {  	[dreg:$0x3] =	wrdreg s24  }
0xb0: {  	[dreg:$0x4] =	wrdreg $0x9  }
0xb1: {  	_ =	task.clear_ibuf [dreg:s7], $0x5FFFF;
	_ =	strace $0x90000046  }
0xb2: {  	s29 =	simm.s32 $0x9;
	_ =	strace $0x80000048  }
0xb3: {  	_ =	swait.ge [sflag:s29], $0x1  }
0xb4: {  	[sflag:s29] =	ssyncadd.s32 $0xFFFFFFFF  }
0xb5: {  	_ =	strace $0x90000048  }
0xb6: {  	_ =	sfence  }
0xb7: {  	s30 =	sld [smem:$0x0];
	_ =	sdelay $0x2  }
0xb8: {  	s31 =	sshll.u32 s1, $0xD;
	s1 =	sshrl.u32 s1, $0x2  }
0xb9: {  	s3 =	sand.u32 $0x4000, s31;
	s1 =	sadd.s32 s1, s30  }
0xba: {  	s0 =	sor.u32 s3, s0;
	s1 =	sshll.u32 s1, $0x11  }
0xbb: {  	s0 =	sor.u32 s1, s0  }
0xbc: {  	s0 =	sadd.s32 $0x8F2B, s0  }
0xbd: {  	[sflag:s0] =	ssyncadd.remote.s32 $0x1  }
0xbe: {  	_ =	sfence.sel $0xFFFF  }
0xbf: {  	[dreg:$0x0] =	wrdreg $0xFFFFFFFF;
	(pc) =	sbr.abs _section_cstart, $3  }
0xc0: {  	[dreg:$0x1] =	wrdreg $0xFFFFFFFF  }
0xc1: {  	_ =	task.clear_ibuf [dreg:s7], $0x2FFFF;
	_ =	strace $0x9FFFFFFF  }
0xc2: {  	(tm) =	ssettm $0x7FFFFFFF  }
0xc3: {  	_ =	shalt  }
tec
execute0_lowered:
.L_overlay_start_1:
0x0: {  	(tag) =	ssettag $0x1  }
0x1: {  	s2 =	rddreg [dreg:$0x0]  }
0x2: {  	s1 =	srdreg.scid;
	s5 =	rddreg [dreg:$0x1]  }
0x3: {  	s3 =	simm.s32 $0x0;
	s7 =	sand.u32 $0x1, s1;
	s1 =	rddreg [dreg:$0x2]  }
0x4: {  	s9 =	simm.s32 $0x6220;
	[smem:$0x7FF] =	sst s3  }
0x5: {  	s21 =	simm.s32 $0xC620;
	_ =	strace $0x80000047;
	[dreg:$0x3] =	wrdreg s9  }
0x6: {  	s22 =	simm.s32 $0x7620;
	[dreg:$0x4] =	wrdreg s21  }
0x7: {  	s23 =	simm.s32 $0xDA20;
	[dreg:$0x5] =	wrdreg s22  }
0x8: {  	s0 =	stileid.u32;
	s24 =	simm.s32 $0x8A20;
	[dreg:$0x6] =	wrdreg s23  }
0x9: {  	s25 =	simm.s32 $0xEE20;
	s26 =	simm.s32 $0x9E20;
	[dreg:$0x7] =	wrdreg s24  }
0xa: {  	s29 =	simm.s32 $0x10220;
	s30 =	simm.s32 $0x12A20;
	[dreg:$0x8] =	wrdreg s25  }
0xb: {  	s31 =	simm.s32 $0x18E20;
	s12 =	simm.s32 $0x13E20;
	[dreg:$0x9] =	wrdreg s26  }
0xc: {  	s13 =	simm.s32 $0x1A220;
	s14 =	simm.s32 $0x15220;
	[dreg:$0xa] =	wrdreg s29  }
0xd: {  	s15 =	simm.s32 $0x1B620;
	s16 =	simm.s32 $0x16620;
	[dreg:$0xb] =	wrdreg s30  }
0xe: {  	s18 =	simm.s32 $0x1CA20;
	s17 =	simm.s32 $0x17A20;
	[dreg:$0xc] =	wrdreg s31  }
0xf: {  	s19 =	sshll.u32 s0, $0x1;
	s8 =	smul.u32 $0x4E200, s0;
	[dreg:$0xd] =	wrdreg s12  }
0x10: {  	s4 =	sor.u32 s7, s19;
	s20 =	ssub.s32 $0x2, s7;
	[dreg:$0xe] =	wrdreg s13  }
0x11: {  	s11 =	smul.u32 $0x27100, s7;
	s12 =	simm.s32 $0x28;
	[dreg:$0xf] =	wrdreg s14  }
0x12: {  	s13 =	simm.s32 $0x4E20;
	s14 =	simm.s32 $0xB220;
	[dreg:$0x10] =	wrdreg s15  }
0x13: {  	s15 =	simm.s32 $0x1;
	[dreg:$0x11] =	wrdreg s16;
	s16 =	simm.s32 $0x11620  }
0x14: {  	[dreg:$0x12] =	wrdreg s18;
	s18 =	simm.s32 $0x2;
	s19 =	simm.s32 $0x3  }
0x15: {  	s6 =	smul.u32 $0x4E2, s4;
	s8 =	sadd.s32 s8, s5;
	s10 =	sshrl.u32 s20, $0x1  }
0x16: {  	s4 =	sadd.s32 $0x18A00, s5;
	s10 =	ssub.s32 s20, s10;
	s28 =	sadd.s32 s11, s8  }
0x17: {  	s11 =	simm.s32 $0x2710;
	s20 =	simm.s32 $0x0;
	s6 =	sadd.s32 s6, s5  }
0x18: {  	s7 =	smax.u32 s10, $0x1;
	s8 =	sadd.s32 $0x521C00, s28;
	s9 =	sadd.s32 $0x3FC00, s28  }
0x19: {  	s10 =	simm.s32 $0x4;
	s5 =	sadd.s32 $0x4E00, s6;
	s6 =	sadd.s32 $0xEC00, s6  }
.LBB2_1:
0x1a: {  	[tilespmem:s3], [sflag:$0x4] =	stream.linear.gather [hbm4b:s5+s3], $0x2710, $0x38;
	[tilespmem:$0x1DE20] =	vst v63  }
0x1b: {  	_ =	swait.ge [sflag:s10], $0x2710  }
0x1c: {  	[sflag:s10] =	ssyncset.done $0x0  }
0x1d: {  	[sflag:s10] =	ssyncadd.s32 $0xFFFFD8F0  }
0x1e: {  	[tilespmem:s11], [sflag:$0x4] =	stream.linear.gather [hbm4b:s6+s3], $0x2710, $0x38;
	[tilespmem:$0x1DE20] =	vst v63  }
0x1f: {  	_ =	swait.ge [sflag:s10], $0x2710  }
0x20: {  	[sflag:s10] =	ssyncset.done $0x0  }
0x21: {  	s21 =	simm.s32 $0x0;
	[sflag:s10] =	ssyncadd.s32 $0xFFFFD8F0  }
0x22: {  	[tilespmem:s13], [sflag:$0x1] =	stream.indirect.gather [hbm4b:s2+s12], $0x80, s21, s12, $0xb8;
	[tilespmem:$0x1DE20] =	vst v63  }
0x23: {  	s28 =	simm.s32 $0x2710  }
0x24: {  	[tilespmem:s14], [sflag:$0x1] =	stream.indirect.gather [hbm4b:s4+s12], $0x80, s28, s12, $0xb8;
	[tilespmem:$0x1DE20] =	vst v63  }
0x25: {  	s29 =	simm.s32 $0x28;
	s22 =	rddreg [dreg:$0x3]  }
0x26: {  	[tilespmem:s22], [sflag:$0x1] =	stream.indirect.gather [hbm4b:s2+s12], $0x80, s29, s12, $0xb8;
	[tilespmem:$0x1DE20] =	vst v63  }
0x27: {  	s30 =	simm.s32 $0x2738;
	s23 =	rddreg [dreg:$0x4]  }
0x28: {  	[tilespmem:s23], [sflag:$0x1] =	stream.indirect.gather [hbm4b:s4+s12], $0x80, s30, s12, $0xb8;
	[tilespmem:$0x1DE20] =	vst v63  }
0x29: {  	s31 =	rddreg [dreg:$0x5];
	s23 =	simm.s32 $0x50  }
0x2a: {  	[tilespmem:s31], [sflag:$0x1] =	stream.indirect.gather [hbm4b:s2+s12], $0x80, s23, s12, $0xb8;
	[tilespmem:$0x1DE20] =	vst v63  }
0x2b: {  	s25 =	simm.s32 $0x2760;
	s24 =	rddreg [dreg:$0x6]  }
0x2c: {  	[tilespmem:s24], [sflag:$0x1] =	stream.indirect.gather [hbm4b:s4+s12], $0x80, s25, s12, $0xb8;
	[tilespmem:$0x1DE20] =	vst v63  }
0x2d: {  	s26 =	rddreg [dreg:$0x7];
	s28 =	simm.s32 $0x78  }
0x2e: {  	[tilespmem:s26], [sflag:$0x1] =	stream.indirect.gather [hbm4b:s2+s12], $0x80, s28, s12, $0xb8;
	[tilespmem:$0x1DE20] =	vst v63  }
0x2f: {  	s29 =	rddreg [dreg:$0x8];
	s30 =	simm.s32 $0x2788  }
0x30: {  	[tilespmem:s29], [sflag:$0x1] =	stream.indirect.gather [hbm4b:s4+s12], $0x80, s30, s12, $0xb8;
	[tilespmem:$0x1DE20] =	vst v63  }
0x31: {  	s31 =	rddreg [dreg:$0x9];
	s23 =	simm.s32 $0xA0  }
0x32: {  	[tilespmem:s31], [sflag:$0x1] =	stream.indirect.gather [hbm4b:s2+s12], $0x80, s23, s12, $0xb8;
	[tilespmem:$0x1DE20] =	vst v63  }
0x33: {  	s24 =	rddreg [dreg:$0xa];
	s25 =	simm.s32 $0x27B0  }
0x34: {  	[tilespmem:s24], [sflag:$0x1] =	stream.indirect.gather [hbm4b:s4+s12], $0x80, s25, s12, $0xb8;
	[tilespmem:$0x1DE20] =	vst v63  }
0x35: {  	_ =	swait.ge [sflag:s15], $0x1400  }
0x36: {  	[sflag:s15] =	ssyncset.done $0x0  }
0x37: {  	[sflag:s15] =	ssyncadd.s32 $0xFFFFEC00  }
0x38: {  	_ =	swait.ge [sflag:s15], $0x1400  }
0x39: {  	[sflag:s15] =	ssyncset.done $0x0  }
0x3a: {  	[sflag:s15] =	ssyncadd.s32 $0xFFFFEC00  }
0x3b: {  	_ =	swait.ge [sflag:s15], $0x1400  }
0x3c: {  	[sflag:s15] =	ssyncset.done $0x0  }
0x3d: {  	[sflag:s15] =	ssyncadd.s32 $0xFFFFEC00  }
0x3e: {  	_ =	swait.ge [sflag:s15], $0x1400  }
0x3f: {  	[sflag:s15] =	ssyncset.done $0x0  }
0x40: {  	[sflag:s15] =	ssyncadd.s32 $0xFFFFEC00  }
0x41: {  	_ =	swait.ge [sflag:s15], $0x1400  }
0x42: {  	[sflag:s15] =	ssyncset.done $0x0  }
0x43: {  	[sflag:s15] =	ssyncadd.s32 $0xFFFFEC00  }
0x44: {  	_ =	swait.ge [sflag:s15], $0x1400  }
0x45: {  	[sflag:s15] =	ssyncset.done $0x0  }
0x46: {  	[sflag:s15] =	ssyncadd.s32 $0xFFFFEC00  }
0x47: {  	_ =	swait.ge [sflag:s15], $0x1400  }
0x48: {  	[sflag:s15] =	ssyncset.done $0x0  }
0x49: {  	[sflag:s15] =	ssyncadd.s32 $0xFFFFEC00  }
0x4a: {  	_ =	swait.ge [sflag:s15], $0x1400  }
0x4b: {  	[sflag:s15] =	ssyncset.done $0x0  }
0x4c: {  	[sflag:s15] =	ssyncadd.s32 $0xFFFFEC00  }
0x4d: {  	_ =	swait.ge [sflag:s15], $0x1400  }
0x4e: {  	[sflag:s15] =	ssyncset.done $0x0  }
0x4f: {  	[sflag:s15] =	ssyncadd.s32 $0xFFFFEC00  }
0x50: {  	_ =	swait.ge [sflag:s15], $0x1400  }
0x51: {  	[sflag:s15] =	ssyncset.done $0x0  }
0x52: {  	[sflag:s15] =	ssyncadd.s32 $0xFFFFEC00  }
0x53: {  	[hbm4b:s9+s3] =	stream.linear.scatter [tilespmem:s13], [sflag:$0x3], $0x6400, $0x38;
	[tilespmem:$0x1DE20] =	vst v63  }
0x54: {  	_ = 	snop  }
0x55: {  	[hbm4b:s8+s3] =	stream.linear.scatter [tilespmem:s14], [sflag:$0x3], $0x6400, $0x38;
	[tilespmem:$0x1DE20] =	vst v63  }
0x56: {  	s26 =	simm.s32 $0xC8  }
0x57: {  	[tilespmem:s16], [sflag:$0x2] =	stream.indirect.gather [hbm4b:s2+s12], $0x80, s26, s12, $0xb8;
	[tilespmem:$0x1DE20] =	vst v63  }
0x58: {  	s28 =	simm.s32 $0x27D8  }
0x59: {  	[tilespmem:s17], [sflag:$0x2] =	stream.indirect.gather [hbm4b:s4+s12], $0x80, s28, s12, $0xb8;
	[tilespmem:$0x1DE20] =	vst v63  }
0x5a: {  	s30 =	simm.s32 $0xF0;
	s29 =	rddreg [dreg:$0xb]  }
0x5b: {  	[tilespmem:s29], [sflag:$0x2] =	stream.indirect.gather [hbm4b:s2+s12], $0x80, s30, s12, $0xb8;
	[tilespmem:$0x1DE20] =	vst v63  }
0x5c: {  	s22 =	simm.s32 $0x2800;
	s31 =	rddreg [dreg:$0xc]  }
0x5d: {  	[tilespmem:s31], [sflag:$0x2] =	stream.indirect.gather [hbm4b:s4+s12], $0x80, s22, s12, $0xb8;
	[tilespmem:$0x1DE20] =	vst v63  }
0x5e: {  	s25 =	simm.s32 $0x118;
	s24 =	rddreg [dreg:$0xd]  }
0x5f: {  	[tilespmem:s24], [sflag:$0x2] =	stream.indirect.gather [hbm4b:s2+s12], $0x80, s25, s12, $0xb8;
	[tilespmem:$0x1DE20] =	vst v63  }
0x60: {  	s26 =	rddreg [dreg:$0xe];
	s28 =	simm.s32 $0x2828  }
0x61: {  	[tilespmem:s26], [sflag:$0x2] =	stream.indirect.gather [hbm4b:s4+s12], $0x80, s28, s12, $0xb8;
	[tilespmem:$0x1DE20] =	vst v63  }
0x62: {  	s29 =	rddreg [dreg:$0xf];
	s30 =	simm.s32 $0x140  }
0x63: {  	[tilespmem:s29], [sflag:$0x2] =	stream.indirect.gather [hbm4b:s2+s12], $0x80, s30, s12, $0xb8;
	[tilespmem:$0x1DE20] =	vst v63  }
0x64: {  	s31 =	rddreg [dreg:$0x10];
	s24 =	simm.s32 $0x2850  }
0x65: {  	[tilespmem:s31], [sflag:$0x2] =	stream.indirect.gather [hbm4b:s4+s12], $0x80, s24, s12, $0xb8;
	[tilespmem:$0x1DE20] =	vst v63  }
0x66: {  	s25 =	rddreg [dreg:$0x11];
	s26 =	simm.s32 $0x168  }
0x67: {  	[tilespmem:s25], [sflag:$0x2] =	stream.indirect.gather [hbm4b:s2+s12], $0x80, s26, s12, $0xb8;
	[tilespmem:$0x1DE20] =	vst v63  }
0x68: {  	s28 =	rddreg [dreg:$0x12];
	s29 =	simm.s32 $0x2878  }
0x69: {  	[tilespmem:s28], [sflag:$0x2] =	stream.indirect.gather [hbm4b:s4+s12], $0x80, s29, s12, $0xb8;
	[tilespmem:$0x1DE20] =	vst v63  }
0x6a: {  	_ =	swait.ge [sflag:s18], $0x1400  }
0x6b: {  	[sflag:s18] =	ssyncset.done $0x0  }
0x6c: {  	[sflag:s18] =	ssyncadd.s32 $0xFFFFEC00  }
0x6d: {  	_ =	swait.ge [sflag:s18], $0x1400  }
0x6e: {  	[sflag:s18] =	ssyncset.done $0x0  }
0x6f: {  	[sflag:s18] =	ssyncadd.s32 $0xFFFFEC00  }
0x70: {  	_ =	swait.ge [sflag:s18], $0x1400  }
0x71: {  	[sflag:s18] =	ssyncset.done $0x0  }
0x72: {  	[sflag:s18] =	ssyncadd.s32 $0xFFFFEC00  }
0x73: {  	_ =	swait.ge [sflag:s18], $0x1400  }
0x74: {  	[sflag:s18] =	ssyncset.done $0x0  }
0x75: {  	[sflag:s18] =	ssyncadd.s32 $0xFFFFEC00  }
0x76: {  	_ =	swait.ge [sflag:s18], $0x1400  }
0x77: {  	[sflag:s18] =	ssyncset.done $0x0  }
0x78: {  	[sflag:s18] =	ssyncadd.s32 $0xFFFFEC00  }
0x79: {  	_ =	swait.ge [sflag:s18], $0x1400  }
0x7a: {  	[sflag:s18] =	ssyncset.done $0x0  }
0x7b: {  	[sflag:s18] =	ssyncadd.s32 $0xFFFFEC00  }
0x7c: {  	_ =	swait.ge [sflag:s18], $0x1400  }
0x7d: {  	[sflag:s18] =	ssyncset.done $0x0  }
0x7e: {  	[sflag:s18] =	ssyncadd.s32 $0xFFFFEC00  }
0x7f: {  	_ =	swait.ge [sflag:s18], $0x1400  }
0x80: {  	[sflag:s18] =	ssyncset.done $0x0  }
0x81: {  	[sflag:s18] =	ssyncadd.s32 $0xFFFFEC00  }
0x82: {  	_ =	swait.ge [sflag:s18], $0x1400  }
0x83: {  	[sflag:s18] =	ssyncset.done $0x0  }
0x84: {  	[sflag:s18] =	ssyncadd.s32 $0xFFFFEC00  }
0x85: {  	_ =	swait.ge [sflag:s18], $0x1400  }
0x86: {  	[sflag:s18] =	ssyncset.done $0x0  }
0x87: {  	[sflag:s18] =	ssyncadd.s32 $0xFFFFEC00  }
0x88: {  	_ =	swait.ge [sflag:s19], $0x6400  }
0x89: {  	[sflag:s19] =	ssyncset.done $0x0  }
0x8a: {  	[sflag:s19] =	ssyncadd.s32 $0xFFFF9C00  }
0x8b: {  	_ =	swait.ge [sflag:s19], $0x6400  }
0x8c: {  	[sflag:s19] =	ssyncset.done $0x0  }
0x8d: {  	s30 =	sadd.s32 $0xC80, s9;
	[sflag:s19] =	ssyncadd.s32 $0xFFFF9C00  }
0x8e: {  	[hbm4b:s30+s3] =	stream.linear.scatter [tilespmem:s16], [sflag:$0x4], $0x6400, $0x38;
	[tilespmem:$0x1DE20] =	vst v63  }
0x8f: {  	_ =	swait.ge [sflag:s10], $0x6400  }
0x90: {  	[sflag:s10] =	ssyncset.done $0x0  }
0x91: {  	s31 =	sadd.s32 $0xC80, s8;
	[sflag:s10] =	ssyncadd.s32 $0xFFFF9C00  }
0x92: {  	[hbm4b:s31+s3] =	stream.linear.scatter [tilespmem:s17], [sflag:$0x4], $0x6400, $0x38;
	[tilespmem:$0x1DE20] =	vst v63  }
0x93: {  	s21 =	sadd.s32 $0x1900, s8;
	s23 =	simm.s32 $0x640;
	_ =	swait.ge [sflag:s10], $0x6400  }
0x94: {  	s22 =	sadd.s32 $0x1900, s9;
	s26 =	simm.s32 $0xC80;
	[sflag:s10] =	ssyncset.done $0x0  }
.LBB2_2:
0x95: {  	s25 =	sshra.s32 s23, $0x2;
	[sflag:s10] =	ssyncadd.s32 $0xFFFF9C00  }
0x96: {  	[tilespmem:s13], [sflag:$0x1] =	stream.indirect.gather [hbm4b:s2+s12], $0x80, s25, s12, $0xb8;
	[tilespmem:$0x1DE20] =	vst v63  }
0x97: {  	s29 =	sadd.s32 $0x2710, s25  }
0x98: {  	[tilespmem:s14], [sflag:$0x1] =	stream.indirect.gather [hbm4b:s4+s12], $0x80, s29, s12, $0xb8;
	[tilespmem:$0x1DE20] =	vst v63  }
0x99: {  	s28 =	rddreg [dreg:$0x3];
	s30 =	sadd.s32 $0x28, s25  }
0x9a: {  	[tilespmem:s28], [sflag:$0x1] =	stream.indirect.gather [hbm4b:s2+s12], $0x80, s30, s12, $0xb8;
	[tilespmem:$0x1DE20] =	vst v63  }
0x9b: {  	s31 =	sadd.s32 $0x2738, s25;
	s29 =	rddreg [dreg:$0x4]  }
0x9c: {  	[tilespmem:s29], [sflag:$0x1] =	stream.indirect.gather [hbm4b:s4+s12], $0x80, s31, s12, $0xb8;
	[tilespmem:$0x1DE20] =	vst v63  }
0x9d: {  	s28 =	rddreg [dreg:$0x5];
	s30 =	sadd.s32 $0x50, s25  }
0x9e: {  	[tilespmem:s28], [sflag:$0x1] =	stream.indirect.gather [hbm4b:s2+s12], $0x80, s30, s12, $0xb8;
	[tilespmem:$0x1DE20] =	vst v63  }
0x9f: {  	s31 =	rddreg [dreg:$0x6];
	s30 =	sadd.s32 $0x2760, s25  }
0xa0: {  	[tilespmem:s31], [sflag:$0x1] =	stream.indirect.gather [hbm4b:s4+s12], $0x80, s30, s12, $0xb8;
	[tilespmem:$0x1DE20] =	vst v63  }
0xa1: {  	s28 =	rddreg [dreg:$0x7];
	s31 =	sadd.s32 $0x78, s25  }
0xa2: {  	[tilespmem:s28], [sflag:$0x1] =	stream.indirect.gather [hbm4b:s2+s12], $0x80, s31, s12, $0xb8;
	[tilespmem:$0x1DE20] =	vst v63  }
0xa3: {  	s30 =	rddreg [dreg:$0x8];
	s31 =	sadd.s32 $0x2788, s25  }
0xa4: {  	[tilespmem:s30], [sflag:$0x1] =	stream.indirect.gather [hbm4b:s4+s12], $0x80, s31, s12, $0xb8;
	[tilespmem:$0x1DE20] =	vst v63  }
0xa5: {  	s28 =	rddreg [dreg:$0x9];
	s30 =	sadd.s32 $0xA0, s25  }
0xa6: {  	[tilespmem:s28], [sflag:$0x1] =	stream.indirect.gather [hbm4b:s2+s12], $0x80, s30, s12, $0xb8;
	[tilespmem:$0x1DE20] =	vst v63  }
0xa7: {  	s31 =	rddreg [dreg:$0xa];
	s28 =	sadd.s32 $0x27B0, s25  }
0xa8: {  	[tilespmem:s31], [sflag:$0x1] =	stream.indirect.gather [hbm4b:s4+s12], $0x80, s28, s12, $0xb8;
	[tilespmem:$0x1DE20] =	vst v63  }
0xa9: {  	_ =	swait.ge [sflag:s15], $0x1400  }
0xaa: {  	[sflag:s15] =	ssyncset.done $0x0  }
0xab: {  	[sflag:s15] =	ssyncadd.s32 $0xFFFFEC00  }
0xac: {  	_ =	swait.ge [sflag:s15], $0x1400  }
0xad: {  	[sflag:s15] =	ssyncset.done $0x0  }
0xae: {  	[sflag:s15] =	ssyncadd.s32 $0xFFFFEC00  }
0xaf: {  	_ =	swait.ge [sflag:s15], $0x1400  }
0xb0: {  	[sflag:s15] =	ssyncset.done $0x0  }
0xb1: {  	[sflag:s15] =	ssyncadd.s32 $0xFFFFEC00  }
0xb2: {  	_ =	swait.ge [sflag:s15], $0x1400  }
0xb3: {  	[sflag:s15] =	ssyncset.done $0x0  }
0xb4: {  	[sflag:s15] =	ssyncadd.s32 $0xFFFFEC00  }
0xb5: {  	_ =	swait.ge [sflag:s15], $0x1400  }
0xb6: {  	[sflag:s15] =	ssyncset.done $0x0  }
0xb7: {  	[sflag:s15] =	ssyncadd.s32 $0xFFFFEC00  }
0xb8: {  	_ =	swait.ge [sflag:s15], $0x1400  }
0xb9: {  	[sflag:s15] =	ssyncset.done $0x0  }
0xba: {  	[sflag:s15] =	ssyncadd.s32 $0xFFFFEC00  }
0xbb: {  	_ =	swait.ge [sflag:s15], $0x1400  }
0xbc: {  	[sflag:s15] =	ssyncset.done $0x0  }
0xbd: {  	[sflag:s15] =	ssyncadd.s32 $0xFFFFEC00  }
0xbe: {  	_ =	swait.ge [sflag:s15], $0x1400  }
0xbf: {  	[sflag:s15] =	ssyncset.done $0x0  }
0xc0: {  	[sflag:s15] =	ssyncadd.s32 $0xFFFFEC00  }
0xc1: {  	_ =	swait.ge [sflag:s15], $0x1400  }
0xc2: {  	[sflag:s15] =	ssyncset.done $0x0  }
0xc3: {  	[sflag:s15] =	ssyncadd.s32 $0xFFFFEC00  }
0xc4: {  	_ =	swait.ge [sflag:s15], $0x1400  }
0xc5: {  	[sflag:s15] =	ssyncset.done $0x0  }
0xc6: {  	[sflag:s15] =	ssyncadd.s32 $0xFFFFEC00  }
0xc7: {  	[hbm4b:s22+s3] =	stream.linear.scatter [tilespmem:s13], [sflag:$0x3], $0x6400, $0x38;
	[tilespmem:$0x1DE20] =	vst v63  }
0xc8: {  	_ = 	snop  }
0xc9: {  	[hbm4b:s21+s3] =	stream.linear.scatter [tilespmem:s14], [sflag:$0x3], $0x6400, $0x38;
	[tilespmem:$0x1DE20] =	vst v63  }
0xca: {  	s29 =	sadd.s32 $0xC8, s25  }
0xcb: {  	[tilespmem:s16], [sflag:$0x2] =	stream.indirect.gather [hbm4b:s2+s12], $0x80, s29, s12, $0xb8;
	[tilespmem:$0x1DE20] =	vst v63  }
0xcc: {  	s30 =	sadd.s32 $0x27D8, s25  }
0xcd: {  	[tilespmem:s17], [sflag:$0x2] =	stream.indirect.gather [hbm4b:s4+s12], $0x80, s30, s12, $0xb8;
	[tilespmem:$0x1DE20] =	vst v63  }
0xce: {  	s31 =	sadd.s32 $0xF0, s25;
	s28 =	rddreg [dreg:$0xb]  }
0xcf: {  	[tilespmem:s28], [sflag:$0x2] =	stream.indirect.gather [hbm4b:s2+s12], $0x80, s31, s12, $0xb8;
	[tilespmem:$0x1DE20] =	vst v63  }
0xd0: {  	s30 =	rddreg [dreg:$0xc];
	s31 =	sadd.s32 $0x2800, s25  }
0xd1: {  	[tilespmem:s30], [sflag:$0x2] =	stream.indirect.gather [hbm4b:s4+s12], $0x80, s31, s12, $0xb8;
	[tilespmem:$0x1DE20] =	vst v63  }
0xd2: {  	s28 =	rddreg [dreg:$0xd];
	s30 =	sadd.s32 $0x118, s25  }
0xd3: {  	[tilespmem:s28], [sflag:$0x2] =	stream.indirect.gather [hbm4b:s2+s12], $0x80, s30, s12, $0xb8;
	[tilespmem:$0x1DE20] =	vst v63  }
0xd4: {  	s31 =	rddreg [dreg:$0xe];
	s30 =	sadd.s32 $0x2828, s25  }
0xd5: {  	[tilespmem:s31], [sflag:$0x2] =	stream.indirect.gather [hbm4b:s4+s12], $0x80, s30, s12, $0xb8;
	[tilespmem:$0x1DE20] =	vst v63  }
0xd6: {  	s28 =	rddreg [dreg:$0xf];
	s31 =	sadd.s32 $0x140, s25  }
0xd7: {  	[tilespmem:s28], [sflag:$0x2] =	stream.indirect.gather [hbm4b:s2+s12], $0x80, s31, s12, $0xb8;
	[tilespmem:$0x1DE20] =	vst v63  }
0xd8: {  	s30 =	rddreg [dreg:$0x10];
	s31 =	sadd.s32 $0x2850, s25  }
0xd9: {  	[tilespmem:s30], [sflag:$0x2] =	stream.indirect.gather [hbm4b:s4+s12], $0x80, s31, s12, $0xb8;
	[tilespmem:$0x1DE20] =	vst v63  }
0xda: {  	s28 =	rddreg [dreg:$0x11];
	s30 =	sadd.s32 $0x168, s25  }
0xdb: {  	[tilespmem:s28], [sflag:$0x2] =	stream.indirect.gather [hbm4b:s2+s12], $0x80, s30, s12, $0xb8;
	[tilespmem:$0x1DE20] =	vst v63  }
0xdc: {  	s31 =	rddreg [dreg:$0x12];
	s25 =	sadd.s32 $0x2878, s25  }
0xdd: {  	[tilespmem:s31], [sflag:$0x2] =	stream.indirect.gather [hbm4b:s4+s12], $0x80, s25, s12, $0xb8;
	[tilespmem:$0x1DE20] =	vst v63  }
0xde: {  	_ =	swait.ge [sflag:s18], $0x1400  }
0xdf: {  	[sflag:s18] =	ssyncset.done $0x0  }
0xe0: {  	[sflag:s18] =	ssyncadd.s32 $0xFFFFEC00  }
0xe1: {  	_ =	swait.ge [sflag:s18], $0x1400  }
0xe2: {  	[sflag:s18] =	ssyncset.done $0x0  }
0xe3: {  	[sflag:s18] =	ssyncadd.s32 $0xFFFFEC00  }
0xe4: {  	_ =	swait.ge [sflag:s18], $0x1400  }
0xe5: {  	[sflag:s18] =	ssyncset.done $0x0  }
0xe6: {  	[sflag:s18] =	ssyncadd.s32 $0xFFFFEC00  }
0xe7: {  	_ =	swait.ge [sflag:s18], $0x1400  }
0xe8: {  	[sflag:s18] =	ssyncset.done $0x0  }
0xe9: {  	[sflag:s18] =	ssyncadd.s32 $0xFFFFEC00  }
0xea: {  	_ =	swait.ge [sflag:s18], $0x1400  }
0xeb: {  	[sflag:s18] =	ssyncset.done $0x0  }
0xec: {  	[sflag:s18] =	ssyncadd.s32 $0xFFFFEC00  }
0xed: {  	_ =	swait.ge [sflag:s18], $0x1400  }
0xee: {  	[sflag:s18] =	ssyncset.done $0x0  }
0xef: {  	[sflag:s18] =	ssyncadd.s32 $0xFFFFEC00  }
0xf0: {  	_ =	swait.ge [sflag:s18], $0x1400  }
0xf1: {  	[sflag:s18] =	ssyncset.done $0x0  }
0xf2: {  	[sflag:s18] =	ssyncadd.s32 $0xFFFFEC00  }
0xf3: {  	_ =	swait.ge [sflag:s18], $0x1400  }
0xf4: {  	[sflag:s18] =	ssyncset.done $0x0  }
0xf5: {  	[sflag:s18] =	ssyncadd.s32 $0xFFFFEC00  }
0xf6: {  	_ =	swait.ge [sflag:s18], $0x1400  }
0xf7: {  	[sflag:s18] =	ssyncset.done $0x0  }
0xf8: {  	[sflag:s18] =	ssyncadd.s32 $0xFFFFEC00  }
0xf9: {  	_ =	swait.ge [sflag:s18], $0x1400  }
0xfa: {  	[sflag:s18] =	ssyncset.done $0x0  }
0xfb: {  	[sflag:s18] =	ssyncadd.s32 $0xFFFFEC00  }
0xfc: {  	_ =	swait.ge [sflag:s19], $0x6400  }
0xfd: {  	[sflag:s19] =	ssyncset.done $0x0  }
0xfe: {  	[sflag:s19] =	ssyncadd.s32 $0xFFFF9C00  }
0xff: {  	_ =	swait.ge [sflag:s19], $0x6400  }
0x100: {  	[sflag:s19] =	ssyncset.done $0x0  }
0x101: {  	s30 =	sadd.s32 $0xC80, s22;
	[sflag:s19] =	ssyncadd.s32 $0xFFFF9C00  }
0x102: {  	[hbm4b:s30+s3] =	stream.linear.scatter [tilespmem:s16], [sflag:$0x4], $0x6400, $0x38;
	[tilespmem:$0x1DE20] =	vst v63  }
0x103: {  	p0 =	sne.s32 s26, $0x9600;
	_ =	swait.ge [sflag:s10], $0x6400  }
.Ltmp0:
0x104: {  	[sflag:s10] =	ssyncset.done $0x0;
	(pc) =	sbr.rel @p0 .LBB2_2-.Ltmp0, $4  }
0x105: {  	s24 =	sadd.s32 $0x640, s26;
	s31 =	sadd.s32 $0xC80, s21;
	[sflag:s10] =	ssyncadd.s32 $0xFFFF9C00  }
0x106: {  	[hbm4b:s31+s3] =	stream.linear.scatter [tilespmem:s17], [sflag:$0x4], $0x6400, $0x38;
	[tilespmem:$0x1DE20] =	vst v63  }
0x107: {  	s23 =	smov.u32 s26;
	s26 =	smov.u32 s24;
	_ =	swait.ge [sflag:s10], $0x6400  }
0x108: {  	s22 =	sadd.s32 $0x1900, s22;
	s21 =	sadd.s32 $0x1900, s21;
	[sflag:s10] =	ssyncset.done $0x0  }
0x109: {  	s23 =	sshra.s32 s23, $0x2;
	[sflag:s10] =	ssyncadd.s32 $0xFFFF9C00  }
0x10a: {  	[tilespmem:s13], [sflag:$0x1] =	stream.indirect.gather [hbm4b:s2+s12], $0x80, s23, s12, $0xb8;
	[tilespmem:$0x1DE20] =	vst v63  }
0x10b: {  	s24 =	sadd.s32 $0x2710, s23  }
0x10c: {  	[tilespmem:s14], [sflag:$0x1] =	stream.indirect.gather [hbm4b:s4+s12], $0x80, s24, s12, $0xb8;
	[tilespmem:$0x1DE20] =	vst v63  }
0x10d: {  	s25 =	rddreg [dreg:$0x3];
	s29 =	sadd.s32 $0x28, s23  }
0x10e: {  	[tilespmem:s25], [sflag:$0x1] =	stream.indirect.gather [hbm4b:s2+s12], $0x80, s29, s12, $0xb8;
	[tilespmem:$0x1DE20] =	vst v63  }
0x10f: {  	s26 =	rddreg [dreg:$0x4];
	s30 =	sadd.s32 $0x2738, s23  }
0x110: {  	[tilespmem:s26], [sflag:$0x1] =	stream.indirect.gather [hbm4b:s4+s12], $0x80, s30, s12, $0xb8;
	[tilespmem:$0x1DE20] =	vst v63  }
0x111: {  	s31 =	rddreg [dreg:$0x5];
	s28 =	sadd.s32 $0x50, s23  }
0x112: {  	[tilespmem:s31], [sflag:$0x1] =	stream.indirect.gather [hbm4b:s2+s12], $0x80, s28, s12, $0xb8;
	[tilespmem:$0x1DE20] =	vst v63  }
0x113: {  	s29 =	rddreg [dreg:$0x6];
	s30 =	sadd.s32 $0x2760, s23  }
0x114: {  	[tilespmem:s29], [sflag:$0x1] =	stream.indirect.gather [hbm4b:s4+s12], $0x80, s30, s12, $0xb8;
	[tilespmem:$0x1DE20] =	vst v63  }
0x115: {  	s31 =	rddreg [dreg:$0x7];
	s28 =	sadd.s32 $0x78, s23  }
0x116: {  	[tilespmem:s31], [sflag:$0x1] =	stream.indirect.gather [hbm4b:s2+s12], $0x80, s28, s12, $0xb8;
	[tilespmem:$0x1DE20] =	vst v63  }
0x117: {  	s29 =	rddreg [dreg:$0x8];
	s30 =	sadd.s32 $0x2788, s23  }
0x118: {  	[tilespmem:s29], [sflag:$0x1] =	stream.indirect.gather [hbm4b:s4+s12], $0x80, s30, s12, $0xb8;
	[tilespmem:$0x1DE20] =	vst v63  }
0x119: {  	s31 =	rddreg [dreg:$0x9];
	s28 =	sadd.s32 $0xA0, s23  }
0x11a: {  	[tilespmem:s31], [sflag:$0x1] =	stream.indirect.gather [hbm4b:s2+s12], $0x80, s28, s12, $0xb8;
	[tilespmem:$0x1DE20] =	vst v63  }
0x11b: {  	s29 =	rddreg [dreg:$0xa];
	s30 =	sadd.s32 $0x27B0, s23  }
0x11c: {  	[tilespmem:s29], [sflag:$0x1] =	stream.indirect.gather [hbm4b:s4+s12], $0x80, s30, s12, $0xb8;
	[tilespmem:$0x1DE20] =	vst v63  }
0x11d: {  	_ =	swait.ge [sflag:s15], $0x1400  }
0x11e: {  	[sflag:s15] =	ssyncset.done $0x0  }
0x11f: {  	[sflag:s15] =	ssyncadd.s32 $0xFFFFEC00  }
0x120: {  	_ =	swait.ge [sflag:s15], $0x1400  }
0x121: {  	[sflag:s15] =	ssyncset.done $0x0  }
0x122: {  	[sflag:s15] =	ssyncadd.s32 $0xFFFFEC00  }
0x123: {  	_ =	swait.ge [sflag:s15], $0x1400  }
0x124: {  	[sflag:s15] =	ssyncset.done $0x0  }
0x125: {  	[sflag:s15] =	ssyncadd.s32 $0xFFFFEC00  }
0x126: {  	_ =	swait.ge [sflag:s15], $0x1400  }
0x127: {  	[sflag:s15] =	ssyncset.done $0x0  }
0x128: {  	[sflag:s15] =	ssyncadd.s32 $0xFFFFEC00  }
0x129: {  	_ =	swait.ge [sflag:s15], $0x1400  }
0x12a: {  	[sflag:s15] =	ssyncset.done $0x0  }
0x12b: {  	[sflag:s15] =	ssyncadd.s32 $0xFFFFEC00  }
0x12c: {  	_ =	swait.ge [sflag:s15], $0x1400  }
0x12d: {  	[sflag:s15] =	ssyncset.done $0x0  }
0x12e: {  	[sflag:s15] =	ssyncadd.s32 $0xFFFFEC00  }
0x12f: {  	_ =	swait.ge [sflag:s15], $0x1400  }
0x130: {  	[sflag:s15] =	ssyncset.done $0x0  }
0x131: {  	[sflag:s15] =	ssyncadd.s32 $0xFFFFEC00  }
0x132: {  	_ =	swait.ge [sflag:s15], $0x1400  }
0x133: {  	[sflag:s15] =	ssyncset.done $0x0  }
0x134: {  	[sflag:s15] =	ssyncadd.s32 $0xFFFFEC00  }
0x135: {  	_ =	swait.ge [sflag:s15], $0x1400  }
0x136: {  	[sflag:s15] =	ssyncset.done $0x0  }
0x137: {  	[sflag:s15] =	ssyncadd.s32 $0xFFFFEC00  }
0x138: {  	_ =	swait.ge [sflag:s15], $0x1400  }
0x139: {  	[sflag:s15] =	ssyncset.done $0x0  }
0x13a: {  	[sflag:s15] =	ssyncadd.s32 $0xFFFFEC00  }
0x13b: {  	[hbm4b:s22+s3] =	stream.linear.scatter [tilespmem:s13], [sflag:$0x3], $0x6400, $0x38;
	[tilespmem:$0x1DE20] =	vst v63  }
0x13c: {  	_ = 	snop  }
0x13d: {  	[hbm4b:s21+s3] =	stream.linear.scatter [tilespmem:s14], [sflag:$0x3], $0x6400, $0x38;
	[tilespmem:$0x1DE20] =	vst v63  }
0x13e: {  	s31 =	sadd.s32 $0xC8, s23  }
0x13f: {  	[tilespmem:s16], [sflag:$0x2] =	stream.indirect.gather [hbm4b:s2+s12], $0x80, s31, s12, $0xb8;
	[tilespmem:$0x1DE20] =	vst v63  }
0x140: {  	s25 =	sadd.s32 $0x27D8, s23  }
0x141: {  	[tilespmem:s17], [sflag:$0x2] =	stream.indirect.gather [hbm4b:s4+s12], $0x80, s25, s12, $0xb8;
	[tilespmem:$0x1DE20] =	vst v63  }
0x142: {  	s28 =	sadd.s32 $0xF0, s23;
	s26 =	rddreg [dreg:$0xb]  }
0x143: {  	[tilespmem:s26], [sflag:$0x2] =	stream.indirect.gather [hbm4b:s2+s12], $0x80, s28, s12, $0xb8;
	[tilespmem:$0x1DE20] =	vst v63  }
0x144: {  	s30 =	sadd.s32 $0x2800, s23;
	s29 =	rddreg [dreg:$0xc]  }
0x145: {  	[tilespmem:s29], [sflag:$0x2] =	stream.indirect.gather [hbm4b:s4+s12], $0x80, s30, s12, $0xb8;
	[tilespmem:$0x1DE20] =	vst v63  }
0x146: {  	s31 =	rddreg [dreg:$0xd];
	s28 =	sadd.s32 $0x118, s23  }
0x147: {  	[tilespmem:s31], [sflag:$0x2] =	stream.indirect.gather [hbm4b:s2+s12], $0x80, s28, s12, $0xb8;
	[tilespmem:$0x1DE20] =	vst v63  }
0x148: {  	s29 =	rddreg [dreg:$0xe];
	s30 =	sadd.s32 $0x2828, s23  }
0x149: {  	[tilespmem:s29], [sflag:$0x2] =	stream.indirect.gather [hbm4b:s4+s12], $0x80, s30, s12, $0xb8;
	[tilespmem:$0x1DE20] =	vst v63  }
0x14a: {  	s31 =	rddreg [dreg:$0xf];
	s28 =	sadd.s32 $0x140, s23  }
0x14b: {  	[tilespmem:s31], [sflag:$0x2] =	stream.indirect.gather [hbm4b:s2+s12], $0x80, s28, s12, $0xb8;
	[tilespmem:$0x1DE20] =	vst v63  }
0x14c: {  	s29 =	rddreg [dreg:$0x10];
	s30 =	sadd.s32 $0x2850, s23  }
0x14d: {  	[tilespmem:s29], [sflag:$0x2] =	stream.indirect.gather [hbm4b:s4+s12], $0x80, s30, s12, $0xb8;
	[tilespmem:$0x1DE20] =	vst v63  }
0x14e: {  	s31 =	rddreg [dreg:$0x11];
	s28 =	sadd.s32 $0x168, s23  }
0x14f: {  	[tilespmem:s31], [sflag:$0x2] =	stream.indirect.gather [hbm4b:s2+s12], $0x80, s28, s12, $0xb8;
	[tilespmem:$0x1DE20] =	vst v63  }
0x150: {  	s23 =	sadd.s32 $0x2878, s23;
	s29 =	rddreg [dreg:$0x12]  }
0x151: {  	[tilespmem:s29], [sflag:$0x2] =	stream.indirect.gather [hbm4b:s4+s12], $0x80, s23, s12, $0xb8;
	[tilespmem:$0x1DE20] =	vst v63  }
0x152: {  	_ =	swait.ge [sflag:s18], $0x1400  }
0x153: {  	[sflag:s18] =	ssyncset.done $0x0  }
0x154: {  	[sflag:s18] =	ssyncadd.s32 $0xFFFFEC00  }
0x155: {  	_ =	swait.ge [sflag:s18], $0x1400  }
0x156: {  	[sflag:s18] =	ssyncset.done $0x0  }
0x157: {  	[sflag:s18] =	ssyncadd.s32 $0xFFFFEC00  }
0x158: {  	_ =	swait.ge [sflag:s18], $0x1400  }
0x159: {  	[sflag:s18] =	ssyncset.done $0x0  }
0x15a: {  	[sflag:s18] =	ssyncadd.s32 $0xFFFFEC00  }
0x15b: {  	_ =	swait.ge [sflag:s18], $0x1400  }
0x15c: {  	[sflag:s18] =	ssyncset.done $0x0  }
0x15d: {  	[sflag:s18] =	ssyncadd.s32 $0xFFFFEC00  }
0x15e: {  	_ =	swait.ge [sflag:s18], $0x1400  }
0x15f: {  	[sflag:s18] =	ssyncset.done $0x0  }
0x160: {  	[sflag:s18] =	ssyncadd.s32 $0xFFFFEC00  }
0x161: {  	_ =	swait.ge [sflag:s18], $0x1400  }
0x162: {  	[sflag:s18] =	ssyncset.done $0x0  }
0x163: {  	[sflag:s18] =	ssyncadd.s32 $0xFFFFEC00  }
0x164: {  	_ =	swait.ge [sflag:s18], $0x1400  }
0x165: {  	[sflag:s18] =	ssyncset.done $0x0  }
0x166: {  	[sflag:s18] =	ssyncadd.s32 $0xFFFFEC00  }
0x167: {  	_ =	swait.ge [sflag:s18], $0x1400  }
0x168: {  	[sflag:s18] =	ssyncset.done $0x0  }
0x169: {  	[sflag:s18] =	ssyncadd.s32 $0xFFFFEC00  }
0x16a: {  	_ =	swait.ge [sflag:s18], $0x1400  }
0x16b: {  	[sflag:s18] =	ssyncset.done $0x0  }
0x16c: {  	[sflag:s18] =	ssyncadd.s32 $0xFFFFEC00  }
0x16d: {  	_ =	swait.ge [sflag:s18], $0x1400  }
0x16e: {  	[sflag:s18] =	ssyncset.done $0x0  }
0x16f: {  	[sflag:s18] =	ssyncadd.s32 $0xFFFFEC00  }
0x170: {  	_ =	swait.ge [sflag:s19], $0x6400  }
0x171: {  	[sflag:s19] =	ssyncset.done $0x0  }
0x172: {  	[sflag:s19] =	ssyncadd.s32 $0xFFFF9C00  }
0x173: {  	_ =	swait.ge [sflag:s19], $0x6400  }
0x174: {  	[sflag:s19] =	ssyncset.done $0x0  }
0x175: {  	s30 =	sadd.s32 $0xC80, s22;
	[sflag:s19] =	ssyncadd.s32 $0xFFFF9C00  }
0x176: {  	[hbm4b:s30+s3] =	stream.linear.scatter [tilespmem:s16], [sflag:$0x4], $0x6400, $0x38;
	[tilespmem:$0x1DE20] =	vst v63  }
0x177: {  	s20 =	sadd.s32 $0x1, s20;
	_ =	swait.ge [sflag:s10], $0x6400  }
0x178: {  	p0 =	sne.s32 s20, s7;
	[sflag:s10] =	ssyncset.done $0x0  }
.Ltmp1:
0x179: {  	s31 =	sadd.s32 $0xC80, s21;
	[sflag:s10] =	ssyncadd.s32 $0xFFFF9C00;
	(pc) =	sbr.rel @p0 .LBB2_1-.Ltmp1, $4  }
0x17a: {  	[hbm4b:s31+s3] =	stream.linear.scatter [tilespmem:s17], [sflag:$0x4], $0x6400, $0x38;
	[tilespmem:$0x1DE20] =	vst v63  }
0x17b: {  	_ =	swait.ge [sflag:s10], $0x6400  }
0x17c: {  	[sflag:s10] =	ssyncset.done $0x0  }
0x17d: {  	[sflag:s10] =	ssyncadd.s32 $0xFFFF9C00  }
0x17e: {  	_ =	sfence.sel $0x180000  }
0x17f: {  	[bflag:$0x0] =	sbarrier.arrive $0xFFFF  }
0x180: {  	p0 =	sne.s32 s0, $0x0;
	_ =	strace $0x90000047  }
0x181: {  	s0 =	sadd.s32 @!p0 $0x100000, s1;
	[bflag:$0x2] =	sbarrier.arrive $0xFFFF  }
0x182: {  	[sflag:s0] =	ssyncadd.tile.s32 @!p0 $0x1;
	_ =	shalt  }
.Lfunc_end2:
_tile_overlayer_lowered:
.L_overlay_start_2:
0x183: {  	(tag) =	ssettag $0x2  }
0x184: {  	s0 =	rddreg [dreg:$0x0];
	s2 =	stileid.u32  }
0x185: {  	s1 =	rddreg [dreg:$0x1];
	p0 =	sne.s32 s2, $0x0  }
0x186: {  	s3 =	rddreg [dreg:$0x2];
	[bflag:$0x3] =	sbarrier.arrive $0xFFFF;
	s2 =	simm.s32 @!p0 $0x1C04  }
0x187: {  	[timem:s3], [sflag:s2] =	dma.local @!p0 [hbm:s0], s1  }
0x188: {  	s0 =	simm.s32 @!p0 $0x4  }
0x189: {  	_ =	swait.ge @!p0 [sflag:s0], s1  }
0x18a: {  	s1 =	ssub.s32 @!p0 $0x0, s1;
	[sflag:s0] =	ssyncset.done @!p0 $0x0  }
0x18b: {  	[sflag:s0] =	ssyncadd.s32 @!p0 s1  }
0x18c: {  	[bflag:$0x3] =	sbarrier.arrive $0xFFFF  }
0x18d: {  	_ =	shalt  }

</sc_bundles>
